<compile_context>
chip_gen: v7x
topology: tpu7x:2x2x1
jax: 0.10.2.dev20260603
libtpu: 0.0.44.dev20260713+nightly
codegen_flags: <defaults>
</compile_context>

<pallas_src>
import functools
import jax
import jax.numpy as jnp
from jax import lax
from jax.experimental import pallas as pl
from jax.experimental.pallas import tpu as pltpu
from jax.experimental.pallas import tpu_sc as plsc

N = 10000
E = 320000
D = 128
T = 4
TAU = 2.0
V_TH = 1.0

NP = 10240
NC = 2
NS = 16
NW = NC * NS
CHUNK = 100
CPW = E // (NW * CHUNK)
PH = 2
CPP = CPW // PH
ROWS_PW = NP // NS
ZROWS = 80

_mesh = plsc.VectorSubcoreMesh(core_axis_name="c", subcore_axis_name="s")


@functools.partial(
    pl.kernel,
    out_type=jax.ShapeDtypeStruct((NC, NP), jnp.float32),
    mesh=_mesh,
    scratch_types=[
        pltpu.VMEM((CPW, 1, CHUNK), jnp.int32),
        pltpu.VMEM((D,), jnp.float32),
        pltpu.VMEM((ROWS_PW,), jnp.float32),
        pltpu.VMEM_SHARED((NP,), jnp.float32),
        pltpu.SemaphoreType.DMA,
        pltpu.SemaphoreType.DMA,
        pltpu.SemaphoreType.DMA,
        pltpu.SemaphoreType.DMA,
    ],
)
def _deg_kernel(dst_hbm, ones_hbm, zeros_hbm, out_hbm,
                didx_v, ones_v, zb_v, dacc, sem0, sem1, sem2, sem3):
    cid = lax.axis_index("c")
    sid = lax.axis_index("s")
    wid = sid * NC + cid
    pltpu.sync_copy(ones_hbm, ones_v)
    pltpu.sync_copy(zeros_hbm, zb_v)
    pltpu.sync_copy(dst_hbm.at[pl.ds(wid * CPW, CPW)], didx_v)
    pltpu.sync_copy(zb_v, dacc.at[pl.ds(sid * ROWS_PW, ROWS_PW)])
    plsc.subcore_barrier()

    def body(g, carry):
        sems = (sem0, sem1, sem2, sem3)
        ds = [pltpu.async_copy(ones_v.at[pl.ds(0, CHUNK)],
                               dacc.at[didx_v.at[4 * g + q, 0]], sems[q],
                               add=True)
              for q in range(4)]
        for d in ds:
            d.wait()
        return carry

    lax.fori_loop(0, CPW // 4, body, 0)
    plsc.subcore_barrier()
    pltpu.sync_copy(dacc.at[pl.ds(sid * ROWS_PW, ROWS_PW)], zb_v)
    pltpu.sync_copy(zb_v, out_hbm.at[cid, pl.ds(sid * ROWS_PW, ROWS_PW)])


@functools.partial(
    pl.kernel,
    out_type=jax.ShapeDtypeStruct((NC, NP, D), jnp.float32),
    mesh=_mesh,
    scratch_types=[
        pltpu.VMEM((CPP, 1, CHUNK), jnp.int32),
        pltpu.VMEM((CPP, 1, CHUNK), jnp.int32),
        pltpu.VMEM((CHUNK, D), jnp.float32),
        pltpu.VMEM((CHUNK, D), jnp.float32),
        pltpu.VMEM_SHARED((NP, D), jnp.float32),
        pltpu.SemaphoreType.DMA,
        pltpu.SemaphoreType.DMA,
        pltpu.SemaphoreType.DMA,
        pltpu.SemaphoreType.DMA,
    ],
)
def _edge_kernel(h_hbm, src_hbm, dst_hbm, zeros_hbm, out_hbm,
                 sidx_v, didx_v, rows_a, rows_b, acc,
                 sem_ga, sem_gb, sem_sa, sem_sb):
    cid = lax.axis_index("c")
    sid = lax.axis_index("s")
    wid = sid * NC + cid
    row0 = sid * ROWS_PW
    pltpu.sync_copy(zeros_hbm, rows_a)
    for k in range(ROWS_PW // ZROWS):
        pltpu.sync_copy(rows_a.at[pl.ds(0, ZROWS)],
                        acc.at[pl.ds(row0 + k * ZROWS, ZROWS)])
    plsc.subcore_barrier()

    def gather(j, buf, sem):
        return pltpu.async_copy(h_hbm.at[sidx_v.at[j, 0]], buf, sem)

    def scatter(j, buf, sem):
        return pltpu.async_copy(buf, acc.at[didx_v.at[j, 0]], sem, add=True)

    def drain(buf, sem):
        pltpu.make_async_copy(zeros_hbm, buf, sem).wait()

    for ph in range(PH):
        pltpu.sync_copy(src_hbm.at[pl.ds(wid * CPW + ph * CPP, CPP)], sidx_v)
        pltpu.sync_copy(dst_hbm.at[pl.ds(wid * CPW + ph * CPP, CPP)], didx_v)

        gather(0, rows_a, sem_ga).wait()
        scatter(0, rows_a, sem_sa)
        gather(1, rows_b, sem_gb).wait()
        scatter(1, rows_b, sem_sb)
        drain(rows_a, sem_sa)
        gather(2, rows_a, sem_ga)

        def body(g, carry):
            a = 2 * g
            drain(rows_a, sem_ga)
            scatter(a, rows_a, sem_sa)
            drain(rows_b, sem_sb)
            gather(a + 1, rows_b, sem_gb)
            drain(rows_b, sem_gb)
            scatter(a + 1, rows_b, sem_sb)
            drain(rows_a, sem_sa)
            gather(a + 2, rows_a, sem_ga)
            return carry

        lax.fori_loop(1, CPP // 2 - 1, body, 0)
        drain(rows_a, sem_ga)
        scatter(CPP - 2, rows_a, sem_sa)
        drain(rows_b, sem_sb)
        gather(CPP - 1, rows_b, sem_gb).wait()
        scatter(CPP - 1, rows_b, sem_sb)
        drain(rows_a, sem_sa)
        drain(rows_b, sem_sb)

    plsc.subcore_barrier()
    for k in range(ROWS_PW // ZROWS):
        pltpu.sync_copy(acc.at[pl.ds(row0 + k * ZROWS, ZROWS)],
                        out_hbm.at[cid, pl.ds(row0 + k * ZROWS, ZROWS)])


BLK = 1280
GRID = NP // BLK


def _dinv_of(degt_blk):
    deg = degt_blk[:, 0:1] + degt_blk[:, 1:2]
    deg = jnp.maximum(deg, 1.0)
    return lax.rsqrt(deg)


def _k1_body(x_ref, w1_ref, degt_ref, h1p_ref):
    dinv = _dinv_of(degt_ref[...])
    h = jnp.dot(x_ref[...], w1_ref[...], preferred_element_type=jnp.float32)
    h1p_ref[...] = h * dinv


def _k2_body(aggp_ref, degt_ref, b1_ref, w2_ref, h2p_ref):
    dinv = _dinv_of(degt_ref[...])
    s = aggp_ref[0] + aggp_ref[1]
    h1 = jnp.maximum(s * dinv + b1_ref[...], 0.0)
    h2 = jnp.dot(h1, w2_ref[...], preferred_element_type=jnp.float32)
    h2p_ref[...] = h2 * dinv


def _k3_body(aggp_ref, degt_ref, b2_ref, out_ref):
    dinv = _dinv_of(degt_ref[...])
    s = aggp_ref[0] + aggp_ref[1]
    y = s * dinv + b2_ref[...]
    v = jnp.zeros_like(y)
    for t in range(T):
        v = v + (y - v) / TAU
        spike = (v >= V_TH).astype(jnp.float32)
        out_ref[t] = spike
        v = v * (1.0 - spike)


def _tc_k1(x, w1, degt):
    return pl.pallas_call(
        _k1_body,
        grid=(GRID,),
        in_specs=[
            pl.BlockSpec((BLK, D), lambda i: (i, 0)),
            pl.BlockSpec((D, D), lambda i: (0, 0)),
            pl.BlockSpec((BLK, NC), lambda i: (i, 0)),
        ],
        out_specs=pl.BlockSpec((BLK, D), lambda i: (i, 0)),
        out_shape=jax.ShapeDtypeStruct((N, D), jnp.float32),
    )(x, w1, degt)


def _tc_k2(aggp, degt, b1, w2):
    return pl.pallas_call(
        _k2_body,
        grid=(GRID,),
        in_specs=[
            pl.BlockSpec((NC, BLK, D), lambda i: (0, i, 0)),
            pl.BlockSpec((BLK, NC), lambda i: (i, 0)),
            pl.BlockSpec((1, D), lambda i: (0, 0)),
            pl.BlockSpec((D, D), lambda i: (0, 0)),
        ],
        out_specs=pl.BlockSpec((BLK, D), lambda i: (i, 0)),
        out_shape=jax.ShapeDtypeStruct((N, D), jnp.float32),
    )(aggp, degt, b1, w2)


def _tc_k3(aggp, degt, b2):
    return pl.pallas_call(
        _k3_body,
        grid=(GRID,),
        in_specs=[
            pl.BlockSpec((NC, BLK, D), lambda i: (0, i, 0)),
            pl.BlockSpec((BLK, NC), lambda i: (i, 0)),
            pl.BlockSpec((1, D), lambda i: (0, 0)),
        ],
        out_specs=pl.BlockSpec((T, BLK, D), lambda i: (0, i, 0)),
        out_shape=jax.ShapeDtypeStruct((T, N, D), jnp.float32),
    )(aggp, degt, b2)


@jax.jit
def kernel(x, edge_index, W1, b1, W2, b2):
    src = edge_index[0].astype(jnp.int32).reshape(NW * CPW, 1, CHUNK)
    dst = edge_index[1].astype(jnp.int32).reshape(NW * CPW, 1, CHUNK)
    ones_h = jnp.ones((D,), jnp.float32)
    zeros1 = jnp.zeros((ROWS_PW,), jnp.float32)
    zeros2 = jnp.zeros((CHUNK, D), jnp.float32)

    degp = _deg_kernel(dst, ones_h, zeros1)
    degt = jnp.swapaxes(degp, 0, 1)

    h1p = _tc_k1(x, W1, degt)
    agg1p = _edge_kernel(h1p, src, dst, zeros2)
    h2p = _tc_k2(agg1p, degt, b1.reshape(1, D), W2)
    agg2p = _edge_kernel(h2p, src, dst, zeros2)
    out = _tc_k3(agg2p, degt, b2.reshape(1, D))
    return out

# --- scband reference (transcript-rebuilt; emitter-appended) ---
"""Pipeline reference for scband-gnnspike-encoder-27144193311086 (READ-ONLY COPY).

The authoritative reference and input builder live on the scoring server;
editing this copy changes nothing except your own understanding.
"""

import jax, jax.numpy as jnp
import numpy as np

N = 10000
E = 320000
D_IN = 128
D_HID = 128
D_OUT = 128
T = 4
TAU = 2.0
V_TH = 1.0
ALPHA = 2.0


def setup_inputs(seed: int = 0) -> dict:
    key = jax.random.key(seed)
    k1, k2, k3, k4 = jax.random.split(key, 4)
    x = jax.random.normal(k1, (N, D_IN), dtype=jnp.float32)
    edge_index = jax.random.randint(k2, (2, E), 0, N, dtype=jnp.int64)
    W1 = jax.random.normal(k3, (D_IN, D_HID), dtype=jnp.float32) * 0.05
    b1 = jnp.zeros((D_HID,), dtype=jnp.float32)
    W2 = jax.random.normal(k4, (D_HID, D_OUT), dtype=jnp.float32) * 0.05
    b2 = jnp.zeros((D_OUT,), dtype=jnp.float32)
    return {"x": x, "edge_index": edge_index, "W1": W1, "b1": b1, "W2": W2, "b2": b2}


def _gcn_layer(h, src, dst, W, b):
    # degree (clipped to avoid div by zero)
    deg = jnp.zeros((N,), dtype=jnp.float32).at[dst].add(1.0)
    deg = jnp.clip(deg, 1.0)
    norm = jax.lax.rsqrt(deg[src] * deg[dst])
    h = h @ W
    msgs = h[src] * norm[:, None]
    agg = jnp.zeros((N, h.shape[1]), dtype=jnp.float32).at[dst].add(msgs)
    return agg + b


def _gnn(x, edge_index, W1, b1, W2, b2):
    src = edge_index[0]
    dst = edge_index[1]
    h = jax.nn.relu(_gcn_layer(x, src, dst, W1, b1))
    out = _gcn_layer(h, src, dst, W2, b2)
    return out


def _lif_multistep(xt):
    # MultiStepLIFNode, tau=2.0, hard reset to 0, detach_reset=True,
    # ATan surrogate (forward = heaviside)
    Tn = xt.shape[0]
    v = jnp.zeros_like(xt[0])
    spikes = []
    for t in range(Tn):
        v = v + (xt[t] - v) / TAU
        heav = (v >= V_TH).astype(jnp.float32)
        sg = 0.5 + jnp.arctan((jnp.pi / 2.0) * ALPHA * (v - V_TH)) / jnp.pi
        spike = sg + jax.lax.stop_gradient(heav - sg)
        v = v * (1.0 - jax.lax.stop_gradient(spike))
        spikes.append(spike)
    return jnp.stack(spikes, axis=0)


def reference(x, edge_index, W1, b1, W2, b2):
    t_output = []
    for t in range(T):
        xt = _gnn(x, edge_index, W1, b1, W2, b2)
        t_output.append(xt)
    xt = jnp.stack(t_output, axis=0)
    spike_output = _lif_multistep(xt)
    return spike_output

if __name__ == "__main__":
    import jax
    _d = setup_inputs()
    print(jax.jit(kernel)(*tuple(_d.values())))

</pallas_src>

<mosaic_0001>
#map = affine_map<(d0, d1) -> (0, 0)>
#map1 = affine_map<(d0, d1) -> (0, 0, 0)>
module attributes {stable_mosaic.version = 14 : i64} {
  func.func @_edge_kernel(%arg0: i32, %arg1: i32, %arg2: memref<10000x128xf32, #tpu.memory_space<hbm>>, %arg3: memref<3200x1x100xi32, #tpu.memory_space<hbm>>, %arg4: memref<3200x1x100xi32, #tpu.memory_space<hbm>>, %arg5: memref<100x128xf32, #tpu.memory_space<hbm>>, %arg6: memref<2x10240x128xf32, #tpu.memory_space<hbm>>, %arg7: memref<50x1x100xi32, #tpu.memory_space<vmem>>, %arg8: memref<50x1x100xi32, #tpu.memory_space<vmem>>, %arg9: memref<100x128xf32, #tpu.memory_space<vmem>>, %arg10: memref<100x128xf32, #tpu.memory_space<vmem>>, %arg11: memref<10240x128xf32, #tpu.memory_space<vmem_shared>>, %arg12: memref<!tpu.dma_semaphore, #tpu.memory_space<semaphore_mem>>, %arg13: memref<!tpu.dma_semaphore, #tpu.memory_space<semaphore_mem>>, %arg14: memref<!tpu.dma_semaphore, #tpu.memory_space<semaphore_mem>>, %arg15: memref<!tpu.dma_semaphore, #tpu.memory_space<semaphore_mem>>) attributes {dimension_semantics = [#tpu.dimension_semantics<core_parallel>, #tpu.dimension_semantics<subcore_parallel>], iteration_bounds = array<i64: 2, 16>, scalar_prefetch = 0 : i64, scratch_operands = 9 : i64, tpu.core_type = #tpu.core_type<sc_vector_subcore>, window_params = [{transform_indices = #map}, {transform_indices = #map1}, {transform_indices = #map1}, {transform_indices = #map}, {transform_indices = #map1}]} {
    %mul3A = arith.constant 2 : i32
    %mul3A_0 = arith.muli %arg1, %mul3A : i32
    %add3A = arith.addi %mul3A_0, %arg0 : i32
    %mul3A_1 = arith.constant 640 : i32
    %mul3A_2 = arith.muli %arg1, %mul3A_1 : i32
    "tpu.region"() ({
      %run_scoped3A = tpu.sem_alloc : memref<!tpu.dma_semaphore, #tpu.memory_space<semaphore_mem>>
      tpu.enqueue_dma source(%arg5 : memref<100x128xf32, #tpu.memory_space<hbm>>) target(%arg9 : memref<100x128xf32, #tpu.memory_space<vmem>>) target_semaphore(%run_scoped3A : memref<!tpu.dma_semaphore, #tpu.memory_space<semaphore_mem>>)
      tpu.wait_dma2 semaphore(%run_scoped3A : memref<!tpu.dma_semaphore, #tpu.memory_space<semaphore_mem>>) src(%arg5 : memref<100x128xf32, #tpu.memory_space<hbm>>) dst(%arg9 : memref<100x128xf32, #tpu.memory_space<vmem>>)
      tpu.yield
    }) : () -> ()
    %add3A_3 = arith.constant 0 : i32
    %add3A_4 = arith.addi %mul3A_2, %add3A_3 : i32
    "tpu.region"() ({
      %run_scoped3A = tpu.sem_alloc : memref<!tpu.dma_semaphore, #tpu.memory_space<semaphore_mem>>
      %dma_start3A_253 = arith.constant 0 : i32
      %dma_start3A_254 = arith.constant 0 : i32
      %dma_start3A_255 = tpu.memref_slice %arg9[%dma_start3A_253, %dma_start3A_254] : memref<100x128xf32, #tpu.memory_space<vmem>> -> memref<80x128xf32, #tpu.memory_space<vmem>>
      %dma_start3A_256 = arith.constant 0 : i32
      %dma_start3A_257 = tpu.memref_slice %arg11[%add3A_4, %dma_start3A_256] : memref<10240x128xf32, #tpu.memory_space<vmem_shared>> -> memref<80x128xf32, #tpu.memory_space<vmem_shared>>
      %dma_start3A_258 = arith.constant 0 : i32
      %dma_start3A_259 = tpu.memref_slice %arg11[%add3A_4, %dma_start3A_258] : memref<10240x128xf32, #tpu.memory_space<vmem_shared>> -> memref<80x128xf32, #tpu.memory_space<vmem_shared>>
      %dma_start3A_260 = arith.constant 0 : i32
      %dma_start3A_261 = arith.constant 0 : i32
      %dma_start3A_262 = tpu.memref_slice %arg9[%dma_start3A_260, %dma_start3A_261] : memref<100x128xf32, #tpu.memory_space<vmem>> -> memref<80x128xf32, #tpu.memory_space<vmem>>
      tpu.enqueue_dma source(%dma_start3A_262 : memref<80x128xf32, #tpu.memory_space<vmem>>) target(%dma_start3A_259 : memref<80x128xf32, #tpu.memory_space<vmem_shared>>) target_semaphore(%run_scoped3A : memref<!tpu.dma_semaphore, #tpu.memory_space<semaphore_mem>>)
      %dma_wait3A_263 = arith.constant 0 : i32
      %dma_wait3A_264 = arith.constant 0 : i32
      %dma_wait3A_265 = tpu.memref_slice %arg9[%dma_wait3A_263, %dma_wait3A_264] : memref<100x128xf32, #tpu.memory_space<vmem>> -> memref<80x128xf32, #tpu.memory_space<vmem>>
      %dma_wait3A_266 = arith.constant 0 : i32
      %dma_wait3A_267 = tpu.memref_slice %arg11[%add3A_4, %dma_wait3A_266] : memref<10240x128xf32, #tpu.memory_space<vmem_shared>> -> memref<80x128xf32, #tpu.memory_space<vmem_shared>>
      %dma_wait3A_268 = arith.constant 0 : i32
      %dma_wait3A_269 = tpu.memref_slice %arg11[%add3A_4, %dma_wait3A_268] : memref<10240x128xf32, #tpu.memory_space<vmem_shared>> -> memref<80x128xf32, #tpu.memory_space<vmem_shared>>
      %dma_wait3A_270 = arith.constant 0 : i32
      %dma_wait3A_271 = arith.constant 0 : i32
      %dma_wait3A_272 = tpu.memref_slice %arg9[%dma_wait3A_270, %dma_wait3A_271] : memref<100x128xf32, #tpu.memory_space<vmem>> -> memref<80x128xf32, #tpu.memory_space<vmem>>
      tpu.wait_dma2 semaphore(%run_scoped3A : memref<!tpu.dma_semaphore, #tpu.memory_space<semaphore_mem>>) src(%dma_wait3A_272 : memref<80x128xf32, #tpu.memory_space<vmem>>) dst(%dma_wait3A_269 : memref<80x128xf32, #tpu.memory_space<vmem_shared>>)
      tpu.yield
    }) : () -> ()
    %add3A_5 = arith.constant 80 : i32
    %add3A_6 = arith.addi %mul3A_2, %add3A_5 : i32
    "tpu.region"() ({
      %run_scoped3A = tpu.sem_alloc : memref<!tpu.dma_semaphore, #tpu.memory_space<semaphore_mem>>
      %dma_start3A_253 = arith.constant 0 : i32
      %dma_start3A_254 = arith.constant 0 : i32
      %dma_start3A_255 = tpu.memref_slice %arg9[%dma_start3A_253, %dma_start3A_254] : memref<100x128xf32, #tpu.memory_space<vmem>> -> memref<80x128xf32, #tpu.memory_space<vmem>>
      %dma_start3A_256 = arith.constant 0 : i32
      %dma_start3A_257 = tpu.memref_slice %arg11[%add3A_6, %dma_start3A_256] : memref<10240x128xf32, #tpu.memory_space<vmem_shared>> -> memref<80x128xf32, #tpu.memory_space<vmem_shared>>
      %dma_start3A_258 = arith.constant 0 : i32
      %dma_start3A_259 = tpu.memref_slice %arg11[%add3A_6, %dma_start3A_258] : memref<10240x128xf32, #tpu.memory_space<vmem_shared>> -> memref<80x128xf32, #tpu.memory_space<vmem_shared>>
      %dma_start3A_260 = arith.constant 0 : i32
      %dma_start3A_261 = arith.constant 0 : i32
      %dma_start3A_262 = tpu.memref_slice %arg9[%dma_start3A_260, %dma_start3A_261] : memref<100x128xf32, #tpu.memory_space<vmem>> -> memref<80x128xf32, #tpu.memory_space<vmem>>
      tpu.enqueue_dma source(%dma_start3A_262 : memref<80x128xf32, #tpu.memory_space<vmem>>) target(%dma_start3A_259 : memref<80x128xf32, #tpu.memory_space<vmem_shared>>) target_semaphore(%run_scoped3A : memref<!tpu.dma_semaphore, #tpu.memory_space<semaphore_mem>>)
      %dma_wait3A_263 = arith.constant 0 : i32
      %dma_wait3A_264 = arith.constant 0 : i32
      %dma_wait3A_265 = tpu.memref_slice %arg9[%dma_wait3A_263, %dma_wait3A_264] : memref<100x128xf32, #tpu.memory_space<vmem>> -> memref<80x128xf32, #tpu.memory_space<vmem>>
      %dma_wait3A_266 = arith.constant 0 : i32
      %dma_wait3A_267 = tpu.memref_slice %arg11[%add3A_6, %dma_wait3A_266] : memref<10240x128xf32, #tpu.memory_space<vmem_shared>> -> memref<80x128xf32, #tpu.memory_space<vmem_shared>>
      %dma_wait3A_268 = arith.constant 0 : i32
      %dma_wait3A_269 = tpu.memref_slice %arg11[%add3A_6, %dma_wait3A_268] : memref<10240x128xf32, #tpu.memory_space<vmem_shared>> -> memref<80x128xf32, #tpu.memory_space<vmem_shared>>
      %dma_wait3A_270 = arith.constant 0 : i32
      %dma_wait3A_271 = arith.constant 0 : i32
      %dma_wait3A_272 = tpu.memref_slice %arg9[%dma_wait3A_270, %dma_wait3A_271] : memref<100x128xf32, #tpu.memory_space<vmem>> -> memref<80x128xf32, #tpu.memory_space<vmem>>
      tpu.wait_dma2 semaphore(%run_scoped3A : memref<!tpu.dma_semaphore, #tpu.memory_space<semaphore_mem>>) src(%dma_wait3A_272 : memref<80x128xf32, #tpu.memory_space<vmem>>) dst(%dma_wait3A_269 : memref<80x128xf32, #tpu.memory_space<vmem_shared>>)
      tpu.yield
    }) : () -> ()
    %add3A_7 = arith.constant 160 : i32
    %add3A_8 = arith.addi %mul3A_2, %add3A_7 : i32
    "tpu.region"() ({
      %run_scoped3A = tpu.sem_alloc : memref<!tpu.dma_semaphore, #tpu.memory_space<semaphore_mem>>
      %dma_start3A_253 = arith.constant 0 : i32
      %dma_start3A_254 = arith.constant 0 : i32
      %dma_start3A_255 = tpu.memref_slice %arg9[%dma_start3A_253, %dma_start3A_254] : memref<100x128xf32, #tpu.memory_space<vmem>> -> memref<80x128xf32, #tpu.memory_space<vmem>>
      %dma_start3A_256 = arith.constant 0 : i32
      %dma_start3A_257 = tpu.memref_slice %arg11[%add3A_8, %dma_start3A_256] : memref<10240x128xf32, #tpu.memory_space<vmem_shared>> -> memref<80x128xf32, #tpu.memory_space<vmem_shared>>
      %dma_start3A_258 = arith.constant 0 : i32
      %dma_start3A_259 = tpu.memref_slice %arg11[%add3A_8, %dma_start3A_258] : memref<10240x128xf32, #tpu.memory_space<vmem_shared>> -> memref<80x128xf32, #tpu.memory_space<vmem_shared>>
      %dma_start3A_260 = arith.constant 0 : i32
      %dma_start3A_261 = arith.constant 0 : i32
      %dma_start3A_262 = tpu.memref_slice %arg9[%dma_start3A_260, %dma_start3A_261] : memref<100x128xf32, #tpu.memory_space<vmem>> -> memref<80x128xf32, #tpu.memory_space<vmem>>
      tpu.enqueue_dma source(%dma_start3A_262 : memref<80x128xf32, #tpu.memory_space<vmem>>) target(%dma_start3A_259 : memref<80x128xf32, #tpu.memory_space<vmem_shared>>) target_semaphore(%run_scoped3A : memref<!tpu.dma_semaphore, #tpu.memory_space<semaphore_mem>>)
      %dma_wait3A_263 = arith.constant 0 : i32
      %dma_wait3A_264 = arith.constant 0 : i32
      %dma_wait3A_265 = tpu.memref_slice %arg9[%dma_wait3A_263, %dma_wait3A_264] : memref<100x128xf32, #tpu.memory_space<vmem>> -> memref<80x128xf32, #tpu.memory_space<vmem>>
      %dma_wait3A_266 = arith.constant 0 : i32
      %dma_wait3A_267 = tpu.memref_slice %arg11[%add3A_8, %dma_wait3A_266] : memref<10240x128xf32, #tpu.memory_space<vmem_shared>> -> memref<80x128xf32, #tpu.memory_space<vmem_shared>>
      %dma_wait3A_268 = arith.constant 0 : i32
      %dma_wait3A_269 = tpu.memref_slice %arg11[%add3A_8, %dma_wait3A_268] : memref<10240x128xf32, #tpu.memory_space<vmem_shared>> -> memref<80x128xf32, #tpu.memory_space<vmem_shared>>
      %dma_wait3A_270 = arith.constant 0 : i32
      %dma_wait3A_271 = arith.constant 0 : i32
      %dma_wait3A_272 = tpu.memref_slice %arg9[%dma_wait3A_270, %dma_wait3A_271] : memref<100x128xf32, #tpu.memory_space<vmem>> -> memref<80x128xf32, #tpu.memory_space<vmem>>
      tpu.wait_dma2 semaphore(%run_scoped3A : memref<!tpu.dma_semaphore, #tpu.memory_space<semaphore_mem>>) src(%dma_wait3A_272 : memref<80x128xf32, #tpu.memory_space<vmem>>) dst(%dma_wait3A_269 : memref<80x128xf32, #tpu.memory_space<vmem_shared>>)
      tpu.yield
    }) : () -> ()
    %add3A_9 = arith.constant 240 : i32
    %add3A_10 = arith.addi %mul3A_2, %add3A_9 : i32
    "tpu.region"() ({
      %run_scoped3A = tpu.sem_alloc : memref<!tpu.dma_semaphore, #tpu.memory_space<semaphore_mem>>
      %dma_start3A_253 = arith.constant 0 : i32
      %dma_start3A_254 = arith.constant 0 : i32
      %dma_start3A_255 = tpu.memref_slice %arg9[%dma_start3A_253, %dma_start3A_254] : memref<100x128xf32, #tpu.memory_space<vmem>> -> memref<80x128xf32, #tpu.memory_space<vmem>>
      %dma_start3A_256 = arith.constant 0 : i32
      %dma_start3A_257 = tpu.memref_slice %arg11[%add3A_10, %dma_start3A_256] : memref<10240x128xf32, #tpu.memory_space<vmem_shared>> -> memref<80x128xf32, #tpu.memory_space<vmem_shared>>
      %dma_start3A_258 = arith.constant 0 : i32
      %dma_start3A_259 = tpu.memref_slice %arg11[%add3A_10, %dma_start3A_258] : memref<10240x128xf32, #tpu.memory_space<vmem_shared>> -> memref<80x128xf32, #tpu.memory_space<vmem_shared>>
      %dma_start3A_260 = arith.constant 0 : i32
      %dma_start3A_261 = arith.constant 0 : i32
      %dma_start3A_262 = tpu.memref_slice %arg9[%dma_start3A_260, %dma_start3A_261] : memref<100x128xf32, #tpu.memory_space<vmem>> -> memref<80x128xf32, #tpu.memory_space<vmem>>
      tpu.enqueue_dma source(%dma_start3A_262 : memref<80x128xf32, #tpu.memory_space<vmem>>) target(%dma_start3A_259 : memref<80x128xf32, #tpu.memory_space<vmem_shared>>) target_semaphore(%run_scoped3A : memref<!tpu.dma_semaphore, #tpu.memory_space<semaphore_mem>>)
      %dma_wait3A_263 = arith.constant 0 : i32
      %dma_wait3A_264 = arith.constant 0 : i32
      %dma_wait3A_265 = tpu.memref_slice %arg9[%dma_wait3A_263, %dma_wait3A_264] : memref<100x128xf32, #tpu.memory_space<vmem>> -> memref<80x128xf32, #tpu.memory_space<vmem>>
      %dma_wait3A_266 = arith.constant 0 : i32
      %dma_wait3A_267 = tpu.memref_slice %arg11[%add3A_10, %dma_wait3A_266] : memref<10240x128xf32, #tpu.memory_space<vmem_shared>> -> memref<80x128xf32, #tpu.memory_space<vmem_shared>>
      %dma_wait3A_268 = arith.constant 0 : i32
      %dma_wait3A_269 = tpu.memref_slice %arg11[%add3A_10, %dma_wait3A_268] : memref<10240x128xf32, #tpu.memory_space<vmem_shared>> -> memref<80x128xf32, #tpu.memory_space<vmem_shared>>
      %dma_wait3A_270 = arith.constant 0 : i32
      %dma_wait3A_271 = arith.constant 0 : i32
      %dma_wait3A_272 = tpu.memref_slice %arg9[%dma_wait3A_270, %dma_wait3A_271] : memref<100x128xf32, #tpu.memory_space<vmem>> -> memref<80x128xf32, #tpu.memory_space<vmem>>
      tpu.wait_dma2 semaphore(%run_scoped3A : memref<!tpu.dma_semaphore, #tpu.memory_space<semaphore_mem>>) src(%dma_wait3A_272 : memref<80x128xf32, #tpu.memory_space<vmem>>) dst(%dma_wait3A_269 : memref<80x128xf32, #tpu.memory_space<vmem_shared>>)
      tpu.yield
    }) : () -> ()
    %add3A_11 = arith.constant 320 : i32
    %add3A_12 = arith.addi %mul3A_2, %add3A_11 : i32
    "tpu.region"() ({
      %run_scoped3A = tpu.sem_alloc : memref<!tpu.dma_semaphore, #tpu.memory_space<semaphore_mem>>
      %dma_start3A_253 = arith.constant 0 : i32
      %dma_start3A_254 = arith.constant 0 : i32
      %dma_start3A_255 = tpu.memref_slice %arg9[%dma_start3A_253, %dma_start3A_254] : memref<100x128xf32, #tpu.memory_space<vmem>> -> memref<80x128xf32, #tpu.memory_space<vmem>>
      %dma_start3A_256 = arith.constant 0 : i32
      %dma_start3A_257 = tpu.memref_slice %arg11[%add3A_12, %dma_start3A_256] : memref<10240x128xf32, #tpu.memory_space<vmem_shared>> -> memref<80x128xf32, #tpu.memory_space<vmem_shared>>
      %dma_start3A_258 = arith.constant 0 : i32
      %dma_start3A_259 = tpu.memref_slice %arg11[%add3A_12, %dma_start3A_258] : memref<10240x128xf32, #tpu.memory_space<vmem_shared>> -> memref<80x128xf32, #tpu.memory_space<vmem_shared>>
      %dma_start3A_260 = arith.constant 0 : i32
      %dma_start3A_261 = arith.constant 0 : i32
      %dma_start3A_262 = tpu.memref_slice %arg9[%dma_start3A_260, %dma_start3A_261] : memref<100x128xf32, #tpu.memory_space<vmem>> -> memref<80x128xf32, #tpu.memory_space<vmem>>
      tpu.enqueue_dma source(%dma_start3A_262 : memref<80x128xf32, #tpu.memory_space<vmem>>) target(%dma_start3A_259 : memref<80x128xf32, #tpu.memory_space<vmem_shared>>) target_semaphore(%run_scoped3A : memref<!tpu.dma_semaphore, #tpu.memory_space<semaphore_mem>>)
      %dma_wait3A_263 = arith.constant 0 : i32
      %dma_wait3A_264 = arith.constant 0 : i32
      %dma_wait3A_265 = tpu.memref_slice %arg9[%dma_wait3A_263, %dma_wait3A_264] : memref<100x128xf32, #tpu.memory_space<vmem>> -> memref<80x128xf32, #tpu.memory_space<vmem>>
      %dma_wait3A_266 = arith.constant 0 : i32
      %dma_wait3A_267 = tpu.memref_slice %arg11[%add3A_12, %dma_wait3A_266] : memref<10240x128xf32, #tpu.memory_space<vmem_shared>> -> memref<80x128xf32, #tpu.memory_space<vmem_shared>>
      %dma_wait3A_268 = arith.constant 0 : i32
      %dma_wait3A_269 = tpu.memref_slice %arg11[%add3A_12, %dma_wait3A_268] : memref<10240x128xf32, #tpu.memory_space<vmem_shared>> -> memref<80x128xf32, #tpu.memory_space<vmem_shared>>
      %dma_wait3A_270 = arith.constant 0 : i32
      %dma_wait3A_271 = arith.constant 0 : i32
      %dma_wait3A_272 = tpu.memref_slice %arg9[%dma_wait3A_270, %dma_wait3A_271] : memref<100x128xf32, #tpu.memory_space<vmem>> -> memref<80x128xf32, #tpu.memory_space<vmem>>
      tpu.wait_dma2 semaphore(%run_scoped3A : memref<!tpu.dma_semaphore, #tpu.memory_space<semaphore_mem>>) src(%dma_wait3A_272 : memref<80x128xf32, #tpu.memory_space<vmem>>) dst(%dma_wait3A_269 : memref<80x128xf32, #tpu.memory_space<vmem_shared>>)
      tpu.yield
    }) : () -> ()
    %add3A_13 = arith.constant 400 : i32
    %add3A_14 = arith.addi %mul3A_2, %add3A_13 : i32
    "tpu.region"() ({
      %run_scoped3A = tpu.sem_alloc : memref<!tpu.dma_semaphore, #tpu.memory_space<semaphore_mem>>
      %dma_start3A_253 = arith.constant 0 : i32
      %dma_start3A_254 = arith.constant 0 : i32
      %dma_start3A_255 = tpu.memref_slice %arg9[%dma_start3A_253, %dma_start3A_254] : memref<100x128xf32, #tpu.memory_space<vmem>> -> memref<80x128xf32, #tpu.memory_space<vmem>>
      %dma_start3A_256 = arith.constant 0 : i32
      %dma_start3A_257 = tpu.memref_slice %arg11[%add3A_14, %dma_start3A_256] : memref<10240x128xf32, #tpu.memory_space<vmem_shared>> -> memref<80x128xf32, #tpu.memory_space<vmem_shared>>
      %dma_start3A_258 = arith.constant 0 : i32
      %dma_start3A_259 = tpu.memref_slice %arg11[%add3A_14, %dma_start3A_258] : memref<10240x128xf32, #tpu.memory_space<vmem_shared>> -> memref<80x128xf32, #tpu.memory_space<vmem_shared>>
      %dma_start3A_260 = arith.constant 0 : i32
      %dma_start3A_261 = arith.constant 0 : i32
      %dma_start3A_262 = tpu.memref_slice %arg9[%dma_start3A_260, %dma_start3A_261] : memref<100x128xf32, #tpu.memory_space<vmem>> -> memref<80x128xf32, #tpu.memory_space<vmem>>
      tpu.enqueue_dma source(%dma_start3A_262 : memref<80x128xf32, #tpu.memory_space<vmem>>) target(%dma_start3A_259 : memref<80x128xf32, #tpu.memory_space<vmem_shared>>) target_semaphore(%run_scoped3A : memref<!tpu.dma_semaphore, #tpu.memory_space<semaphore_mem>>)
      %dma_wait3A_263 = arith.constant 0 : i32
      %dma_wait3A_264 = arith.constant 0 : i32
      %dma_wait3A_265 = tpu.memref_slice %arg9[%dma_wait3A_263, %dma_wait3A_264] : memref<100x128xf32, #tpu.memory_space<vmem>> -> memref<80x128xf32, #tpu.memory_space<vmem>>
      %dma_wait3A_266 = arith.constant 0 : i32
      %dma_wait3A_267 = tpu.memref_slice %arg11[%add3A_14, %dma_wait3A_266] : memref<10240x128xf32, #tpu.memory_space<vmem_shared>> -> memref<80x128xf32, #tpu.memory_space<vmem_shared>>
      %dma_wait3A_268 = arith.constant 0 : i32
      %dma_wait3A_269 = tpu.memref_slice %arg11[%add3A_14, %dma_wait3A_268] : memref<10240x128xf32, #tpu.memory_space<vmem_shared>> -> memref<80x128xf32, #tpu.memory_space<vmem_shared>>
      %dma_wait3A_270 = arith.constant 0 : i32
      %dma_wait3A_271 = arith.constant 0 : i32
      %dma_wait3A_272 = tpu.memref_slice %arg9[%dma_wait3A_270, %dma_wait3A_271] : memref<100x128xf32, #tpu.memory_space<vmem>> -> memref<80x128xf32, #tpu.memory_space<vmem>>
      tpu.wait_dma2 semaphore(%run_scoped3A : memref<!tpu.dma_semaphore, #tpu.memory_space<semaphore_mem>>) src(%dma_wait3A_272 : memref<80x128xf32, #tpu.memory_space<vmem>>) dst(%dma_wait3A_269 : memref<80x128xf32, #tpu.memory_space<vmem_shared>>)
      tpu.yield
    }) : () -> ()
    %add3A_15 = arith.constant 480 : i32
    %add3A_16 = arith.addi %mul3A_2, %add3A_15 : i32
    "tpu.region"() ({
      %run_scoped3A = tpu.sem_alloc : memref<!tpu.dma_semaphore, #tpu.memory_space<semaphore_mem>>
      %dma_start3A_253 = arith.constant 0 : i32
      %dma_start3A_254 = arith.constant 0 : i32
      %dma_start3A_255 = tpu.memref_slice %arg9[%dma_start3A_253, %dma_start3A_254] : memref<100x128xf32, #tpu.memory_space<vmem>> -> memref<80x128xf32, #tpu.memory_space<vmem>>
      %dma_start3A_256 = arith.constant 0 : i32
      %dma_start3A_257 = tpu.memref_slice %arg11[%add3A_16, %dma_start3A_256] : memref<10240x128xf32, #tpu.memory_space<vmem_shared>> -> memref<80x128xf32, #tpu.memory_space<vmem_shared>>
      %dma_start3A_258 = arith.constant 0 : i32
      %dma_start3A_259 = tpu.memref_slice %arg11[%add3A_16, %dma_start3A_258] : memref<10240x128xf32, #tpu.memory_space<vmem_shared>> -> memref<80x128xf32, #tpu.memory_space<vmem_shared>>
      %dma_start3A_260 = arith.constant 0 : i32
      %dma_start3A_261 = arith.constant 0 : i32
      %dma_start3A_262 = tpu.memref_slice %arg9[%dma_start3A_260, %dma_start3A_261] : memref<100x128xf32, #tpu.memory_space<vmem>> -> memref<80x128xf32, #tpu.memory_space<vmem>>
      tpu.enqueue_dma source(%dma_start3A_262 : memref<80x128xf32, #tpu.memory_space<vmem>>) target(%dma_start3A_259 : memref<80x128xf32, #tpu.memory_space<vmem_shared>>) target_semaphore(%run_scoped3A : memref<!tpu.dma_semaphore, #tpu.memory_space<semaphore_mem>>)
      %dma_wait3A_263 = arith.constant 0 : i32
      %dma_wait3A_264 = arith.constant 0 : i32
      %dma_wait3A_265 = tpu.memref_slice %arg9[%dma_wait3A_263, %dma_wait3A_264] : memref<100x128xf32, #tpu.memory_space<vmem>> -> memref<80x128xf32, #tpu.memory_space<vmem>>
      %dma_wait3A_266 = arith.constant 0 : i32
      %dma_wait3A_267 = tpu.memref_slice %arg11[%add3A_16, %dma_wait3A_266] : memref<10240x128xf32, #tpu.memory_space<vmem_shared>> -> memref<80x128xf32, #tpu.memory_space<vmem_shared>>
      %dma_wait3A_268 = arith.constant 0 : i32
      %dma_wait3A_269 = tpu.memref_slice %arg11[%add3A_16, %dma_wait3A_268] : memref<10240x128xf32, #tpu.memory_space<vmem_shared>> -> memref<80x128xf32, #tpu.memory_space<vmem_shared>>
      %dma_wait3A_270 = arith.constant 0 : i32
      %dma_wait3A_271 = arith.constant 0 : i32
      %dma_wait3A_272 = tpu.memref_slice %arg9[%dma_wait3A_270, %dma_wait3A_271] : memref<100x128xf32, #tpu.memory_space<vmem>> -> memref<80x128xf32, #tpu.memory_space<vmem>>
      tpu.wait_dma2 semaphore(%run_scoped3A : memref<!tpu.dma_semaphore, #tpu.memory_space<semaphore_mem>>) src(%dma_wait3A_272 : memref<80x128xf32, #tpu.memory_space<vmem>>) dst(%dma_wait3A_269 : memref<80x128xf32, #tpu.memory_space<vmem_shared>>)
      tpu.yield
    }) : () -> ()
    %add3A_17 = arith.constant 560 : i32
    %add3A_18 = arith.addi %mul3A_2, %add3A_17 : i32
    "tpu.region"() ({
      %run_scoped3A = tpu.sem_alloc : memref<!tpu.dma_semaphore, #tpu.memory_space<semaphore_mem>>
      %dma_start3A_253 = arith.constant 0 : i32
      %dma_start3A_254 = arith.constant 0 : i32
      %dma_start3A_255 = tpu.memref_slice %arg9[%dma_start3A_253, %dma_start3A_254] : memref<100x128xf32, #tpu.memory_space<vmem>> -> memref<80x128xf32, #tpu.memory_space<vmem>>
      %dma_start3A_256 = arith.constant 0 : i32
      %dma_start3A_257 = tpu.memref_slice %arg11[%add3A_18, %dma_start3A_256] : memref<10240x128xf32, #tpu.memory_space<vmem_shared>> -> memref<80x128xf32, #tpu.memory_space<vmem_shared>>
      %dma_start3A_258 = arith.constant 0 : i32
      %dma_start3A_259 = tpu.memref_slice %arg11[%add3A_18, %dma_start3A_258] : memref<10240x128xf32, #tpu.memory_space<vmem_shared>> -> memref<80x128xf32, #tpu.memory_space<vmem_shared>>
      %dma_start3A_260 = arith.constant 0 : i32
      %dma_start3A_261 = arith.constant 0 : i32
      %dma_start3A_262 = tpu.memref_slice %arg9[%dma_start3A_260, %dma_start3A_261] : memref<100x128xf32, #tpu.memory_space<vmem>> -> memref<80x128xf32, #tpu.memory_space<vmem>>
      tpu.enqueue_dma source(%dma_start3A_262 : memref<80x128xf32, #tpu.memory_space<vmem>>) target(%dma_start3A_259 : memref<80x128xf32, #tpu.memory_space<vmem_shared>>) target_semaphore(%run_scoped3A : memref<!tpu.dma_semaphore, #tpu.memory_space<semaphore_mem>>)
      %dma_wait3A_263 = arith.constant 0 : i32
      %dma_wait3A_264 = arith.constant 0 : i32
      %dma_wait3A_265 = tpu.memref_slice %arg9[%dma_wait3A_263, %dma_wait3A_264] : memref<100x128xf32, #tpu.memory_space<vmem>> -> memref<80x128xf32, #tpu.memory_space<vmem>>
      %dma_wait3A_266 = arith.constant 0 : i32
      %dma_wait3A_267 = tpu.memref_slice %arg11[%add3A_18, %dma_wait3A_266] : memref<10240x128xf32, #tpu.memory_space<vmem_shared>> -> memref<80x128xf32, #tpu.memory_space<vmem_shared>>
      %dma_wait3A_268 = arith.constant 0 : i32
      %dma_wait3A_269 = tpu.memref_slice %arg11[%add3A_18, %dma_wait3A_268] : memref<10240x128xf32, #tpu.memory_space<vmem_shared>> -> memref<80x128xf32, #tpu.memory_space<vmem_shared>>
      %dma_wait3A_270 = arith.constant 0 : i32
      %dma_wait3A_271 = arith.constant 0 : i32
      %dma_wait3A_272 = tpu.memref_slice %arg9[%dma_wait3A_270, %dma_wait3A_271] : memref<100x128xf32, #tpu.memory_space<vmem>> -> memref<80x128xf32, #tpu.memory_space<vmem>>
      tpu.wait_dma2 semaphore(%run_scoped3A : memref<!tpu.dma_semaphore, #tpu.memory_space<semaphore_mem>>) src(%dma_wait3A_272 : memref<80x128xf32, #tpu.memory_space<vmem>>) dst(%dma_wait3A_269 : memref<80x128xf32, #tpu.memory_space<vmem_shared>>)
      tpu.yield
    }) : () -> ()
    %barrier3A = arith.constant 0 : index
    tpu.barrier barrier_id(%barrier3A)
    %mul3A_19 = arith.constant 100 : i32
    %mul3A_20 = arith.muli %add3A, %mul3A_19 : i32
    %add3A_21 = arith.constant 0 : i32
    %add3A_22 = arith.addi %mul3A_20, %add3A_21 : i32
    "tpu.region"() ({
      %run_scoped3A = tpu.sem_alloc : memref<!tpu.dma_semaphore, #tpu.memory_space<semaphore_mem>>
      %dma_start3A_253 = arith.constant 0 : i32
      %dma_start3A_254 = arith.constant 0 : i32
      %dma_start3A_255 = tpu.memref_slice %arg3[%add3A_22, %dma_start3A_253, %dma_start3A_254] : memref<3200x1x100xi32, #tpu.memory_space<hbm>> -> memref<50x1x100xi32, #tpu.memory_space<hbm>>
      %dma_start3A_256 = arith.constant 0 : i32
      %dma_start3A_257 = arith.constant 0 : i32
      %dma_start3A_258 = tpu.memref_slice %arg3[%add3A_22, %dma_start3A_256, %dma_start3A_257] : memref<3200x1x100xi32, #tpu.memory_space<hbm>> -> memref<50x1x100xi32, #tpu.memory_space<hbm>>
      tpu.enqueue_dma source(%dma_start3A_258 : memref<50x1x100xi32, #tpu.memory_space<hbm>>) target(%arg7 : memref<50x1x100xi32, #tpu.memory_space<vmem>>) target_semaphore(%run_scoped3A : memref<!tpu.dma_semaphore, #tpu.memory_space<semaphore_mem>>)
      %dma_wait3A_259 = arith.constant 0 : i32
      %dma_wait3A_260 = arith.constant 0 : i32
      %dma_wait3A_261 = tpu.memref_slice %arg3[%add3A_22, %dma_wait3A_259, %dma_wait3A_260] : memref<3200x1x100xi32, #tpu.memory_space<hbm>> -> memref<50x1x100xi32, #tpu.memory_space<hbm>>
      %dma_wait3A_262 = arith.constant 0 : i32
      %dma_wait3A_263 = arith.constant 0 : i32
      %dma_wait3A_264 = tpu.memref_slice %arg3[%add3A_22, %dma_wait3A_262, %dma_wait3A_263] : memref<3200x1x100xi32, #tpu.memory_space<hbm>> -> memref<50x1x100xi32, #tpu.memory_space<hbm>>
      tpu.wait_dma2 semaphore(%run_scoped3A : memref<!tpu.dma_semaphore, #tpu.memory_space<semaphore_mem>>) src(%dma_wait3A_264 : memref<50x1x100xi32, #tpu.memory_space<hbm>>) dst(%arg7 : memref<50x1x100xi32, #tpu.memory_space<vmem>>)
      tpu.yield
    }) : () -> ()
    %mul3A_23 = arith.constant 100 : i32
    %mul3A_24 = arith.muli %add3A, %mul3A_23 : i32
    %add3A_25 = arith.constant 0 : i32
    %add3A_26 = arith.addi %mul3A_24, %add3A_25 : i32
    "tpu.region"() ({
      %run_scoped3A = tpu.sem_alloc : memref<!tpu.dma_semaphore, #tpu.memory_space<semaphore_mem>>
      %dma_start3A_253 = arith.constant 0 : i32
      %dma_start3A_254 = arith.constant 0 : i32
      %dma_start3A_255 = tpu.memref_slice %arg4[%add3A_26, %dma_start3A_253, %dma_start3A_254] : memref<3200x1x100xi32, #tpu.memory_space<hbm>> -> memref<50x1x100xi32, #tpu.memory_space<hbm>>
      %dma_start3A_256 = arith.constant 0 : i32
      %dma_start3A_257 = arith.constant 0 : i32
      %dma_start3A_258 = tpu.memref_slice %arg4[%add3A_26, %dma_start3A_256, %dma_start3A_257] : memref<3200x1x100xi32, #tpu.memory_space<hbm>> -> memref<50x1x100xi32, #tpu.memory_space<hbm>>
      tpu.enqueue_dma source(%dma_start3A_258 : memref<50x1x100xi32, #tpu.memory_space<hbm>>) target(%arg8 : memref<50x1x100xi32, #tpu.memory_space<vmem>>) target_semaphore(%run_scoped3A : memref<!tpu.dma_semaphore, #tpu.memory_space<semaphore_mem>>)
      %dma_wait3A_259 = arith.constant 0 : i32
      %dma_wait3A_260 = arith.constant 0 : i32
      %dma_wait3A_261 = tpu.memref_slice %arg4[%add3A_26, %dma_wait3A_259, %dma_wait3A_260] : memref<3200x1x100xi32, #tpu.memory_space<hbm>> -> memref<50x1x100xi32, #tpu.memory_space<hbm>>
      %dma_wait3A_262 = arith.constant 0 : i32
      %dma_wait3A_263 = arith.constant 0 : i32
      %dma_wait3A_264 = tpu.memref_slice %arg4[%add3A_26, %dma_wait3A_262, %dma_wait3A_263] : memref<3200x1x100xi32, #tpu.memory_space<hbm>> -> memref<50x1x100xi32, #tpu.memory_space<hbm>>
      tpu.wait_dma2 semaphore(%run_scoped3A : memref<!tpu.dma_semaphore, #tpu.memory_space<semaphore_mem>>) src(%dma_wait3A_264 : memref<50x1x100xi32, #tpu.memory_space<hbm>>) dst(%arg8 : memref<50x1x100xi32, #tpu.memory_space<vmem>>)
      tpu.yield
    }) : () -> ()
    %dma_start3A = arith.constant 0 : i32
    %dma_start3A_27 = arith.constant 0 : i32
    %dma_start3A_28 = arith.constant 0 : i32
    %dma_start3A_29 = tpu.memref_slice %arg7[%dma_start3A, %dma_start3A_27, %dma_start3A_28] : memref<50x1x100xi32, #tpu.memory_space<vmem>> -> memref<1x1x100xi32, #tpu.memory_space<vmem>>
    %dma_start3A_30 = tpu.memref_squeeze %dma_start3A_29 : memref<1x1x100xi32, #tpu.memory_space<vmem>> -> memref<100xi32, #tpu.memory_space<vmem>>
    %dma_start3A_31 = arith.constant 0 : i32
    %dma_start3A_32 = arith.constant 0 : i32
    %dma_start3A_33 = tpu.memref_slice %arg2[%dma_start3A_31, %dma_start3A_32] : memref<10000x128xf32, #tpu.memory_space<hbm>> -> memref<10000x128xf32, #tpu.memory_space<hbm>>
    tpu.enqueue_indirect_dma source(%dma_start3A_33 : memref<10000x128xf32, #tpu.memory_space<hbm>>) target(%arg9 : memref<100x128xf32, #tpu.memory_space<vmem>>) offsets(%dma_start3A_30 : memref<100xi32, #tpu.memory_space<vmem>>) semaphore(%arg12 : memref<!tpu.dma_semaphore, #tpu.memory_space<semaphore_mem>>)
    %dma_wait3A = arith.constant 0 : i32
    %dma_wait3A_34 = arith.constant 0 : i32
    %dma_wait3A_35 = arith.constant 0 : i32
    %dma_wait3A_36 = tpu.memref_slice %arg7[%dma_wait3A, %dma_wait3A_34, %dma_wait3A_35] : memref<50x1x100xi32, #tpu.memory_space<vmem>> -> memref<1x1x100xi32, #tpu.memory_space<vmem>>
    %dma_wait3A_37 = tpu.memref_squeeze %dma_wait3A_36 : memref<1x1x100xi32, #tpu.memory_space<vmem>> -> memref<100xi32, #tpu.memory_space<vmem>>
    %dma_wait3A_38 = arith.constant 0 : i32
    %dma_wait3A_39 = arith.constant 0 : i32
    %dma_wait3A_40 = tpu.memref_slice %arg2[%dma_wait3A_38, %dma_wait3A_39] : memref<10000x128xf32, #tpu.memory_space<hbm>> -> memref<10000x128xf32, #tpu.memory_space<hbm>>
    tpu.wait_indirect_dma semaphore(%arg12 : memref<!tpu.dma_semaphore, #tpu.memory_space<semaphore_mem>>) src(%dma_wait3A_40 : memref<10000x128xf32, #tpu.memory_space<hbm>>) dst(%arg9 : memref<100x128xf32, #tpu.memory_space<vmem>>)
    %dma_start3A_41 = arith.constant 0 : i32
    %dma_start3A_42 = arith.constant 0 : i32
    %dma_start3A_43 = arith.constant 0 : i32
    %dma_start3A_44 = tpu.memref_slice %arg8[%dma_start3A_41, %dma_start3A_42, %dma_start3A_43] : memref<50x1x100xi32, #tpu.memory_space<vmem>> -> memref<1x1x100xi32, #tpu.memory_space<vmem>>
    %dma_start3A_45 = tpu.memref_squeeze %dma_start3A_44 : memref<1x1x100xi32, #tpu.memory_space<vmem>> -> memref<100xi32, #tpu.memory_space<vmem>>
    %dma_start3A_46 = arith.constant 0 : i32
    %dma_start3A_47 = arith.constant 0 : i32
    %dma_start3A_48 = tpu.memref_slice %arg11[%dma_start3A_46, %dma_start3A_47] : memref<10240x128xf32, #tpu.memory_space<vmem_shared>> -> memref<10240x128xf32, #tpu.memory_space<vmem_shared>>
    tpu.enqueue_indirect_dma source(%arg9 : memref<100x128xf32, #tpu.memory_space<vmem>>) target(%dma_start3A_48 : memref<10240x128xf32, #tpu.memory_space<vmem_shared>>) offsets(%dma_start3A_45 : memref<100xi32, #tpu.memory_space<vmem>>) semaphore(%arg14 : memref<!tpu.dma_semaphore, #tpu.memory_space<semaphore_mem>>) {add = true}
    %dma_start3A_49 = arith.constant 1 : i32
    %dma_start3A_50 = arith.constant 0 : i32
    %dma_start3A_51 = arith.constant 0 : i32
    %dma_start3A_52 = tpu.memref_slice %arg7[%dma_start3A_49, %dma_start3A_50, %dma_start3A_51] : memref<50x1x100xi32, #tpu.memory_space<vmem>> -> memref<1x1x100xi32, #tpu.memory_space<vmem>>
    %dma_start3A_53 = tpu.memref_squeeze %dma_start3A_52 : memref<1x1x100xi32, #tpu.memory_space<vmem>> -> memref<100xi32, #tpu.memory_space<vmem>>
    %dma_start3A_54 = arith.constant 0 : i32
    %dma_start3A_55 = arith.constant 0 : i32
    %dma_start3A_56 = tpu.memref_slice %arg2[%dma_start3A_54, %dma_start3A_55] : memref<10000x128xf32, #tpu.memory_space<hbm>> -> memref<10000x128xf32, #tpu.memory_space<hbm>>
    tpu.enqueue_indirect_dma source(%dma_start3A_56 : memref<10000x128xf32, #tpu.memory_space<hbm>>) target(%arg10 : memref<100x128xf32, #tpu.memory_space<vmem>>) offsets(%dma_start3A_53 : memref<100xi32, #tpu.memory_space<vmem>>) semaphore(%arg13 : memref<!tpu.dma_semaphore, #tpu.memory_space<semaphore_mem>>)
    %dma_wait3A_57 = arith.constant 1 : i32
    %dma_wait3A_58 = arith.constant 0 : i32
    %dma_wait3A_59 = arith.constant 0 : i32
    %dma_wait3A_60 = tpu.memref_slice %arg7[%dma_wait3A_57, %dma_wait3A_58, %dma_wait3A_59] : memref<50x1x100xi32, #tpu.memory_space<vmem>> -> memref<1x1x100xi32, #tpu.memory_space<vmem>>
    %dma_wait3A_61 = tpu.memref_squeeze %dma_wait3A_60 : memref<1x1x100xi32, #tpu.memory_space<vmem>> -> memref<100xi32, #tpu.memory_space<vmem>>
    %dma_wait3A_62 = arith.constant 0 : i32
    %dma_wait3A_63 = arith.constant 0 : i32
    %dma_wait3A_64 = tpu.memref_slice %arg2[%dma_wait3A_62, %dma_wait3A_63] : memref<10000x128xf32, #tpu.memory_space<hbm>> -> memref<10000x128xf32, #tpu.memory_space<hbm>>
    tpu.wait_indirect_dma semaphore(%arg13 : memref<!tpu.dma_semaphore, #tpu.memory_space<semaphore_mem>>) src(%dma_wait3A_64 : memref<10000x128xf32, #tpu.memory_space<hbm>>) dst(%arg10 : memref<100x128xf32, #tpu.memory_space<vmem>>)
    %dma_start3A_65 = arith.constant 1 : i32
    %dma_start3A_66 = arith.constant 0 : i32
    %dma_start3A_67 = arith.constant 0 : i32
    %dma_start3A_68 = tpu.memref_slice %arg8[%dma_start3A_65, %dma_start3A_66, %dma_start3A_67] : memref<50x1x100xi32, #tpu.memory_space<vmem>> -> memref<1x1x100xi32, #tpu.memory_space<vmem>>
    %dma_start3A_69 = tpu.memref_squeeze %dma_start3A_68 : memref<1x1x100xi32, #tpu.memory_space<vmem>> -> memref<100xi32, #tpu.memory_space<vmem>>
    %dma_start3A_70 = arith.constant 0 : i32
    %dma_start3A_71 = arith.constant 0 : i32
    %dma_start3A_72 = tpu.memref_slice %arg11[%dma_start3A_70, %dma_start3A_71] : memref<10240x128xf32, #tpu.memory_space<vmem_shared>> -> memref<10240x128xf32, #tpu.memory_space<vmem_shared>>
    tpu.enqueue_indirect_dma source(%arg10 : memref<100x128xf32, #tpu.memory_space<vmem>>) target(%dma_start3A_72 : memref<10240x128xf32, #tpu.memory_space<vmem_shared>>) offsets(%dma_start3A_69 : memref<100xi32, #tpu.memory_space<vmem>>) semaphore(%arg15 : memref<!tpu.dma_semaphore, #tpu.memory_space<semaphore_mem>>) {add = true}
    tpu.wait_dma2 semaphore(%arg14 : memref<!tpu.dma_semaphore, #tpu.memory_space<semaphore_mem>>) src(%arg5 : memref<100x128xf32, #tpu.memory_space<hbm>>) dst(%arg9 : memref<100x128xf32, #tpu.memory_space<vmem>>)
    %dma_start3A_73 = arith.constant 2 : i32
    %dma_start3A_74 = arith.constant 0 : i32
    %dma_start3A_75 = arith.constant 0 : i32
    %dma_start3A_76 = tpu.memref_slice %arg7[%dma_start3A_73, %dma_start3A_74, %dma_start3A_75] : memref<50x1x100xi32, #tpu.memory_space<vmem>> -> memref<1x1x100xi32, #tpu.memory_space<vmem>>
    %dma_start3A_77 = tpu.memref_squeeze %dma_start3A_76 : memref<1x1x100xi32, #tpu.memory_space<vmem>> -> memref<100xi32, #tpu.memory_space<vmem>>
    %dma_start3A_78 = arith.constant 0 : i32
    %dma_start3A_79 = arith.constant 0 : i32
    %dma_start3A_80 = tpu.memref_slice %arg2[%dma_start3A_78, %dma_start3A_79] : memref<10000x128xf32, #tpu.memory_space<hbm>> -> memref<10000x128xf32, #tpu.memory_space<hbm>>
    tpu.enqueue_indirect_dma source(%dma_start3A_80 : memref<10000x128xf32, #tpu.memory_space<hbm>>) target(%arg9 : memref<100x128xf32, #tpu.memory_space<vmem>>) offsets(%dma_start3A_77 : memref<100xi32, #tpu.memory_space<vmem>>) semaphore(%arg12 : memref<!tpu.dma_semaphore, #tpu.memory_space<semaphore_mem>>)
    %scan3A = arith.constant 0 : i32
    %scan3A_81 = arith.constant 1 : i32
    %scan3A_82 = arith.constant 23 : i32
    %scan3A_83 = arith.addi %scan3A_81, %scan3A_82 : i32
    %scan3A_84 = arith.constant 1 : i32
    scf.for %scan3A_253 = %scan3A_81 to %scan3A_83 step %scan3A_84  : i32 {
      %mul3A_254 = arith.constant 2 : i32
      %mul3A_255 = arith.muli %mul3A_254, %scan3A_253 : i32
      tpu.wait_dma2 semaphore(%arg12 : memref<!tpu.dma_semaphore, #tpu.memory_space<semaphore_mem>>) src(%arg5 : memref<100x128xf32, #tpu.memory_space<hbm>>) dst(%arg9 : memref<100x128xf32, #tpu.memory_space<vmem>>)
      %dma_start3A_256 = arith.constant 0 : i32
      %dma_start3A_257 = arith.constant 0 : i32
      %dma_start3A_258 = tpu.memref_slice %arg8[%mul3A_255, %dma_start3A_256, %dma_start3A_257] : memref<50x1x100xi32, #tpu.memory_space<vmem>> -> memref<1x1x100xi32, #tpu.memory_space<vmem>>
      %dma_start3A_259 = tpu.memref_squeeze %dma_start3A_258 : memref<1x1x100xi32, #tpu.memory_space<vmem>> -> memref<100xi32, #tpu.memory_space<vmem>>
      %dma_start3A_260 = arith.constant 0 : i32
      %dma_start3A_261 = arith.constant 0 : i32
      %dma_start3A_262 = tpu.memref_slice %arg11[%dma_start3A_260, %dma_start3A_261] : memref<10240x128xf32, #tpu.memory_space<vmem_shared>> -> memref<10240x128xf32, #tpu.memory_space<vmem_shared>>
      tpu.enqueue_indirect_dma source(%arg9 : memref<100x128xf32, #tpu.memory_space<vmem>>) target(%dma_start3A_262 : memref<10240x128xf32, #tpu.memory_space<vmem_shared>>) offsets(%dma_start3A_259 : memref<100xi32, #tpu.memory_space<vmem>>) semaphore(%arg14 : memref<!tpu.dma_semaphore, #tpu.memory_space<semaphore_mem>>) {add = true}
      tpu.wait_dma2 semaphore(%arg15 : memref<!tpu.dma_semaphore, #tpu.memory_space<semaphore_mem>>) src(%arg5 : memref<100x128xf32, #tpu.memory_space<hbm>>) dst(%arg10 : memref<100x128xf32, #tpu.memory_space<vmem>>)
      %add3A_263 = arith.constant 1 : i32
      %add3A_264 = arith.addi %mul3A_255, %add3A_263 : i32
      %dma_start3A_265 = arith.constant 0 : i32
      %dma_start3A_266 = arith.constant 0 : i32
      %dma_start3A_267 = tpu.memref_slice %arg7[%add3A_264, %dma_start3A_265, %dma_start3A_266] : memref<50x1x100xi32, #tpu.memory_space<vmem>> -> memref<1x1x100xi32, #tpu.memory_space<vmem>>
      %dma_start3A_268 = tpu.memref_squeeze %dma_start3A_267 : memref<1x1x100xi32, #tpu.memory_space<vmem>> -> memref<100xi32, #tpu.memory_space<vmem>>
      %dma_start3A_269 = arith.constant 0 : i32
      %dma_start3A_270 = arith.constant 0 : i32
      %dma_start3A_271 = tpu.memref_slice %arg2[%dma_start3A_269, %dma_start3A_270] : memref<10000x128xf32, #tpu.memory_space<hbm>> -> memref<10000x128xf32, #tpu.memory_space<hbm>>
      tpu.enqueue_indirect_dma source(%dma_start3A_271 : memref<10000x128xf32, #tpu.memory_space<hbm>>) target(%arg10 : memref<100x128xf32, #tpu.memory_space<vmem>>) offsets(%dma_start3A_268 : memref<100xi32, #tpu.memory_space<vmem>>) semaphore(%arg13 : memref<!tpu.dma_semaphore, #tpu.memory_space<semaphore_mem>>)
      tpu.wait_dma2 semaphore(%arg13 : memref<!tpu.dma_semaphore, #tpu.memory_space<semaphore_mem>>) src(%arg5 : memref<100x128xf32, #tpu.memory_space<hbm>>) dst(%arg10 : memref<100x128xf32, #tpu.memory_space<vmem>>)
      %add3A_272 = arith.constant 1 : i32
      %add3A_273 = arith.addi %mul3A_255, %add3A_272 : i32
      %dma_start3A_274 = arith.constant 0 : i32
      %dma_start3A_275 = arith.constant 0 : i32
      %dma_start3A_276 = tpu.memref_slice %arg8[%add3A_273, %dma_start3A_274, %dma_start3A_275] : memref<50x1x100xi32, #tpu.memory_space<vmem>> -> memref<1x1x100xi32, #tpu.memory_space<vmem>>
      %dma_start3A_277 = tpu.memref_squeeze %dma_start3A_276 : memref<1x1x100xi32, #tpu.memory_space<vmem>> -> memref<100xi32, #tpu.memory_space<vmem>>
      %dma_start3A_278 = arith.constant 0 : i32
      %dma_start3A_279 = arith.constant 0 : i32
      %dma_start3A_280 = tpu.memref_slice %arg11[%dma_start3A_278, %dma_start3A_279] : memref<10240x128xf32, #tpu.memory_space<vmem_shared>> -> memref<10240x128xf32, #tpu.memory_space<vmem_shared>>
      tpu.enqueue_indirect_dma source(%arg10 : memref<100x128xf32, #tpu.memory_space<vmem>>) target(%dma_start3A_280 : memref<10240x128xf32, #tpu.memory_space<vmem_shared>>) offsets(%dma_start3A_277 : memref<100xi32, #tpu.memory_space<vmem>>) semaphore(%arg15 : memref<!tpu.dma_semaphore, #tpu.memory_space<semaphore_mem>>) {add = true}
      tpu.wait_dma2 semaphore(%arg14 : memref<!tpu.dma_semaphore, #tpu.memory_space<semaphore_mem>>) src(%arg5 : memref<100x128xf32, #tpu.memory_space<hbm>>) dst(%arg9 : memref<100x128xf32, #tpu.memory_space<vmem>>)
      %add3A_281 = arith.constant 2 : i32
      %add3A_282 = arith.addi %mul3A_255, %add3A_281 : i32
      %dma_start3A_283 = arith.constant 0 : i32
      %dma_start3A_284 = arith.constant 0 : i32
      %dma_start3A_285 = tpu.memref_slice %arg7[%add3A_282, %dma_start3A_283, %dma_start3A_284] : memref<50x1x100xi32, #tpu.memory_space<vmem>> -> memref<1x1x100xi32, #tpu.memory_space<vmem>>
      %dma_start3A_286 = tpu.memref_squeeze %dma_start3A_285 : memref<1x1x100xi32, #tpu.memory_space<vmem>> -> memref<100xi32, #tpu.memory_space<vmem>>
      %dma_start3A_287 = arith.constant 0 : i32
      %dma_start3A_288 = arith.constant 0 : i32
      %dma_start3A_289 = tpu.memref_slice %arg2[%dma_start3A_287, %dma_start3A_288] : memref<10000x128xf32, #tpu.memory_space<hbm>> -> memref<10000x128xf32, #tpu.memory_space<hbm>>
      tpu.enqueue_indirect_dma source(%dma_start3A_289 : memref<10000x128xf32, #tpu.memory_space<hbm>>) target(%arg9 : memref<100x128xf32, #tpu.memory_space<vmem>>) offsets(%dma_start3A_286 : memref<100xi32, #tpu.memory_space<vmem>>) semaphore(%arg12 : memref<!tpu.dma_semaphore, #tpu.memory_space<semaphore_mem>>)
    }
    %scan3A_85 = arith.constant 23 : i32
    tpu.wait_dma2 semaphore(%arg12 : memref<!tpu.dma_semaphore, #tpu.memory_space<semaphore_mem>>) src(%arg5 : memref<100x128xf32, #tpu.memory_space<hbm>>) dst(%arg9 : memref<100x128xf32, #tpu.memory_space<vmem>>)
    %dma_start3A_86 = arith.constant 48 : i32
    %dma_start3A_87 = arith.constant 0 : i32
    %dma_start3A_88 = arith.constant 0 : i32
    %dma_start3A_89 = tpu.memref_slice %arg8[%dma_start3A_86, %dma_start3A_87, %dma_start3A_88] : memref<50x1x100xi32, #tpu.memory_space<vmem>> -> memref<1x1x100xi32, #tpu.memory_space<vmem>>
    %dma_start3A_90 = tpu.memref_squeeze %dma_start3A_89 : memref<1x1x100xi32, #tpu.memory_space<vmem>> -> memref<100xi32, #tpu.memory_space<vmem>>
    %dma_start3A_91 = arith.constant 0 : i32
    %dma_start3A_92 = arith.constant 0 : i32
    %dma_start3A_93 = tpu.memref_slice %arg11[%dma_start3A_91, %dma_start3A_92] : memref<10240x128xf32, #tpu.memory_space<vmem_shared>> -> memref<10240x128xf32, #tpu.memory_space<vmem_shared>>
    tpu.enqueue_indirect_dma source(%arg9 : memref<100x128xf32, #tpu.memory_space<vmem>>) target(%dma_start3A_93 : memref<10240x128xf32, #tpu.memory_space<vmem_shared>>) offsets(%dma_start3A_90 : memref<100xi32, #tpu.memory_space<vmem>>) semaphore(%arg14 : memref<!tpu.dma_semaphore, #tpu.memory_space<semaphore_mem>>) {add = true}
    tpu.wait_dma2 semaphore(%arg15 : memref<!tpu.dma_semaphore, #tpu.memory_space<semaphore_mem>>) src(%arg5 : memref<100x128xf32, #tpu.memory_space<hbm>>) dst(%arg10 : memref<100x128xf32, #tpu.memory_space<vmem>>)
    %dma_start3A_94 = arith.constant 49 : i32
    %dma_start3A_95 = arith.constant 0 : i32
    %dma_start3A_96 = arith.constant 0 : i32
    %dma_start3A_97 = tpu.memref_slice %arg7[%dma_start3A_94, %dma_start3A_95, %dma_start3A_96] : memref<50x1x100xi32, #tpu.memory_space<vmem>> -> memref<1x1x100xi32, #tpu.memory_space<vmem>>
    %dma_start3A_98 = tpu.memref_squeeze %dma_start3A_97 : memref<1x1x100xi32, #tpu.memory_space<vmem>> -> memref<100xi32, #tpu.memory_space<vmem>>
    %dma_start3A_99 = arith.constant 0 : i32
    %dma_start3A_100 = arith.constant 0 : i32
    %dma_start3A_101 = tpu.memref_slice %arg2[%dma_start3A_99, %dma_start3A_100] : memref<10000x128xf32, #tpu.memory_space<hbm>> -> memref<10000x128xf32, #tpu.memory_space<hbm>>
    tpu.enqueue_indirect_dma source(%dma_start3A_101 : memref<10000x128xf32, #tpu.memory_space<hbm>>) target(%arg10 : memref<100x128xf32, #tpu.memory_space<vmem>>) offsets(%dma_start3A_98 : memref<100xi32, #tpu.memory_space<vmem>>) semaphore(%arg13 : memref<!tpu.dma_semaphore, #tpu.memory_space<semaphore_mem>>)
    %dma_wait3A_102 = arith.constant 49 : i32
    %dma_wait3A_103 = arith.constant 0 : i32
    %dma_wait3A_104 = arith.constant 0 : i32
    %dma_wait3A_105 = tpu.memref_slice %arg7[%dma_wait3A_102, %dma_wait3A_103, %dma_wait3A_104] : memref<50x1x100xi32, #tpu.memory_space<vmem>> -> memref<1x1x100xi32, #tpu.memory_space<vmem>>
    %dma_wait3A_106 = tpu.memref_squeeze %dma_wait3A_105 : memref<1x1x100xi32, #tpu.memory_space<vmem>> -> memref<100xi32, #tpu.memory_space<vmem>>
    %dma_wait3A_107 = arith.constant 0 : i32
    %dma_wait3A_108 = arith.constant 0 : i32
    %dma_wait3A_109 = tpu.memref_slice %arg2[%dma_wait3A_107, %dma_wait3A_108] : memref<10000x128xf32, #tpu.memory_space<hbm>> -> memref<10000x128xf32, #tpu.memory_space<hbm>>
    tpu.wait_indirect_dma semaphore(%arg13 : memref<!tpu.dma_semaphore, #tpu.memory_space<semaphore_mem>>) src(%dma_wait3A_109 : memref<10000x128xf32, #tpu.memory_space<hbm>>) dst(%arg10 : memref<100x128xf32, #tpu.memory_space<vmem>>)
    %dma_start3A_110 = arith.constant 49 : i32
    %dma_start3A_111 = arith.constant 0 : i32
    %dma_start3A_112 = arith.constant 0 : i32
    %dma_start3A_113 = tpu.memref_slice %arg8[%dma_start3A_110, %dma_start3A_111, %dma_start3A_112] : memref<50x1x100xi32, #tpu.memory_space<vmem>> -> memref<1x1x100xi32, #tpu.memory_space<vmem>>
    %dma_start3A_114 = tpu.memref_squeeze %dma_start3A_113 : memref<1x1x100xi32, #tpu.memory_space<vmem>> -> memref<100xi32, #tpu.memory_space<vmem>>
    %dma_start3A_115 = arith.constant 0 : i32
    %dma_start3A_116 = arith.constant 0 : i32
    %dma_start3A_117 = tpu.memref_slice %arg11[%dma_start3A_115, %dma_start3A_116] : memref<10240x128xf32, #tpu.memory_space<vmem_shared>> -> memref<10240x128xf32, #tpu.memory_space<vmem_shared>>
    tpu.enqueue_indirect_dma source(%arg10 : memref<100x128xf32, #tpu.memory_space<vmem>>) target(%dma_start3A_117 : memref<10240x128xf32, #tpu.memory_space<vmem_shared>>) offsets(%dma_start3A_114 : memref<100xi32, #tpu.memory_space<vmem>>) semaphore(%arg15 : memref<!tpu.dma_semaphore, #tpu.memory_space<semaphore_mem>>) {add = true}
    tpu.wait_dma2 semaphore(%arg14 : memref<!tpu.dma_semaphore, #tpu.memory_space<semaphore_mem>>) src(%arg5 : memref<100x128xf32, #tpu.memory_space<hbm>>) dst(%arg9 : memref<100x128xf32, #tpu.memory_space<vmem>>)
    tpu.wait_dma2 semaphore(%arg15 : memref<!tpu.dma_semaphore, #tpu.memory_space<semaphore_mem>>) src(%arg5 : memref<100x128xf32, #tpu.memory_space<hbm>>) dst(%arg10 : memref<100x128xf32, #tpu.memory_space<vmem>>)
    %mul3A_118 = arith.constant 100 : i32
    %mul3A_119 = arith.muli %add3A, %mul3A_118 : i32
    %add3A_120 = arith.constant 50 : i32
    %add3A_121 = arith.addi %mul3A_119, %add3A_120 : i32
    "tpu.region"() ({
      %run_scoped3A = tpu.sem_alloc : memref<!tpu.dma_semaphore, #tpu.memory_space<semaphore_mem>>
      %dma_start3A_253 = arith.constant 0 : i32
      %dma_start3A_254 = arith.constant 0 : i32
      %dma_start3A_255 = tpu.memref_slice %arg3[%add3A_121, %dma_start3A_253, %dma_start3A_254] : memref<3200x1x100xi32, #tpu.memory_space<hbm>> -> memref<50x1x100xi32, #tpu.memory_space<hbm>>
      %dma_start3A_256 = arith.constant 0 : i32
      %dma_start3A_257 = arith.constant 0 : i32
      %dma_start3A_258 = tpu.memref_slice %arg3[%add3A_121, %dma_start3A_256, %dma_start3A_257] : memref<3200x1x100xi32, #tpu.memory_space<hbm>> -> memref<50x1x100xi32, #tpu.memory_space<hbm>>
      tpu.enqueue_dma source(%dma_start3A_258 : memref<50x1x100xi32, #tpu.memory_space<hbm>>) target(%arg7 : memref<50x1x100xi32, #tpu.memory_space<vmem>>) target_semaphore(%run_scoped3A : memref<!tpu.dma_semaphore, #tpu.memory_space<semaphore_mem>>)
      %dma_wait3A_259 = arith.constant 0 : i32
      %dma_wait3A_260 = arith.constant 0 : i32
      %dma_wait3A_261 = tpu.memref_slice %arg3[%add3A_121, %dma_wait3A_259, %dma_wait3A_260] : memref<3200x1x100xi32, #tpu.memory_space<hbm>> -> memref<50x1x100xi32, #tpu.memory_space<hbm>>
      %dma_wait3A_262 = arith.constant 0 : i32
      %dma_wait3A_263 = arith.constant 0 : i32
      %dma_wait3A_264 = tpu.memref_slice %arg3[%add3A_121, %dma_wait3A_262, %dma_wait3A_263] : memref<3200x1x100xi32, #tpu.memory_space<hbm>> -> memref<50x1x100xi32, #tpu.memory_space<hbm>>
      tpu.wait_dma2 semaphore(%run_scoped3A : memref<!tpu.dma_semaphore, #tpu.memory_space<semaphore_mem>>) src(%dma_wait3A_264 : memref<50x1x100xi32, #tpu.memory_space<hbm>>) dst(%arg7 : memref<50x1x100xi32, #tpu.memory_space<vmem>>)
      tpu.yield
    }) : () -> ()
    %mul3A_122 = arith.constant 100 : i32
    %mul3A_123 = arith.muli %add3A, %mul3A_122 : i32
    %add3A_124 = arith.constant 50 : i32
    %add3A_125 = arith.addi %mul3A_123, %add3A_124 : i32
    "tpu.region"() ({
      %run_scoped3A = tpu.sem_alloc : memref<!tpu.dma_semaphore, #tpu.memory_space<semaphore_mem>>
      %dma_start3A_253 = arith.constant 0 : i32
      %dma_start3A_254 = arith.constant 0 : i32
      %dma_start3A_255 = tpu.memref_slice %arg4[%add3A_125, %dma_start3A_253, %dma_start3A_254] : memref<3200x1x100xi32, #tpu.memory_space<hbm>> -> memref<50x1x100xi32, #tpu.memory_space<hbm>>
      %dma_start3A_256 = arith.constant 0 : i32
      %dma_start3A_257 = arith.constant 0 : i32
      %dma_start3A_258 = tpu.memref_slice %arg4[%add3A_125, %dma_start3A_256, %dma_start3A_257] : memref<3200x1x100xi32, #tpu.memory_space<hbm>> -> memref<50x1x100xi32, #tpu.memory_space<hbm>>
      tpu.enqueue_dma source(%dma_start3A_258 : memref<50x1x100xi32, #tpu.memory_space<hbm>>) target(%arg8 : memref<50x1x100xi32, #tpu.memory_space<vmem>>) target_semaphore(%run_scoped3A : memref<!tpu.dma_semaphore, #tpu.memory_space<semaphore_mem>>)
      %dma_wait3A_259 = arith.constant 0 : i32
      %dma_wait3A_260 = arith.constant 0 : i32
      %dma_wait3A_261 = tpu.memref_slice %arg4[%add3A_125, %dma_wait3A_259, %dma_wait3A_260] : memref<3200x1x100xi32, #tpu.memory_space<hbm>> -> memref<50x1x100xi32, #tpu.memory_space<hbm>>
      %dma_wait3A_262 = arith.constant 0 : i32
      %dma_wait3A_263 = arith.constant 0 : i32
      %dma_wait3A_264 = tpu.memref_slice %arg4[%add3A_125, %dma_wait3A_262, %dma_wait3A_263] : memref<3200x1x100xi32, #tpu.memory_space<hbm>> -> memref<50x1x100xi32, #tpu.memory_space<hbm>>
      tpu.wait_dma2 semaphore(%run_scoped3A : memref<!tpu.dma_semaphore, #tpu.memory_space<semaphore_mem>>) src(%dma_wait3A_264 : memref<50x1x100xi32, #tpu.memory_space<hbm>>) dst(%arg8 : memref<50x1x100xi32, #tpu.memory_space<vmem>>)
      tpu.yield
    }) : () -> ()
    %dma_start3A_126 = arith.constant 0 : i32
    %dma_start3A_127 = arith.constant 0 : i32
    %dma_start3A_128 = arith.constant 0 : i32
    %dma_start3A_129 = tpu.memref_slice %arg7[%dma_start3A_126, %dma_start3A_127, %dma_start3A_128] : memref<50x1x100xi32, #tpu.memory_space<vmem>> -> memref<1x1x100xi32, #tpu.memory_space<vmem>>
    %dma_start3A_130 = tpu.memref_squeeze %dma_start3A_129 : memref<1x1x100xi32, #tpu.memory_space<vmem>> -> memref<100xi32, #tpu.memory_space<vmem>>
    %dma_start3A_131 = arith.constant 0 : i32
    %dma_start3A_132 = arith.constant 0 : i32
    %dma_start3A_133 = tpu.memref_slice %arg2[%dma_start3A_131, %dma_start3A_132] : memref<10000x128xf32, #tpu.memory_space<hbm>> -> memref<10000x128xf32, #tpu.memory_space<hbm>>
    tpu.enqueue_indirect_dma source(%dma_start3A_133 : memref<10000x128xf32, #tpu.memory_space<hbm>>) target(%arg9 : memref<100x128xf32, #tpu.memory_space<vmem>>) offsets(%dma_start3A_130 : memref<100xi32, #tpu.memory_space<vmem>>) semaphore(%arg12 : memref<!tpu.dma_semaphore, #tpu.memory_space<semaphore_mem>>)
    %dma_wait3A_134 = arith.constant 0 : i32
    %dma_wait3A_135 = arith.constant 0 : i32
    %dma_wait3A_136 = arith.constant 0 : i32
    %dma_wait3A_137 = tpu.memref_slice %arg7[%dma_wait3A_134, %dma_wait3A_135, %dma_wait3A_136] : memref<50x1x100xi32, #tpu.memory_space<vmem>> -> memref<1x1x100xi32, #tpu.memory_space<vmem>>
    %dma_wait3A_138 = tpu.memref_squeeze %dma_wait3A_137 : memref<1x1x100xi32, #tpu.memory_space<vmem>> -> memref<100xi32, #tpu.memory_space<vmem>>
    %dma_wait3A_139 = arith.constant 0 : i32
    %dma_wait3A_140 = arith.constant 0 : i32
    %dma_wait3A_141 = tpu.memref_slice %arg2[%dma_wait3A_139, %dma_wait3A_140] : memref<10000x128xf32, #tpu.memory_space<hbm>> -> memref<10000x128xf32, #tpu.memory_space<hbm>>
    tpu.wait_indirect_dma semaphore(%arg12 : memref<!tpu.dma_semaphore, #tpu.memory_space<semaphore_mem>>) src(%dma_wait3A_141 : memref<10000x128xf32, #tpu.memory_space<hbm>>) dst(%arg9 : memref<100x128xf32, #tpu.memory_space<vmem>>)
    %dma_start3A_142 = arith.constant 0 : i32
    %dma_start3A_143 = arith.constant 0 : i32
    %dma_start3A_144 = arith.constant 0 : i32
    %dma_start3A_145 = tpu.memref_slice %arg8[%dma_start3A_142, %dma_start3A_143, %dma_start3A_144] : memref<50x1x100xi32, #tpu.memory_space<vmem>> -> memref<1x1x100xi32, #tpu.memory_space<vmem>>
    %dma_start3A_146 = tpu.memref_squeeze %dma_start3A_145 : memref<1x1x100xi32, #tpu.memory_space<vmem>> -> memref<100xi32, #tpu.memory_space<vmem>>
    %dma_start3A_147 = arith.constant 0 : i32
    %dma_start3A_148 = arith.constant 0 : i32
    %dma_start3A_149 = tpu.memref_slice %arg11[%dma_start3A_147, %dma_start3A_148] : memref<10240x128xf32, #tpu.memory_space<vmem_shared>> -> memref<10240x128xf32, #tpu.memory_space<vmem_shared>>
    tpu.enqueue_indirect_dma source(%arg9 : memref<100x128xf32, #tpu.memory_space<vmem>>) target(%dma_start3A_149 : memref<10240x128xf32, #tpu.memory_space<vmem_shared>>) offsets(%dma_start3A_146 : memref<100xi32, #tpu.memory_space<vmem>>) semaphore(%arg14 : memref<!tpu.dma_semaphore, #tpu.memory_space<semaphore_mem>>) {add = true}
    %dma_start3A_150 = arith.constant 1 : i32
    %dma_start3A_151 = arith.constant 0 : i32
    %dma_start3A_152 = arith.constant 0 : i32
    %dma_start3A_153 = tpu.memref_slice %arg7[%dma_start3A_150, %dma_start3A_151, %dma_start3A_152] : memref<50x1x100xi32, #tpu.memory_space<vmem>> -> memref<1x1x100xi32, #tpu.memory_space<vmem>>
    %dma_start3A_154 = tpu.memref_squeeze %dma_start3A_153 : memref<1x1x100xi32, #tpu.memory_space<vmem>> -> memref<100xi32, #tpu.memory_space<vmem>>
    %dma_start3A_155 = arith.constant 0 : i32
    %dma_start3A_156 = arith.constant 0 : i32
    %dma_start3A_157 = tpu.memref_slice %arg2[%dma_start3A_155, %dma_start3A_156] : memref<10000x128xf32, #tpu.memory_space<hbm>> -> memref<10000x128xf32, #tpu.memory_space<hbm>>
    tpu.enqueue_indirect_dma source(%dma_start3A_157 : memref<10000x128xf32, #tpu.memory_space<hbm>>) target(%arg10 : memref<100x128xf32, #tpu.memory_space<vmem>>) offsets(%dma_start3A_154 : memref<100xi32, #tpu.memory_space<vmem>>) semaphore(%arg13 : memref<!tpu.dma_semaphore, #tpu.memory_space<semaphore_mem>>)
    %dma_wait3A_158 = arith.constant 1 : i32
    %dma_wait3A_159 = arith.constant 0 : i32
    %dma_wait3A_160 = arith.constant 0 : i32
    %dma_wait3A_161 = tpu.memref_slice %arg7[%dma_wait3A_158, %dma_wait3A_159, %dma_wait3A_160] : memref<50x1x100xi32, #tpu.memory_space<vmem>> -> memref<1x1x100xi32, #tpu.memory_space<vmem>>
    %dma_wait3A_162 = tpu.memref_squeeze %dma_wait3A_161 : memref<1x1x100xi32, #tpu.memory_space<vmem>> -> memref<100xi32, #tpu.memory_space<vmem>>
    %dma_wait3A_163 = arith.constant 0 : i32
    %dma_wait3A_164 = arith.constant 0 : i32
    %dma_wait3A_165 = tpu.memref_slice %arg2[%dma_wait3A_163, %dma_wait3A_164] : memref<10000x128xf32, #tpu.memory_space<hbm>> -> memref<10000x128xf32, #tpu.memory_space<hbm>>
    tpu.wait_indirect_dma semaphore(%arg13 : memref<!tpu.dma_semaphore, #tpu.memory_space<semaphore_mem>>) src(%dma_wait3A_165 : memref<10000x128xf32, #tpu.memory_space<hbm>>) dst(%arg10 : memref<100x128xf32, #tpu.memory_space<vmem>>)
    %dma_start3A_166 = arith.constant 1 : i32
    %dma_start3A_167 = arith.constant 0 : i32
    %dma_start3A_168 = arith.constant 0 : i32
    %dma_start3A_169 = tpu.memref_slice %arg8[%dma_start3A_166, %dma_start3A_167, %dma_start3A_168] : memref<50x1x100xi32, #tpu.memory_space<vmem>> -> memref<1x1x100xi32, #tpu.memory_space<vmem>>
    %dma_start3A_170 = tpu.memref_squeeze %dma_start3A_169 : memref<1x1x100xi32, #tpu.memory_space<vmem>> -> memref<100xi32, #tpu.memory_space<vmem>>
    %dma_start3A_171 = arith.constant 0 : i32
    %dma_start3A_172 = arith.constant 0 : i32
    %dma_start3A_173 = tpu.memref_slice %arg11[%dma_start3A_171, %dma_start3A_172] : memref<10240x128xf32, #tpu.memory_space<vmem_shared>> -> memref<10240x128xf32, #tpu.memory_space<vmem_shared>>
    tpu.enqueue_indirect_dma source(%arg10 : memref<100x128xf32, #tpu.memory_space<vmem>>) target(%dma_start3A_173 : memref<10240x128xf32, #tpu.memory_space<vmem_shared>>) offsets(%dma_start3A_170 : memref<100xi32, #tpu.memory_space<vmem>>) semaphore(%arg15 : memref<!tpu.dma_semaphore, #tpu.memory_space<semaphore_mem>>) {add = true}
    tpu.wait_dma2 semaphore(%arg14 : memref<!tpu.dma_semaphore, #tpu.memory_space<semaphore_mem>>) src(%arg5 : memref<100x128xf32, #tpu.memory_space<hbm>>) dst(%arg9 : memref<100x128xf32, #tpu.memory_space<vmem>>)
    %dma_start3A_174 = arith.constant 2 : i32
    %dma_start3A_175 = arith.constant 0 : i32
    %dma_start3A_176 = arith.constant 0 : i32
    %dma_start3A_177 = tpu.memref_slice %arg7[%dma_start3A_174, %dma_start3A_175, %dma_start3A_176] : memref<50x1x100xi32, #tpu.memory_space<vmem>> -> memref<1x1x100xi32, #tpu.memory_space<vmem>>
    %dma_start3A_178 = tpu.memref_squeeze %dma_start3A_177 : memref<1x1x100xi32, #tpu.memory_space<vmem>> -> memref<100xi32, #tpu.memory_space<vmem>>
    %dma_start3A_179 = arith.constant 0 : i32
    %dma_start3A_180 = arith.constant 0 : i32
    %dma_start3A_181 = tpu.memref_slice %arg2[%dma_start3A_179, %dma_start3A_180] : memref<10000x128xf32, #tpu.memory_space<hbm>> -> memref<10000x128xf32, #tpu.memory_space<hbm>>
    tpu.enqueue_indirect_dma source(%dma_start3A_181 : memref<10000x128xf32, #tpu.memory_space<hbm>>) target(%arg9 : memref<100x128xf32, #tpu.memory_space<vmem>>) offsets(%dma_start3A_178 : memref<100xi32, #tpu.memory_space<vmem>>) semaphore(%arg12 : memref<!tpu.dma_semaphore, #tpu.memory_space<semaphore_mem>>)
    %scan3A_182 = arith.constant 0 : i32
    %scan3A_183 = arith.constant 1 : i32
    %scan3A_184 = arith.constant 23 : i32
    %scan3A_185 = arith.addi %scan3A_183, %scan3A_184 : i32
    %scan3A_186 = arith.constant 1 : i32
    scf.for %scan3A_253 = %scan3A_183 to %scan3A_185 step %scan3A_186  : i32 {
      %mul3A_254 = arith.constant 2 : i32
      %mul3A_255 = arith.muli %mul3A_254, %scan3A_253 : i32
      tpu.wait_dma2 semaphore(%arg12 : memref<!tpu.dma_semaphore, #tpu.memory_space<semaphore_mem>>) src(%arg5 : memref<100x128xf32, #tpu.memory_space<hbm>>) dst(%arg9 : memref<100x128xf32, #tpu.memory_space<vmem>>)
      %dma_start3A_256 = arith.constant 0 : i32
      %dma_start3A_257 = arith.constant 0 : i32
      %dma_start3A_258 = tpu.memref_slice %arg8[%mul3A_255, %dma_start3A_256, %dma_start3A_257] : memref<50x1x100xi32, #tpu.memory_space<vmem>> -> memref<1x1x100xi32, #tpu.memory_space<vmem>>
      %dma_start3A_259 = tpu.memref_squeeze %dma_start3A_258 : memref<1x1x100xi32, #tpu.memory_space<vmem>> -> memref<100xi32, #tpu.memory_space<vmem>>
      %dma_start3A_260 = arith.constant 0 : i32
      %dma_start3A_261 = arith.constant 0 : i32
      %dma_start3A_262 = tpu.memref_slice %arg11[%dma_start3A_260, %dma_start3A_261] : memref<10240x128xf32, #tpu.memory_space<vmem_shared>> -> memref<10240x128xf32, #tpu.memory_space<vmem_shared>>
      tpu.enqueue_indirect_dma source(%arg9 : memref<100x128xf32, #tpu.memory_space<vmem>>) target(%dma_start3A_262 : memref<10240x128xf32, #tpu.memory_space<vmem_shared>>) offsets(%dma_start3A_259 : memref<100xi32, #tpu.memory_space<vmem>>) semaphore(%arg14 : memref<!tpu.dma_semaphore, #tpu.memory_space<semaphore_mem>>) {add = true}
      tpu.wait_dma2 semaphore(%arg15 : memref<!tpu.dma_semaphore, #tpu.memory_space<semaphore_mem>>) src(%arg5 : memref<100x128xf32, #tpu.memory_space<hbm>>) dst(%arg10 : memref<100x128xf32, #tpu.memory_space<vmem>>)
      %add3A_263 = arith.constant 1 : i32
      %add3A_264 = arith.addi %mul3A_255, %add3A_263 : i32
      %dma_start3A_265 = arith.constant 0 : i32
      %dma_start3A_266 = arith.constant 0 : i32
      %dma_start3A_267 = tpu.memref_slice %arg7[%add3A_264, %dma_start3A_265, %dma_start3A_266] : memref<50x1x100xi32, #tpu.memory_space<vmem>> -> memref<1x1x100xi32, #tpu.memory_space<vmem>>
      %dma_start3A_268 = tpu.memref_squeeze %dma_start3A_267 : memref<1x1x100xi32, #tpu.memory_space<vmem>> -> memref<100xi32, #tpu.memory_space<vmem>>
      %dma_start3A_269 = arith.constant 0 : i32
      %dma_start3A_270 = arith.constant 0 : i32
      %dma_start3A_271 = tpu.memref_slice %arg2[%dma_start3A_269, %dma_start3A_270] : memref<10000x128xf32, #tpu.memory_space<hbm>> -> memref<10000x128xf32, #tpu.memory_space<hbm>>
      tpu.enqueue_indirect_dma source(%dma_start3A_271 : memref<10000x128xf32, #tpu.memory_space<hbm>>) target(%arg10 : memref<100x128xf32, #tpu.memory_space<vmem>>) offsets(%dma_start3A_268 : memref<100xi32, #tpu.memory_space<vmem>>) semaphore(%arg13 : memref<!tpu.dma_semaphore, #tpu.memory_space<semaphore_mem>>)
      tpu.wait_dma2 semaphore(%arg13 : memref<!tpu.dma_semaphore, #tpu.memory_space<semaphore_mem>>) src(%arg5 : memref<100x128xf32, #tpu.memory_space<hbm>>) dst(%arg10 : memref<100x128xf32, #tpu.memory_space<vmem>>)
      %add3A_272 = arith.constant 1 : i32
      %add3A_273 = arith.addi %mul3A_255, %add3A_272 : i32
      %dma_start3A_274 = arith.constant 0 : i32
      %dma_start3A_275 = arith.constant 0 : i32
      %dma_start3A_276 = tpu.memref_slice %arg8[%add3A_273, %dma_start3A_274, %dma_start3A_275] : memref<50x1x100xi32, #tpu.memory_space<vmem>> -> memref<1x1x100xi32, #tpu.memory_space<vmem>>
      %dma_start3A_277 = tpu.memref_squeeze %dma_start3A_276 : memref<1x1x100xi32, #tpu.memory_space<vmem>> -> memref<100xi32, #tpu.memory_space<vmem>>
      %dma_start3A_278 = arith.constant 0 : i32
      %dma_start3A_279 = arith.constant 0 : i32
      %dma_start3A_280 = tpu.memref_slice %arg11[%dma_start3A_278, %dma_start3A_279] : memref<10240x128xf32, #tpu.memory_space<vmem_shared>> -> memref<10240x128xf32, #tpu.memory_space<vmem_shared>>
      tpu.enqueue_indirect_dma source(%arg10 : memref<100x128xf32, #tpu.memory_space<vmem>>) target(%dma_start3A_280 : memref<10240x128xf32, #tpu.memory_space<vmem_shared>>) offsets(%dma_start3A_277 : memref<100xi32, #tpu.memory_space<vmem>>) semaphore(%arg15 : memref<!tpu.dma_semaphore, #tpu.memory_space<semaphore_mem>>) {add = true}
      tpu.wait_dma2 semaphore(%arg14 : memref<!tpu.dma_semaphore, #tpu.memory_space<semaphore_mem>>) src(%arg5 : memref<100x128xf32, #tpu.memory_space<hbm>>) dst(%arg9 : memref<100x128xf32, #tpu.memory_space<vmem>>)
      %add3A_281 = arith.constant 2 : i32
      %add3A_282 = arith.addi %mul3A_255, %add3A_281 : i32
      %dma_start3A_283 = arith.constant 0 : i32
      %dma_start3A_284 = arith.constant 0 : i32
      %dma_start3A_285 = tpu.memref_slice %arg7[%add3A_282, %dma_start3A_283, %dma_start3A_284] : memref<50x1x100xi32, #tpu.memory_space<vmem>> -> memref<1x1x100xi32, #tpu.memory_space<vmem>>
      %dma_start3A_286 = tpu.memref_squeeze %dma_start3A_285 : memref<1x1x100xi32, #tpu.memory_space<vmem>> -> memref<100xi32, #tpu.memory_space<vmem>>
      %dma_start3A_287 = arith.constant 0 : i32
      %dma_start3A_288 = arith.constant 0 : i32
      %dma_start3A_289 = tpu.memref_slice %arg2[%dma_start3A_287, %dma_start3A_288] : memref<10000x128xf32, #tpu.memory_space<hbm>> -> memref<10000x128xf32, #tpu.memory_space<hbm>>
      tpu.enqueue_indirect_dma source(%dma_start3A_289 : memref<10000x128xf32, #tpu.memory_space<hbm>>) target(%arg9 : memref<100x128xf32, #tpu.memory_space<vmem>>) offsets(%dma_start3A_286 : memref<100xi32, #tpu.memory_space<vmem>>) semaphore(%arg12 : memref<!tpu.dma_semaphore, #tpu.memory_space<semaphore_mem>>)
    }
    %scan3A_187 = arith.constant 23 : i32
    tpu.wait_dma2 semaphore(%arg12 : memref<!tpu.dma_semaphore, #tpu.memory_space<semaphore_mem>>) src(%arg5 : memref<100x128xf32, #tpu.memory_space<hbm>>) dst(%arg9 : memref<100x128xf32, #tpu.memory_space<vmem>>)
    %dma_start3A_188 = arith.constant 48 : i32
    %dma_start3A_189 = arith.constant 0 : i32
    %dma_start3A_190 = arith.constant 0 : i32
    %dma_start3A_191 = tpu.memref_slice %arg8[%dma_start3A_188, %dma_start3A_189, %dma_start3A_190] : memref<50x1x100xi32, #tpu.memory_space<vmem>> -> memref<1x1x100xi32, #tpu.memory_space<vmem>>
    %dma_start3A_192 = tpu.memref_squeeze %dma_start3A_191 : memref<1x1x100xi32, #tpu.memory_space<vmem>> -> memref<100xi32, #tpu.memory_space<vmem>>
    %dma_start3A_193 = arith.constant 0 : i32
    %dma_start3A_194 = arith.constant 0 : i32
    %dma_start3A_195 = tpu.memref_slice %arg11[%dma_start3A_193, %dma_start3A_194] : memref<10240x128xf32, #tpu.memory_space<vmem_shared>> -> memref<10240x128xf32, #tpu.memory_space<vmem_shared>>
    tpu.enqueue_indirect_dma source(%arg9 : memref<100x128xf32, #tpu.memory_space<vmem>>) target(%dma_start3A_195 : memref<10240x128xf32, #tpu.memory_space<vmem_shared>>) offsets(%dma_start3A_192 : memref<100xi32, #tpu.memory_space<vmem>>) semaphore(%arg14 : memref<!tpu.dma_semaphore, #tpu.memory_space<semaphore_mem>>) {add = true}
    tpu.wait_dma2 semaphore(%arg15 : memref<!tpu.dma_semaphore, #tpu.memory_space<semaphore_mem>>) src(%arg5 : memref<100x128xf32, #tpu.memory_space<hbm>>) dst(%arg10 : memref<100x128xf32, #tpu.memory_space<vmem>>)
    %dma_start3A_196 = arith.constant 49 : i32
    %dma_start3A_197 = arith.constant 0 : i32
    %dma_start3A_198 = arith.constant 0 : i32
    %dma_start3A_199 = tpu.memref_slice %arg7[%dma_start3A_196, %dma_start3A_197, %dma_start3A_198] : memref<50x1x100xi32, #tpu.memory_space<vmem>> -> memref<1x1x100xi32, #tpu.memory_space<vmem>>
    %dma_start3A_200 = tpu.memref_squeeze %dma_start3A_199 : memref<1x1x100xi32, #tpu.memory_space<vmem>> -> memref<100xi32, #tpu.memory_space<vmem>>
    %dma_start3A_201 = arith.constant 0 : i32
    %dma_start3A_202 = arith.constant 0 : i32
    %dma_start3A_203 = tpu.memref_slice %arg2[%dma_start3A_201, %dma_start3A_202] : memref<10000x128xf32, #tpu.memory_space<hbm>> -> memref<10000x128xf32, #tpu.memory_space<hbm>>
    tpu.enqueue_indirect_dma source(%dma_start3A_203 : memref<10000x128xf32, #tpu.memory_space<hbm>>) target(%arg10 : memref<100x128xf32, #tpu.memory_space<vmem>>) offsets(%dma_start3A_200 : memref<100xi32, #tpu.memory_space<vmem>>) semaphore(%arg13 : memref<!tpu.dma_semaphore, #tpu.memory_space<semaphore_mem>>)
    %dma_wait3A_204 = arith.constant 49 : i32
    %dma_wait3A_205 = arith.constant 0 : i32
    %dma_wait3A_206 = arith.constant 0 : i32
    %dma_wait3A_207 = tpu.memref_slice %arg7[%dma_wait3A_204, %dma_wait3A_205, %dma_wait3A_206] : memref<50x1x100xi32, #tpu.memory_space<vmem>> -> memref<1x1x100xi32, #tpu.memory_space<vmem>>
    %dma_wait3A_208 = tpu.memref_squeeze %dma_wait3A_207 : memref<1x1x100xi32, #tpu.memory_space<vmem>> -> memref<100xi32, #tpu.memory_space<vmem>>
    %dma_wait3A_209 = arith.constant 0 : i32
    %dma_wait3A_210 = arith.constant 0 : i32
    %dma_wait3A_211 = tpu.memref_slice %arg2[%dma_wait3A_209, %dma_wait3A_210] : memref<10000x128xf32, #tpu.memory_space<hbm>> -> memref<10000x128xf32, #tpu.memory_space<hbm>>
    tpu.wait_indirect_dma semaphore(%arg13 : memref<!tpu.dma_semaphore, #tpu.memory_space<semaphore_mem>>) src(%dma_wait3A_211 : memref<10000x128xf32, #tpu.memory_space<hbm>>) dst(%arg10 : memref<100x128xf32, #tpu.memory_space<vmem>>)
    %dma_start3A_212 = arith.constant 49 : i32
    %dma_start3A_213 = arith.constant 0 : i32
    %dma_start3A_214 = arith.constant 0 : i32
    %dma_start3A_215 = tpu.memref_slice %arg8[%dma_start3A_212, %dma_start3A_213, %dma_start3A_214] : memref<50x1x100xi32, #tpu.memory_space<vmem>> -> memref<1x1x100xi32, #tpu.memory_space<vmem>>
    %dma_start3A_216 = tpu.memref_squeeze %dma_start3A_215 : memref<1x1x100xi32, #tpu.memory_space<vmem>> -> memref<100xi32, #tpu.memory_space<vmem>>
    %dma_start3A_217 = arith.constant 0 : i32
    %dma_start3A_218 = arith.constant 0 : i32
    %dma_start3A_219 = tpu.memref_slice %arg11[%dma_start3A_217, %dma_start3A_218] : memref<10240x128xf32, #tpu.memory_space<vmem_shared>> -> memref<10240x128xf32, #tpu.memory_space<vmem_shared>>
    tpu.enqueue_indirect_dma source(%arg10 : memref<100x128xf32, #tpu.memory_space<vmem>>) target(%dma_start3A_219 : memref<10240x128xf32, #tpu.memory_space<vmem_shared>>) offsets(%dma_start3A_216 : memref<100xi32, #tpu.memory_space<vmem>>) semaphore(%arg15 : memref<!tpu.dma_semaphore, #tpu.memory_space<semaphore_mem>>) {add = true}
    tpu.wait_dma2 semaphore(%arg14 : memref<!tpu.dma_semaphore, #tpu.memory_space<semaphore_mem>>) src(%arg5 : memref<100x128xf32, #tpu.memory_space<hbm>>) dst(%arg9 : memref<100x128xf32, #tpu.memory_space<vmem>>)
    tpu.wait_dma2 semaphore(%arg15 : memref<!tpu.dma_semaphore, #tpu.memory_space<semaphore_mem>>) src(%arg5 : memref<100x128xf32, #tpu.memory_space<hbm>>) dst(%arg10 : memref<100x128xf32, #tpu.memory_space<vmem>>)
    %barrier3A_220 = arith.constant 0 : index
    tpu.barrier barrier_id(%barrier3A_220)
    %add3A_221 = arith.constant 0 : i32
    %add3A_222 = arith.addi %mul3A_2, %add3A_221 : i32
    %add3A_223 = arith.constant 0 : i32
    %add3A_224 = arith.addi %mul3A_2, %add3A_223 : i32
    "tpu.region"() ({
      %run_scoped3A = tpu.sem_alloc : memref<!tpu.dma_semaphore, #tpu.memory_space<semaphore_mem>>
      %dma_start3A_253 = arith.constant 0 : i32
      %dma_start3A_254 = tpu.memref_slice %arg6[%arg0, %add3A_224, %dma_start3A_253] : memref<2x10240x128xf32, #tpu.memory_space<hbm>> -> memref<1x80x128xf32, #tpu.memory_space<hbm>>
      %dma_start3A_255 = tpu.memref_squeeze %dma_start3A_254 : memref<1x80x128xf32, #tpu.memory_space<hbm>> -> memref<80x128xf32, #tpu.memory_space<hbm>>
      %dma_start3A_256 = arith.constant 0 : i32
      %dma_start3A_257 = tpu.memref_slice %arg11[%add3A_222, %dma_start3A_256] : memref<10240x128xf32, #tpu.memory_space<vmem_shared>> -> memref<80x128xf32, #tpu.memory_space<vmem_shared>>
      tpu.enqueue_dma source(%dma_start3A_257 : memref<80x128xf32, #tpu.memory_space<vmem_shared>>) target(%dma_start3A_255 : memref<80x128xf32, #tpu.memory_space<hbm>>) target_semaphore(%run_scoped3A : memref<!tpu.dma_semaphore, #tpu.memory_space<semaphore_mem>>)
      %dma_wait3A_258 = arith.constant 0 : i32
      %dma_wait3A_259 = tpu.memref_slice %arg6[%arg0, %add3A_224, %dma_wait3A_258] : memref<2x10240x128xf32, #tpu.memory_space<hbm>> -> memref<1x80x128xf32, #tpu.memory_space<hbm>>
      %dma_wait3A_260 = tpu.memref_squeeze %dma_wait3A_259 : memref<1x80x128xf32, #tpu.memory_space<hbm>> -> memref<80x128xf32, #tpu.memory_space<hbm>>
      %dma_wait3A_261 = arith.constant 0 : i32
      %dma_wait3A_262 = tpu.memref_slice %arg11[%add3A_222, %dma_wait3A_261] : memref<10240x128xf32, #tpu.memory_space<vmem_shared>> -> memref<80x128xf32, #tpu.memory_space<vmem_shared>>
      tpu.wait_dma2 semaphore(%run_scoped3A : memref<!tpu.dma_semaphore, #tpu.memory_space<semaphore_mem>>) src(%dma_wait3A_262 : memref<80x128xf32, #tpu.memory_space<vmem_shared>>) dst(%dma_wait3A_260 : memref<80x128xf32, #tpu.memory_space<hbm>>)
      tpu.yield
    }) : () -> ()
    %add3A_225 = arith.constant 80 : i32
    %add3A_226 = arith.addi %mul3A_2, %add3A_225 : i32
    %add3A_227 = arith.constant 80 : i32
    %add3A_228 = arith.addi %mul3A_2, %add3A_227 : i32
    "tpu.region"() ({
      %run_scoped3A = tpu.sem_alloc : memref<!tpu.dma_semaphore, #tpu.memory_space<semaphore_mem>>
      %dma_start3A_253 = arith.constant 0 : i32
      %dma_start3A_254 = tpu.memref_slice %arg6[%arg0, %add3A_228, %dma_start3A_253] : memref<2x10240x128xf32, #tpu.memory_space<hbm>> -> memref<1x80x128xf32, #tpu.memory_space<hbm>>
      %dma_start3A_255 = tpu.memref_squeeze %dma_start3A_254 : memref<1x80x128xf32, #tpu.memory_space<hbm>> -> memref<80x128xf32, #tpu.memory_space<hbm>>
      %dma_start3A_256 = arith.constant 0 : i32
      %dma_start3A_257 = tpu.memref_slice %arg11[%add3A_226, %dma_start3A_256] : memref<10240x128xf32, #tpu.memory_space<vmem_shared>> -> memref<80x128xf32, #tpu.memory_space<vmem_shared>>
      tpu.enqueue_dma source(%dma_start3A_257 : memref<80x128xf32, #tpu.memory_space<vmem_shared>>) target(%dma_start3A_255 : memref<80x128xf32, #tpu.memory_space<hbm>>) target_semaphore(%run_scoped3A : memref<!tpu.dma_semaphore, #tpu.memory_space<semaphore_mem>>)
      %dma_wait3A_258 = arith.constant 0 : i32
      %dma_wait3A_259 = tpu.memref_slice %arg6[%arg0, %add3A_228, %dma_wait3A_258] : memref<2x10240x128xf32, #tpu.memory_space<hbm>> -> memref<1x80x128xf32, #tpu.memory_space<hbm>>
      %dma_wait3A_260 = tpu.memref_squeeze %dma_wait3A_259 : memref<1x80x128xf32, #tpu.memory_space<hbm>> -> memref<80x128xf32, #tpu.memory_space<hbm>>
      %dma_wait3A_261 = arith.constant 0 : i32
      %dma_wait3A_262 = tpu.memref_slice %arg11[%add3A_226, %dma_wait3A_261] : memref<10240x128xf32, #tpu.memory_space<vmem_shared>> -> memref<80x128xf32, #tpu.memory_space<vmem_shared>>
      tpu.wait_dma2 semaphore(%run_scoped3A : memref<!tpu.dma_semaphore, #tpu.memory_space<semaphore_mem>>) src(%dma_wait3A_262 : memref<80x128xf32, #tpu.memory_space<vmem_shared>>) dst(%dma_wait3A_260 : memref<80x128xf32, #tpu.memory_space<hbm>>)
      tpu.yield
    }) : () -> ()
    %add3A_229 = arith.constant 160 : i32
    %add3A_230 = arith.addi %mul3A_2, %add3A_229 : i32
    %add3A_231 = arith.constant 160 : i32
    %add3A_232 = arith.addi %mul3A_2, %add3A_231 : i32
    "tpu.region"() ({
      %run_scoped3A = tpu.sem_alloc : memref<!tpu.dma_semaphore, #tpu.memory_space<semaphore_mem>>
      %dma_start3A_253 = arith.constant 0 : i32
      %dma_start3A_254 = tpu.memref_slice %arg6[%arg0, %add3A_232, %dma_start3A_253] : memref<2x10240x128xf32, #tpu.memory_space<hbm>> -> memref<1x80x128xf32, #tpu.memory_space<hbm>>
      %dma_start3A_255 = tpu.memref_squeeze %dma_start3A_254 : memref<1x80x128xf32, #tpu.memory_space<hbm>> -> memref<80x128xf32, #tpu.memory_space<hbm>>
      %dma_start3A_256 = arith.constant 0 : i32
      %dma_start3A_257 = tpu.memref_slice %arg11[%add3A_230, %dma_start3A_256] : memref<10240x128xf32, #tpu.memory_space<vmem_shared>> -> memref<80x128xf32, #tpu.memory_space<vmem_shared>>
      tpu.enqueue_dma source(%dma_start3A_257 : memref<80x128xf32, #tpu.memory_space<vmem_shared>>) target(%dma_start3A_255 : memref<80x128xf32, #tpu.memory_space<hbm>>) target_semaphore(%run_scoped3A : memref<!tpu.dma_semaphore, #tpu.memory_space<semaphore_mem>>)
      %dma_wait3A_258 = arith.constant 0 : i32
      %dma_wait3A_259 = tpu.memref_slice %arg6[%arg0, %add3A_232, %dma_wait3A_258] : memref<2x10240x128xf32, #tpu.memory_space<hbm>> -> memref<1x80x128xf32, #tpu.memory_space<hbm>>
      %dma_wait3A_260 = tpu.memref_squeeze %dma_wait3A_259 : memref<1x80x128xf32, #tpu.memory_space<hbm>> -> memref<80x128xf32, #tpu.memory_space<hbm>>
      %dma_wait3A_261 = arith.constant 0 : i32
      %dma_wait3A_262 = tpu.memref_slice %arg11[%add3A_230, %dma_wait3A_261] : memref<10240x128xf32, #tpu.memory_space<vmem_shared>> -> memref<80x128xf32, #tpu.memory_space<vmem_shared>>
      tpu.wait_dma2 semaphore(%run_scoped3A : memref<!tpu.dma_semaphore, #tpu.memory_space<semaphore_mem>>) src(%dma_wait3A_262 : memref<80x128xf32, #tpu.memory_space<vmem_shared>>) dst(%dma_wait3A_260 : memref<80x128xf32, #tpu.memory_space<hbm>>)
      tpu.yield
    }) : () -> ()
    %add3A_233 = arith.constant 240 : i32
    %add3A_234 = arith.addi %mul3A_2, %add3A_233 : i32
    %add3A_235 = arith.constant 240 : i32
    %add3A_236 = arith.addi %mul3A_2, %add3A_235 : i32
    "tpu.region"() ({
      %run_scoped3A = tpu.sem_alloc : memref<!tpu.dma_semaphore, #tpu.memory_space<semaphore_mem>>
      %dma_start3A_253 = arith.constant 0 : i32
      %dma_start3A_254 = tpu.memref_slice %arg6[%arg0, %add3A_236, %dma_start3A_253] : memref<2x10240x128xf32, #tpu.memory_space<hbm>> -> memref<1x80x128xf32, #tpu.memory_space<hbm>>
      %dma_start3A_255 = tpu.memref_squeeze %dma_start3A_254 : memref<1x80x128xf32, #tpu.memory_space<hbm>> -> memref<80x128xf32, #tpu.memory_space<hbm>>
      %dma_start3A_256 = arith.constant 0 : i32
      %dma_start3A_257 = tpu.memref_slice %arg11[%add3A_234, %dma_start3A_256] : memref<10240x128xf32, #tpu.memory_space<vmem_shared>> -> memref<80x128xf32, #tpu.memory_space<vmem_shared>>
      tpu.enqueue_dma source(%dma_start3A_257 : memref<80x128xf32, #tpu.memory_space<vmem_shared>>) target(%dma_start3A_255 : memref<80x128xf32, #tpu.memory_space<hbm>>) target_semaphore(%run_scoped3A : memref<!tpu.dma_semaphore, #tpu.memory_space<semaphore_mem>>)
      %dma_wait3A_258 = arith.constant 0 : i32
      %dma_wait3A_259 = tpu.memref_slice %arg6[%arg0, %add3A_236, %dma_wait3A_258] : memref<2x10240x128xf32, #tpu.memory_space<hbm>> -> memref<1x80x128xf32, #tpu.memory_space<hbm>>
      %dma_wait3A_260 = tpu.memref_squeeze %dma_wait3A_259 : memref<1x80x128xf32, #tpu.memory_space<hbm>> -> memref<80x128xf32, #tpu.memory_space<hbm>>
      %dma_wait3A_261 = arith.constant 0 : i32
      %dma_wait3A_262 = tpu.memref_slice %arg11[%add3A_234, %dma_wait3A_261] : memref<10240x128xf32, #tpu.memory_space<vmem_shared>> -> memref<80x128xf32, #tpu.memory_space<vmem_shared>>
      tpu.wait_dma2 semaphore(%run_scoped3A : memref<!tpu.dma_semaphore, #tpu.memory_space<semaphore_mem>>) src(%dma_wait3A_262 : memref<80x128xf32, #tpu.memory_space<vmem_shared>>) dst(%dma_wait3A_260 : memref<80x128xf32, #tpu.memory_space<hbm>>)
      tpu.yield
    }) : () -> ()
    %add3A_237 = arith.constant 320 : i32
    %add3A_238 = arith.addi %mul3A_2, %add3A_237 : i32
    %add3A_239 = arith.constant 320 : i32
    %add3A_240 = arith.addi %mul3A_2, %add3A_239 : i32
    "tpu.region"() ({
      %run_scoped3A = tpu.sem_alloc : memref<!tpu.dma_semaphore, #tpu.memory_space<semaphore_mem>>
      %dma_start3A_253 = arith.constant 0 : i32
      %dma_start3A_254 = tpu.memref_slice %arg6[%arg0, %add3A_240, %dma_start3A_253] : memref<2x10240x128xf32, #tpu.memory_space<hbm>> -> memref<1x80x128xf32, #tpu.memory_space<hbm>>
      %dma_start3A_255 = tpu.memref_squeeze %dma_start3A_254 : memref<1x80x128xf32, #tpu.memory_space<hbm>> -> memref<80x128xf32, #tpu.memory_space<hbm>>
      %dma_start3A_256 = arith.constant 0 : i32
      %dma_start3A_257 = tpu.memref_slice %arg11[%add3A_238, %dma_start3A_256] : memref<10240x128xf32, #tpu.memory_space<vmem_shared>> -> memref<80x128xf32, #tpu.memory_space<vmem_shared>>
      tpu.enqueue_dma source(%dma_start3A_257 : memref<80x128xf32, #tpu.memory_space<vmem_shared>>) target(%dma_start3A_255 : memref<80x128xf32, #tpu.memory_space<hbm>>) target_semaphore(%run_scoped3A : memref<!tpu.dma_semaphore, #tpu.memory_space<semaphore_mem>>)
      %dma_wait3A_258 = arith.constant 0 : i32
      %dma_wait3A_259 = tpu.memref_slice %arg6[%arg0, %add3A_240, %dma_wait3A_258] : memref<2x10240x128xf32, #tpu.memory_space<hbm>> -> memref<1x80x128xf32, #tpu.memory_space<hbm>>
      %dma_wait3A_260 = tpu.memref_squeeze %dma_wait3A_259 : memref<1x80x128xf32, #tpu.memory_space<hbm>> -> memref<80x128xf32, #tpu.memory_space<hbm>>
      %dma_wait3A_261 = arith.constant 0 : i32
      %dma_wait3A_262 = tpu.memref_slice %arg11[%add3A_238, %dma_wait3A_261] : memref<10240x128xf32, #tpu.memory_space<vmem_shared>> -> memref<80x128xf32, #tpu.memory_space<vmem_shared>>
      tpu.wait_dma2 semaphore(%run_scoped3A : memref<!tpu.dma_semaphore, #tpu.memory_space<semaphore_mem>>) src(%dma_wait3A_262 : memref<80x128xf32, #tpu.memory_space<vmem_shared>>) dst(%dma_wait3A_260 : memref<80x128xf32, #tpu.memory_space<hbm>>)
      tpu.yield
    }) : () -> ()
    %add3A_241 = arith.constant 400 : i32
    %add3A_242 = arith.addi %mul3A_2, %add3A_241 : i32
    %add3A_243 = arith.constant 400 : i32
    %add3A_244 = arith.addi %mul3A_2, %add3A_243 : i32
    "tpu.region"() ({
      %run_scoped3A = tpu.sem_alloc : memref<!tpu.dma_semaphore, #tpu.memory_space<semaphore_mem>>
      %dma_start3A_253 = arith.constant 0 : i32
      %dma_start3A_254 = tpu.memref_slice %arg6[%arg0, %add3A_244, %dma_start3A_253] : memref<2x10240x128xf32, #tpu.memory_space<hbm>> -> memref<1x80x128xf32, #tpu.memory_space<hbm>>
      %dma_start3A_255 = tpu.memref_squeeze %dma_start3A_254 : memref<1x80x128xf32, #tpu.memory_space<hbm>> -> memref<80x128xf32, #tpu.memory_space<hbm>>
      %dma_start3A_256 = arith.constant 0 : i32
      %dma_start3A_257 = tpu.memref_slice %arg11[%add3A_242, %dma_start3A_256] : memref<10240x128xf32, #tpu.memory_space<vmem_shared>> -> memref<80x128xf32, #tpu.memory_space<vmem_shared>>
      tpu.enqueue_dma source(%dma_start3A_257 : memref<80x128xf32, #tpu.memory_space<vmem_shared>>) target(%dma_start3A_255 : memref<80x128xf32, #tpu.memory_space<hbm>>) target_semaphore(%run_scoped3A : memref<!tpu.dma_semaphore, #tpu.memory_space<semaphore_mem>>)
      %dma_wait3A_258 = arith.constant 0 : i32
      %dma_wait3A_259 = tpu.memref_slice %arg6[%arg0, %add3A_244, %dma_wait3A_258] : memref<2x10240x128xf32, #tpu.memory_space<hbm>> -> memref<1x80x128xf32, #tpu.memory_space<hbm>>
      %dma_wait3A_260 = tpu.memref_squeeze %dma_wait3A_259 : memref<1x80x128xf32, #tpu.memory_space<hbm>> -> memref<80x128xf32, #tpu.memory_space<hbm>>
      %dma_wait3A_261 = arith.constant 0 : i32
      %dma_wait3A_262 = tpu.memref_slice %arg11[%add3A_242, %dma_wait3A_261] : memref<10240x128xf32, #tpu.memory_space<vmem_shared>> -> memref<80x128xf32, #tpu.memory_space<vmem_shared>>
      tpu.wait_dma2 semaphore(%run_scoped3A : memref<!tpu.dma_semaphore, #tpu.memory_space<semaphore_mem>>) src(%dma_wait3A_262 : memref<80x128xf32, #tpu.memory_space<vmem_shared>>) dst(%dma_wait3A_260 : memref<80x128xf32, #tpu.memory_space<hbm>>)
      tpu.yield
    }) : () -> ()
    %add3A_245 = arith.constant 480 : i32
    %add3A_246 = arith.addi %mul3A_2, %add3A_245 : i32
    %add3A_247 = arith.constant 480 : i32
    %add3A_248 = arith.addi %mul3A_2, %add3A_247 : i32
    "tpu.region"() ({
      %run_scoped3A = tpu.sem_alloc : memref<!tpu.dma_semaphore, #tpu.memory_space<semaphore_mem>>
      %dma_start3A_253 = arith.constant 0 : i32
      %dma_start3A_254 = tpu.memref_slice %arg6[%arg0, %add3A_248, %dma_start3A_253] : memref<2x10240x128xf32, #tpu.memory_space<hbm>> -> memref<1x80x128xf32, #tpu.memory_space<hbm>>
      %dma_start3A_255 = tpu.memref_squeeze %dma_start3A_254 : memref<1x80x128xf32, #tpu.memory_space<hbm>> -> memref<80x128xf32, #tpu.memory_space<hbm>>
      %dma_start3A_256 = arith.constant 0 : i32
      %dma_start3A_257 = tpu.memref_slice %arg11[%add3A_246, %dma_start3A_256] : memref<10240x128xf32, #tpu.memory_space<vmem_shared>> -> memref<80x128xf32, #tpu.memory_space<vmem_shared>>
      tpu.enqueue_dma source(%dma_start3A_257 : memref<80x128xf32, #tpu.memory_space<vmem_shared>>) target(%dma_start3A_255 : memref<80x128xf32, #tpu.memory_space<hbm>>) target_semaphore(%run_scoped3A : memref<!tpu.dma_semaphore, #tpu.memory_space<semaphore_mem>>)
      %dma_wait3A_258 = arith.constant 0 : i32
      %dma_wait3A_259 = tpu.memref_slice %arg6[%arg0, %add3A_248, %dma_wait3A_258] : memref<2x10240x128xf32, #tpu.memory_space<hbm>> -> memref<1x80x128xf32, #tpu.memory_space<hbm>>
      %dma_wait3A_260 = tpu.memref_squeeze %dma_wait3A_259 : memref<1x80x128xf32, #tpu.memory_space<hbm>> -> memref<80x128xf32, #tpu.memory_space<hbm>>
      %dma_wait3A_261 = arith.constant 0 : i32
      %dma_wait3A_262 = tpu.memref_slice %arg11[%add3A_246, %dma_wait3A_261] : memref<10240x128xf32, #tpu.memory_space<vmem_shared>> -> memref<80x128xf32, #tpu.memory_space<vmem_shared>>
      tpu.wait_dma2 semaphore(%run_scoped3A : memref<!tpu.dma_semaphore, #tpu.memory_space<semaphore_mem>>) src(%dma_wait3A_262 : memref<80x128xf32, #tpu.memory_space<vmem_shared>>) dst(%dma_wait3A_260 : memref<80x128xf32, #tpu.memory_space<hbm>>)
      tpu.yield
    }) : () -> ()
    %add3A_249 = arith.constant 560 : i32
    %add3A_250 = arith.addi %mul3A_2, %add3A_249 : i32
    %add3A_251 = arith.constant 560 : i32
    %add3A_252 = arith.addi %mul3A_2, %add3A_251 : i32
    "tpu.region"() ({
      %run_scoped3A = tpu.sem_alloc : memref<!tpu.dma_semaphore, #tpu.memory_space<semaphore_mem>>
      %dma_start3A_253 = arith.constant 0 : i32
      %dma_start3A_254 = tpu.memref_slice %arg6[%arg0, %add3A_252, %dma_start3A_253] : memref<2x10240x128xf32, #tpu.memory_space<hbm>> -> memref<1x80x128xf32, #tpu.memory_space<hbm>>
      %dma_start3A_255 = tpu.memref_squeeze %dma_start3A_254 : memref<1x80x128xf32, #tpu.memory_space<hbm>> -> memref<80x128xf32, #tpu.memory_space<hbm>>
      %dma_start3A_256 = arith.constant 0 : i32
      %dma_start3A_257 = tpu.memref_slice %arg11[%add3A_250, %dma_start3A_256] : memref<10240x128xf32, #tpu.memory_space<vmem_shared>> -> memref<80x128xf32, #tpu.memory_space<vmem_shared>>
      tpu.enqueue_dma source(%dma_start3A_257 : memref<80x128xf32, #tpu.memory_space<vmem_shared>>) target(%dma_start3A_255 : memref<80x128xf32, #tpu.memory_space<hbm>>) target_semaphore(%run_scoped3A : memref<!tpu.dma_semaphore, #tpu.memory_space<semaphore_mem>>)
      %dma_wait3A_258 = arith.constant 0 : i32
      %dma_wait3A_259 = tpu.memref_slice %arg6[%arg0, %add3A_252, %dma_wait3A_258] : memref<2x10240x128xf32, #tpu.memory_space<hbm>> -> memref<1x80x128xf32, #tpu.memory_space<hbm>>
      %dma_wait3A_260 = tpu.memref_squeeze %dma_wait3A_259 : memref<1x80x128xf32, #tpu.memory_space<hbm>> -> memref<80x128xf32, #tpu.memory_space<hbm>>
      %dma_wait3A_261 = arith.constant 0 : i32
      %dma_wait3A_262 = tpu.memref_slice %arg11[%add3A_250, %dma_wait3A_261] : memref<10240x128xf32, #tpu.memory_space<vmem_shared>> -> memref<80x128xf32, #tpu.memory_space<vmem_shared>>
      tpu.wait_dma2 semaphore(%run_scoped3A : memref<!tpu.dma_semaphore, #tpu.memory_space<semaphore_mem>>) src(%dma_wait3A_262 : memref<80x128xf32, #tpu.memory_space<vmem_shared>>) dst(%dma_wait3A_260 : memref<80x128xf32, #tpu.memory_space<hbm>>)
      tpu.yield
    }) : () -> ()
    return
  }
}

#map = affine_map<(d0, d1) -> (0, 0)>
#map1 = affine_map<(d0, d1) -> (0, 0, 0)>
module attributes {stable_mosaic.version = 14 : i64} {
  func.func @_edge_kernel(%arg0: i32, %arg1: i32, %arg2: memref<10000x128xf32, #tpu.memory_space<hbm>>, %arg3: memref<3200x1x100xi32, #tpu.memory_space<hbm>>, %arg4: memref<3200x1x100xi32, #tpu.memory_space<hbm>>, %arg5: memref<100x128xf32, #tpu.memory_space<hbm>>, %arg6: memref<2x10240x128xf32, #tpu.memory_space<hbm>>, %arg7: memref<50x1x100xi32, #tpu.memory_space<vmem>>, %arg8: memref<50x1x100xi32, #tpu.memory_space<vmem>>, %arg9: memref<100x128xf32, #tpu.memory_space<vmem>>, %arg10: memref<100x128xf32, #tpu.memory_space<vmem>>, %arg11: memref<10240x128xf32, #tpu.memory_space<vmem_shared>>, %arg12: memref<!tpu.dma_semaphore, #tpu.memory_space<semaphore_mem>>, %arg13: memref<!tpu.dma_semaphore, #tpu.memory_space<semaphore_mem>>, %arg14: memref<!tpu.dma_semaphore, #tpu.memory_space<semaphore_mem>>, %arg15: memref<!tpu.dma_semaphore, #tpu.memory_space<semaphore_mem>>) attributes {dimension_semantics = [#tpu.dimension_semantics<core_parallel>, #tpu.dimension_semantics<subcore_parallel>], iteration_bounds = array<i64: 2, 16>, scalar_prefetch = 0 : i64, scratch_operands = 9 : i64, tpu.core_type = #tpu.core_type<sc_vector_subcore>, window_params = [{transform_indices = #map}, {transform_indices = #map1}, {transform_indices = #map1}, {transform_indices = #map}, {transform_indices = #map1}]} {
    %mul3A = arith.constant 2 : i32
    %mul3A_0 = arith.muli %arg1, %mul3A : i32
    %add3A = arith.addi %mul3A_0, %arg0 : i32
    %mul3A_1 = arith.constant 640 : i32
    %mul3A_2 = arith.muli %arg1, %mul3A_1 : i32
    "tpu.region"() ({
      %run_scoped3A = tpu.sem_alloc : memref<!tpu.dma_semaphore, #tpu.memory_space<semaphore_mem>>
      tpu.enqueue_dma source(%arg5 : memref<100x128xf32, #tpu.memory_space<hbm>>) target(%arg9 : memref<100x128xf32, #tpu.memory_space<vmem>>) target_semaphore(%run_scoped3A : memref<!tpu.dma_semaphore, #tpu.memory_space<semaphore_mem>>)
      tpu.wait_dma2 semaphore(%run_scoped3A : memref<!tpu.dma_semaphore, #tpu.memory_space<semaphore_mem>>) src(%arg5 : memref<100x128xf32, #tpu.memory_space<hbm>>) dst(%arg9 : memref<100x128xf32, #tpu.memory_space<vmem>>)
      tpu.yield
    }) : () -> ()
    %add3A_3 = arith.constant 0 : i32
    %add3A_4 = arith.addi %mul3A_2, %add3A_3 : i32
    "tpu.region"() ({
      %run_scoped3A = tpu.sem_alloc : memref<!tpu.dma_semaphore, #tpu.memory_space<semaphore_mem>>
      %dma_start3A_253 = arith.constant 0 : i32
      %dma_start3A_254 = arith.constant 0 : i32
      %dma_start3A_255 = tpu.memref_slice %arg9[%dma_start3A_253, %dma_start3A_254] : memref<100x128xf32, #tpu.memory_space<vmem>> -> memref<80x128xf32, #tpu.memory_space<vmem>>
      %dma_start3A_256 = arith.constant 0 : i32
      %dma_start3A_257 = tpu.memref_slice %arg11[%add3A_4, %dma_start3A_256] : memref<10240x128xf32, #tpu.memory_space<vmem_shared>> -> memref<80x128xf32, #tpu.memory_space<vmem_shared>>
      %dma_start3A_258 = arith.constant 0 : i32
      %dma_start3A_259 = tpu.memref_slice %arg11[%add3A_4, %dma_start3A_258] : memref<10240x128xf32, #tpu.memory_space<vmem_shared>> -> memref<80x128xf32, #tpu.memory_space<vmem_shared>>
      %dma_start3A_260 = arith.constant 0 : i32
      %dma_start3A_261 = arith.constant 0 : i32
      %dma_start3A_262 = tpu.memref_slice %arg9[%dma_start3A_260, %dma_start3A_261] : memref<100x128xf32, #tpu.memory_space<vmem>> -> memref<80x128xf32, #tpu.memory_space<vmem>>
      tpu.enqueue_dma source(%dma_start3A_262 : memref<80x128xf32, #tpu.memory_space<vmem>>) target(%dma_start3A_259 : memref<80x128xf32, #tpu.memory_space<vmem_shared>>) target_semaphore(%run_scoped3A : memref<!tpu.dma_semaphore, #tpu.memory_space<semaphore_mem>>)
      %dma_wait3A_263 = arith.constant 0 : i32
      %dma_wait3A_264 = arith.constant 0 : i32
      %dma_wait3A_265 = tpu.memref_slice %arg9[%dma_wait3A_263, %dma_wait3A_264] : memref<100x128xf32, #tpu.memory_space<vmem>> -> memref<80x128xf32, #tpu.memory_space<vmem>>
      %dma_wait3A_266 = arith.constant 0 : i32
      %dma_wait3A_267 = tpu.memref_slice %arg11[%add3A_4, %dma_wait3A_266] : memref<10240x128xf32, #tpu.memory_space<vmem_shared>> -> memref<80x128xf32, #tpu.memory_space<vmem_shared>>
      %dma_wait3A_268 = arith.constant 0 : i32
      %dma_wait3A_269 = tpu.memref_slice %arg11[%add3A_4, %dma_wait3A_268] : memref<10240x128xf32, #tpu.memory_space<vmem_shared>> -> memref<80x128xf32, #tpu.memory_space<vmem_shared>>
      %dma_wait3A_270 = arith.constant 0 : i32
      %dma_wait3A_271 = arith.constant 0 : i32
      %dma_wait3A_272 = tpu.memref_slice %arg9[%dma_wait3A_270, %dma_wait3A_271] : memref<100x128xf32, #tpu.memory_space<vmem>> -> memref<80x128xf32, #tpu.memory_space<vmem>>
      tpu.wait_dma2 semaphore(%run_scoped3A : memref<!tpu.dma_semaphore, #tpu.memory_space<semaphore_mem>>) src(%dma_wait3A_272 : memref<80x128xf32, #tpu.memory_space<vmem>>) dst(%dma_wait3A_269 : memref<80x128xf32, #tpu.memory_space<vmem_shared>>)
      tpu.yield
    }) : () -> ()
    %add3A_5 = arith.constant 80 : i32
    %add3A_6 = arith.addi %mul3A_2, %add3A_5 : i32
    "tpu.region"() ({
      %run_scoped3A = tpu.sem_alloc : memref<!tpu.dma_semaphore, #tpu.memory_space<semaphore_mem>>
      %dma_start3A_253 = arith.constant 0 : i32
      %dma_start3A_254 = arith.constant 0 : i32
      %dma_start3A_255 = tpu.memref_slice %arg9[%dma_start3A_253, %dma_start3A_254] : memref<100x128xf32, #tpu.memory_space<vmem>> -> memref<80x128xf32, #tpu.memory_space<vmem>>
      %dma_start3A_256 = arith.constant 0 : i32
      %dma_start3A_257 = tpu.memref_slice %arg11[%add3A_6, %dma_start3A_256] : memref<10240x128xf32, #tpu.memory_space<vmem_shared>> -> memref<80x128xf32, #tpu.memory_space<vmem_shared>>
      %dma_start3A_258 = arith.constant 0 : i32
      %dma_start3A_259 = tpu.memref_slice %arg11[%add3A_6, %dma_start3A_258] : memref<10240x128xf32, #tpu.memory_space<vmem_shared>> -> memref<80x128xf32, #tpu.memory_space<vmem_shared>>
      %dma_start3A_260 = arith.constant 0 : i32
      %dma_start3A_261 = arith.constant 0 : i32
      %dma_start3A_262 = tpu.memref_slice %arg9[%dma_start3A_260, %dma_start3A_261] : memref<100x128xf32, #tpu.memory_space<vmem>> -> memref<80x128xf32, #tpu.memory_space<vmem>>
      tpu.enqueue_dma source(%dma_start3A_262 : memref<80x128xf32, #tpu.memory_space<vmem>>) target(%dma_start3A_259 : memref<80x128xf32, #tpu.memory_space<vmem_shared>>) target_semaphore(%run_scoped3A : memref<!tpu.dma_semaphore, #tpu.memory_space<semaphore_mem>>)
      %dma_wait3A_263 = arith.constant 0 : i32
      %dma_wait3A_264 = arith.constant 0 : i32
      %dma_wait3A_265 = tpu.memref_slice %arg9[%dma_wait3A_263, %dma_wait3A_264] : memref<100x128xf32, #tpu.memory_space<vmem>> -> memref<80x128xf32, #tpu.memory_space<vmem>>
      %dma_wait3A_266 = arith.constant 0 : i32
      %dma_wait3A_267 = tpu.memref_slice %arg11[%add3A_6, %dma_wait3A_266] : memref<10240x128xf32, #tpu.memory_space<vmem_shared>> -> memref<80x128xf32, #tpu.memory_space<vmem_shared>>
      %dma_wait3A_268 = arith.constant 0 : i32
      %dma_wait3A_269 = tpu.memref_slice %arg11[%add3A_6, %dma_wait3A_268] : memref<10240x128xf32, #tpu.memory_space<vmem_shared>> -> memref<80x128xf32, #tpu.memory_space<vmem_shared>>
      %dma_wait3A_270 = arith.constant 0 : i32
      %dma_wait3A_271 = arith.constant 0 : i32
      %dma_wait3A_272 = tpu.memref_slice %arg9[%dma_wait3A_270, %dma_wait3A_271] : memref<100x128xf32, #tpu.memory_space<vmem>> -> memref<80x128xf32, #tpu.memory_space<vmem>>
      tpu.wait_dma2 semaphore(%run_scoped3A : memref<!tpu.dma_semaphore, #tpu.memory_space<semaphore_mem>>) src(%dma_wait3A_272 : memref<80x128xf32, #tpu.memory_space<vmem>>) dst(%dma_wait3A_269 : memref<80x128xf32, #tpu.memory_space<vmem_shared>>)
      tpu.yield
    }) : () -> ()
    %add3A_7 = arith.constant 160 : i32
    %add3A_8 = arith.addi %mul3A_2, %add3A_7 : i32
    "tpu.region"() ({
      %run_scoped3A = tpu.sem_alloc : memref<!tpu.dma_semaphore, #tpu.memory_space<semaphore_mem>>
      %dma_start3A_253 = arith.constant 0 : i32
      %dma_start3A_254 = arith.constant 0 : i32
      %dma_start3A_255 = tpu.memref_slice %arg9[%dma_start3A_253, %dma_start3A_254] : memref<100x128xf32, #tpu.memory_space<vmem>> -> memref<80x128xf32, #tpu.memory_space<vmem>>
      %dma_start3A_256 = arith.constant 0 : i32
      %dma_start3A_257 = tpu.memref_slice %arg11[%add3A_8, %dma_start3A_256] : memref<10240x128xf32, #tpu.memory_space<vmem_shared>> -> memref<80x128xf32, #tpu.memory_space<vmem_shared>>
      %dma_start3A_258 = arith.constant 0 : i32
      %dma_start3A_259 = tpu.memref_slice %arg11[%add3A_8, %dma_start3A_258] : memref<10240x128xf32, #tpu.memory_space<vmem_shared>> -> memref<80x128xf32, #tpu.memory_space<vmem_shared>>
      %dma_start3A_260 = arith.constant 0 : i32
      %dma_start3A_261 = arith.constant 0 : i32
      %dma_start3A_262 = tpu.memref_slice %arg9[%dma_start3A_260, %dma_start3A_261] : memref<100x128xf32, #tpu.memory_space<vmem>> -> memref<80x128xf32, #tpu.memory_space<vmem>>
      tpu.enqueue_dma source(%dma_start3A_262 : memref<80x128xf32, #tpu.memory_space<vmem>>) target(%dma_start3A_259 : memref<80x128xf32, #tpu.memory_space<vmem_shared>>) target_semaphore(%run_scoped3A : memref<!tpu.dma_semaphore, #tpu.memory_space<semaphore_mem>>)
      %dma_wait3A_263 = arith.constant 0 : i32
      %dma_wait3A_264 = arith.constant 0 : i32
      %dma_wait3A_265 = tpu.memref_slice %arg9[%dma_wait3A_263, %dma_wait3A_264] : memref<100x128xf32, #tpu.memory_space<vmem>> -> memref<80x128xf32, #tpu.memory_space<vmem>>
      %dma_wait3A_266 = arith.constant 0 : i32
      %dma_wait3A_267 = tpu.memref_slice %arg11[%add3A_8, %dma_wait3A_266] : memref<10240x128xf32, #tpu.memory_space<vmem_shared>> -> memref<80x128xf32, #tpu.memory_space<vmem_shared>>
      %dma_wait3A_268 = arith.constant 0 : i32
      %dma_wait3A_269 = tpu.memref_slice %arg11[%add3A_8, %dma_wait3A_268] : memref<10240x128xf32, #tpu.memory_space<vmem_shared>> -> memref<80x128xf32, #tpu.memory_space<vmem_shared>>
      %dma_wait3A_270 = arith.constant 0 : i32
      %dma_wait3A_271 = arith.constant 0 : i32
      %dma_wait3A_272 = tpu.memref_slice %arg9[%dma_wait3A_270, %dma_wait3A_271] : memref<100x128xf32, #tpu.memory_space<vmem>> -> memref<80x128xf32, #tpu.memory_space<vmem>>
      tpu.wait_dma2 semaphore(%run_scoped3A : memref<!tpu.dma_semaphore, #tpu.memory_space<semaphore_mem>>) src(%dma_wait3A_272 : memref<80x128xf32, #tpu.memory_space<vmem>>) dst(%dma_wait3A_269 : memref<80x128xf32, #tpu.memory_space<vmem_shared>>)
      tpu.yield
    }) : () -> ()
    %add3A_9 = arith.constant 240 : i32
    %add3A_10 = arith.addi %mul3A_2, %add3A_9 : i32
    "tpu.region"() ({
      %run_scoped3A = tpu.sem_alloc : memref<!tpu.dma_semaphore, #tpu.memory_space<semaphore_mem>>
      %dma_start3A_253 = arith.constant 0 : i32
      %dma_start3A_254 = arith.constant 0 : i32
      %dma_start3A_255 = tpu.memref_slice %arg9[%dma_start3A_253, %dma_start3A_254] : memref<100x128xf32, #tpu.memory_space<vmem>> -> memref<80x128xf32, #tpu.memory_space<vmem>>
      %dma_start3A_256 = arith.constant 0 : i32
      %dma_start3A_257 = tpu.memref_slice %arg11[%add3A_10, %dma_start3A_256] : memref<10240x128xf32, #tpu.memory_space<vmem_shared>> -> memref<80x128xf32, #tpu.memory_space<vmem_shared>>
      %dma_start3A_258 = arith.constant 0 : i32
      %dma_start3A_259 = tpu.memref_slice %arg11[%add3A_10, %dma_start3A_258] : memref<10240x128xf32, #tpu.memory_space<vmem_shared>> -> memref<80x128xf32, #tpu.memory_space<vmem_shared>>
      %dma_start3A_260 = arith.constant 0 : i32
      %dma_start3A_261 = arith.constant 0 : i32
      %dma_start3A_262 = tpu.memref_slice %arg9[%dma_start3A_260, %dma_start3A_261] : memref<100x128xf32, #tpu.memory_space<vmem>> -> memref<80x128xf32, #tpu.memory_space<vmem>>
      tpu.enqueue_dma source(%dma_start3A_262 : memref<80x128xf32, #tpu.memory_space<vmem>>) target(%dma_start3A_259 : memref<80x128xf32, #tpu.memory_space<vmem_shared>>) target_semaphore(%run_scoped3A : memref<!tpu.dma_semaphore, #tpu.memory_space<semaphore_mem>>)
      %dma_wait3A_263 = arith.constant 0 : i32
      %dma_wait3A_264 = arith.constant 0 : i32
      %dma_wait3A_265 = tpu.memref_slice %arg9[%dma_wait3A_263, %dma_wait3A_264] : memref<100x128xf32, #tpu.memory_space<vmem>> -> memref<80x128xf32, #tpu.memory_space<vmem>>
      %dma_wait3A_266 = arith.constant 0 : i32
      %dma_wait3A_267 = tpu.memref_slice %arg11[%add3A_10, %dma_wait3A_266] : memref<10240x128xf32, #tpu.memory_space<vmem_shared>> -> memref<80x128xf32, #tpu.memory_space<vmem_shared>>
      %dma_wait3A_268 = arith.constant 0 : i32
      %dma_wait3A_269 = tpu.memref_slice %arg11[%add3A_10, %dma_wait3A_268] : memref<10240x128xf32, #tpu.memory_space<vmem_shared>> -> memref<80x128xf32, #tpu.memory_space<vmem_shared>>
      %dma_wait3A_270 = arith.constant 0 : i32
      %dma_wait3A_271 = arith.constant 0 : i32
      %dma_wait3A_272 = tpu.memref_slice %arg9[%dma_wait3A_270, %dma_wait3A_271] : memref<100x128xf32, #tpu.memory_space<vmem>> -> memref<80x128xf32, #tpu.memory_space<vmem>>
      tpu.wait_dma2 semaphore(%run_scoped3A : memref<!tpu.dma_semaphore, #tpu.memory_space<semaphore_mem>>) src(%dma_wait3A_272 : memref<80x128xf32, #tpu.memory_space<vmem>>) dst(%dma_wait3A_269 : memref<80x128xf32, #tpu.memory_space<vmem_shared>>)
      tpu.yield
    }) : () -> ()
    %add3A_11 = arith.constant 320 : i32
    %add3A_12 = arith.addi %mul3A_2, %add3A_11 : i32
    "tpu.region"() ({
      %run_scoped3A = tpu.sem_alloc : memref<!tpu.dma_semaphore, #tpu.memory_space<semaphore_mem>>
      %dma_start3A_253 = arith.constant 0 : i32
      %dma_start3A_254 = arith.constant 0 : i32
      %dma_start3A_255 = tpu.memref_slice %arg9[%dma_start3A_253, %dma_start3A_254] : memref<100x128xf32, #tpu.memory_space<vmem>> -> memref<80x128xf32, #tpu.memory_space<vmem>>
      %dma_start3A_256 = arith.constant 0 : i32
      %dma_start3A_257 = tpu.memref_slice %arg11[%add3A_12, %dma_start3A_256] : memref<10240x128xf32, #tpu.memory_space<vmem_shared>> -> memref<80x128xf32, #tpu.memory_space<vmem_shared>>
      %dma_start3A_258 = arith.constant 0 : i32
      %dma_start3A_259 = tpu.memref_slice %arg11[%add3A_12, %dma_start3A_258] : memref<10240x128xf32, #tpu.memory_space<vmem_shared>> -> memref<80x128xf32, #tpu.memory_space<vmem_shared>>
      %dma_start3A_260 = arith.constant 0 : i32
      %dma_start3A_261 = arith.constant 0 : i32
      %dma_start3A_262 = tpu.memref_slice %arg9[%dma_start3A_260, %dma_start3A_261] : memref<100x128xf32, #tpu.memory_space<vmem>> -> memref<80x128xf32, #tpu.memory_space<vmem>>
      tpu.enqueue_dma source(%dma_start3A_262 : memref<80x128xf32, #tpu.memory_space<vmem>>) target(%dma_start3A_259 : memref<80x128xf32, #tpu.memory_space<vmem_shared>>) target_semaphore(%run_scoped3A : memref<!tpu.dma_semaphore, #tpu.memory_space<semaphore_mem>>)
      %dma_wait3A_263 = arith.constant 0 : i32
      %dma_wait3A_264 = arith.constant 0 : i32
      %dma_wait3A_265 = tpu.memref_slice %arg9[%dma_wait3A_263, %dma_wait3A_264] : memref<100x128xf32, #tpu.memory_space<vmem>> -> memref<80x128xf32, #tpu.memory_space<vmem>>
      %dma_wait3A_266 = arith.constant 0 : i32
      %dma_wait3A_267 = tpu.memref_slice %arg11[%add3A_12, %dma_wait3A_266] : memref<10240x128xf32, #tpu.memory_space<vmem_shared>> -> memref<80x128xf32, #tpu.memory_space<vmem_shared>>
      %dma_wait3A_268 = arith.constant 0 : i32
      %dma_wait3A_269 = tpu.memref_slice %arg11[%add3A_12, %dma_wait3A_268] : memref<10240x128xf32, #tpu.memory_space<vmem_shared>> -> memref<80x128xf32, #tpu.memory_space<vmem_shared>>
      %dma_wait3A_270 = arith.constant 0 : i32
      %dma_wait3A_271 = arith.constant 0 : i32
      %dma_wait3A_272 = tpu.memref_slice %arg9[%dma_wait3A_270, %dma_wait3A_271] : memref<100x128xf32, #tpu.memory_space<vmem>> -> memref<80x128xf32, #tpu.memory_space<vmem>>
      tpu.wait_dma2 semaphore(%run_scoped3A : memref<!tpu.dma_semaphore, #tpu.memory_space<semaphore_mem>>) src(%dma_wait3A_272 : memref<80x128xf32, #tpu.memory_space<vmem>>) dst(%dma_wait3A_269 : memref<80x128xf32, #tpu.memory_space<vmem_shared>>)
      tpu.yield
    }) : () -> ()
    %add3A_13 = arith.constant 400 : i32
    %add3A_14 = arith.addi %mul3A_2, %add3A_13 : i32
    "tpu.region"() ({
      %run_scoped3A = tpu.sem_alloc : memref<!tpu.dma_semaphore, #tpu.memory_space<semaphore_mem>>
      %dma_start3A_253 = arith.constant 0 : i32
      %dma_start3A_254 = arith.constant 0 : i32
      %dma_start3A_255 = tpu.memref_slice %arg9[%dma_start3A_253, %dma_start3A_254] : memref<100x128xf32, #tpu.memory_space<vmem>> -> memref<80x128xf32, #tpu.memory_space<vmem>>
      %dma_start3A_256 = arith.constant 0 : i32
      %dma_start3A_257 = tpu.memref_slice %arg11[%add3A_14, %dma_start3A_256] : memref<10240x128xf32, #tpu.memory_space<vmem_shared>> -> memref<80x128xf32, #tpu.memory_space<vmem_shared>>
      %dma_start3A_258 = arith.constant 0 : i32
      %dma_start3A_259 = tpu.memref_slice %arg11[%add3A_14, %dma_start3A_258] : memref<10240x128xf32, #tpu.memory_space<vmem_shared>> -> memref<80x128xf32, #tpu.memory_space<vmem_shared>>
      %dma_start3A_260 = arith.constant 0 : i32
      %dma_start3A_261 = arith.constant 0 : i32
      %dma_start3A_262 = tpu.memref_slice %arg9[%dma_start3A_260, %dma_start3A_261] : memref<100x128xf32, #tpu.memory_space<vmem>> -> memref<80x128xf32, #tpu.memory_space<vmem>>
      tpu.enqueue_dma source(%dma_start3A_262 : memref<80x128xf32, #tpu.memory_space<vmem>>) target(%dma_start3A_259 : memref<80x128xf32, #tpu.memory_space<vmem_shared>>) target_semaphore(%run_scoped3A : memref<!tpu.dma_semaphore, #tpu.memory_space<semaphore_mem>>)
      %dma_wait3A_263 = arith.constant 0 : i32
      %dma_wait3A_264 = arith.constant 0 : i32
      %dma_wait3A_265 = tpu.memref_slice %arg9[%dma_wait3A_263, %dma_wait3A_264] : memref<100x128xf32, #tpu.memory_space<vmem>> -> memref<80x128xf32, #tpu.memory_space<vmem>>
      %dma_wait3A_266 = arith.constant 0 : i32
      %dma_wait3A_267 = tpu.memref_slice %arg11[%add3A_14, %dma_wait3A_266] : memref<10240x128xf32, #tpu.memory_space<vmem_shared>> -> memref<80x128xf32, #tpu.memory_space<vmem_shared>>
      %dma_wait3A_268 = arith.constant 0 : i32
      %dma_wait3A_269 = tpu.memref_slice %arg11[%add3A_14, %dma_wait3A_268] : memref<10240x128xf32, #tpu.memory_space<vmem_shared>> -> memref<80x128xf32, #tpu.memory_space<vmem_shared>>
      %dma_wait3A_270 = arith.constant 0 : i32
      %dma_wait3A_271 = arith.constant 0 : i32
      %dma_wait3A_272 = tpu.memref_slice %arg9[%dma_wait3A_270, %dma_wait3A_271] : memref<100x128xf32, #tpu.memory_space<vmem>> -> memref<80x128xf32, #tpu.memory_space<vmem>>
      tpu.wait_dma2 semaphore(%run_scoped3A : memref<!tpu.dma_semaphore, #tpu.memory_space<semaphore_mem>>) src(%dma_wait3A_272 : memref<80x128xf32, #tpu.memory_space<vmem>>) dst(%dma_wait3A_269 : memref<80x128xf32, #tpu.memory_space<vmem_shared>>)
      tpu.yield
    }) : () -> ()
    %add3A_15 = arith.constant 480 : i32
    %add3A_16 = arith.addi %mul3A_2, %add3A_15 : i32
    "tpu.region"() ({
      %run_scoped3A = tpu.sem_alloc : memref<!tpu.dma_semaphore, #tpu.memory_space<semaphore_mem>>
      %dma_start3A_253 = arith.constant 0 : i32
      %dma_start3A_254 = arith.constant 0 : i32
      %dma_start3A_255 = tpu.memref_slice %arg9[%dma_start3A_253, %dma_start3A_254] : memref<100x128xf32, #tpu.memory_space<vmem>> -> memref<80x128xf32, #tpu.memory_space<vmem>>
      %dma_start3A_256 = arith.constant 0 : i32
      %dma_start3A_257 = tpu.memref_slice %arg11[%add3A_16, %dma_start3A_256] : memref<10240x128xf32, #tpu.memory_space<vmem_shared>> -> memref<80x128xf32, #tpu.memory_space<vmem_shared>>
      %dma_start3A_258 = arith.constant 0 : i32
      %dma_start3A_259 = tpu.memref_slice %arg11[%add3A_16, %dma_start3A_258] : memref<10240x128xf32, #tpu.memory_space<vmem_shared>> -> memref<80x128xf32, #tpu.memory_space<vmem_shared>>
      %dma_start3A_260 = arith.constant 0 : i32
      %dma_start3A_261 = arith.constant 0 : i32
      %dma_start3A_262 = tpu.memref_slice %arg9[%dma_start3A_260, %dma_start3A_261] : memref<100x128xf32, #tpu.memory_space<vmem>> -> memref<80x128xf32, #tpu.memory_space<vmem>>
      tpu.enqueue_dma source(%dma_start3A_262 : memref<80x128xf32, #tpu.memory_space<vmem>>) target(%dma_start3A_259 : memref<80x128xf32, #tpu.memory_space<vmem_shared>>) target_semaphore(%run_scoped3A : memref<!tpu.dma_semaphore, #tpu.memory_space<semaphore_mem>>)
      %dma_wait3A_263 = arith.constant 0 : i32
      %dma_wait3A_264 = arith.constant 0 : i32
      %dma_wait3A_265 = tpu.memref_slice %arg9[%dma_wait3A_263, %dma_wait3A_264] : memref<100x128xf32, #tpu.memory_space<vmem>> -> memref<80x128xf32, #tpu.memory_space<vmem>>
      %dma_wait3A_266 = arith.constant 0 : i32
      %dma_wait3A_267 = tpu.memref_slice %arg11[%add3A_16, %dma_wait3A_266] : memref<10240x128xf32, #tpu.memory_space<vmem_shared>> -> memref<80x128xf32, #tpu.memory_space<vmem_shared>>
      %dma_wait3A_268 = arith.constant 0 : i32
      %dma_wait3A_269 = tpu.memref_slice %arg11[%add3A_16, %dma_wait3A_268] : memref<10240x128xf32, #tpu.memory_space<vmem_shared>> -> memref<80x128xf32, #tpu.memory_space<vmem_shared>>
      %dma_wait3A_270 = arith.constant 0 : i32
      %dma_wait3A_271 = arith.constant 0 : i32
      %dma_wait3A_272 = tpu.memref_slice %arg9[%dma_wait3A_270, %dma_wait3A_271] : memref<100x128xf32, #tpu.memory_space<vmem>> -> memref<80x128xf32, #tpu.memory_space<vmem>>
      tpu.wait_dma2 semaphore(%run_scoped3A : memref<!tpu.dma_semaphore, #tpu.memory_space<semaphore_mem>>) src(%dma_wait3A_272 : memref<80x128xf32, #tpu.memory_space<vmem>>) dst(%dma_wait3A_269 : memref<80x128xf32, #tpu.memory_space<vmem_shared>>)
      tpu.yield
    }) : () -> ()
    %add3A_17 = arith.constant 560 : i32
    %add3A_18 = arith.addi %mul3A_2, %add3A_17 : i32
    "tpu.region"() ({
      %run_scoped3A = tpu.sem_alloc : memref<!tpu.dma_semaphore, #tpu.memory_space<semaphore_mem>>
      %dma_start3A_253 = arith.constant 0 : i32
      %dma_start3A_254 = arith.constant 0 : i32
      %dma_start3A_255 = tpu.memref_slice %arg9[%dma_start3A_253, %dma_start3A_254] : memref<100x128xf32, #tpu.memory_space<vmem>> -> memref<80x128xf32, #tpu.memory_space<vmem>>
      %dma_start3A_256 = arith.constant 0 : i32
      %dma_start3A_257 = tpu.memref_slice %arg11[%add3A_18, %dma_start3A_256] : memref<10240x128xf32, #tpu.memory_space<vmem_shared>> -> memref<80x128xf32, #tpu.memory_space<vmem_shared>>
      %dma_start3A_258 = arith.constant 0 : i32
      %dma_start3A_259 = tpu.memref_slice %arg11[%add3A_18, %dma_start3A_258] : memref<10240x128xf32, #tpu.memory_space<vmem_shared>> -> memref<80x128xf32, #tpu.memory_space<vmem_shared>>
      %dma_start3A_260 = arith.constant 0 : i32
      %dma_start3A_261 = arith.constant 0 : i32
      %dma_start3A_262 = tpu.memref_slice %arg9[%dma_start3A_260, %dma_start3A_261] : memref<100x128xf32, #tpu.memory_space<vmem>> -> memref<80x128xf32, #tpu.memory_space<vmem>>
      tpu.enqueue_dma source(%dma_start3A_262 : memref<80x128xf32, #tpu.memory_space<vmem>>) target(%dma_start3A_259 : memref<80x128xf32, #tpu.memory_space<vmem_shared>>) target_semaphore(%run_scoped3A : memref<!tpu.dma_semaphore, #tpu.memory_space<semaphore_mem>>)
      %dma_wait3A_263 = arith.constant 0 : i32
      %dma_wait3A_264 = arith.constant 0 : i32
      %dma_wait3A_265 = tpu.memref_slice %arg9[%dma_wait3A_263, %dma_wait3A_264] : memref<100x128xf32, #tpu.memory_space<vmem>> -> memref<80x128xf32, #tpu.memory_space<vmem>>
      %dma_wait3A_266 = arith.constant 0 : i32
      %dma_wait3A_267 = tpu.memref_slice %arg11[%add3A_18, %dma_wait3A_266] : memref<10240x128xf32, #tpu.memory_space<vmem_shared>> -> memref<80x128xf32, #tpu.memory_space<vmem_shared>>
      %dma_wait3A_268 = arith.constant 0 : i32
      %dma_wait3A_269 = tpu.memref_slice %arg11[%add3A_18, %dma_wait3A_268] : memref<10240x128xf32, #tpu.memory_space<vmem_shared>> -> memref<80x128xf32, #tpu.memory_space<vmem_shared>>
      %dma_wait3A_270 = arith.constant 0 : i32
      %dma_wait3A_271 = arith.constant 0 : i32
      %dma_wait3A_272 = tpu.memref_slice %arg9[%dma_wait3A_270, %dma_wait3A_271] : memref<100x128xf32, #tpu.memory_space<vmem>> -> memref<80x128xf32, #tpu.memory_space<vmem>>
      tpu.wait_dma2 semaphore(%run_scoped3A : memref<!tpu.dma_semaphore, #tpu.memory_space<semaphore_mem>>) src(%dma_wait3A_272 : memref<80x128xf32, #tpu.memory_space<vmem>>) dst(%dma_wait3A_269 : memref<80x128xf32, #tpu.memory_space<vmem_shared>>)
      tpu.yield
    }) : () -> ()
    %barrier3A = arith.constant 0 : index
    tpu.barrier barrier_id(%barrier3A)
    %mul3A_19 = arith.constant 100 : i32
    %mul3A_20 = arith.muli %add3A, %mul3A_19 : i32
    %add3A_21 = arith.constant 0 : i32
    %add3A_22 = arith.addi %mul3A_20, %add3A_21 : i32
    "tpu.region"() ({
      %run_scoped3A = tpu.sem_alloc : memref<!tpu.dma_semaphore, #tpu.memory_space<semaphore_mem>>
      %dma_start3A_253 = arith.constant 0 : i32
      %dma_start3A_254 = arith.constant 0 : i32
      %dma_start3A_255 = tpu.memref_slice %arg3[%add3A_22, %dma_start3A_253, %dma_start3A_254] : memref<3200x1x100xi32, #tpu.memory_space<hbm>> -> memref<50x1x100xi32, #tpu.memory_space<hbm>>
      %dma_start3A_256 = arith.constant 0 : i32
      %dma_start3A_257 = arith.constant 0 : i32
      %dma_start3A_258 = tpu.memref_slice %arg3[%add3A_22, %dma_start3A_256, %dma_start3A_257] : memref<3200x1x100xi32, #tpu.memory_space<hbm>> -> memref<50x1x100xi32, #tpu.memory_space<hbm>>
      tpu.enqueue_dma source(%dma_start3A_258 : memref<50x1x100xi32, #tpu.memory_space<hbm>>) target(%arg7 : memref<50x1x100xi32, #tpu.memory_space<vmem>>) target_semaphore(%run_scoped3A : memref<!tpu.dma_semaphore, #tpu.memory_space<semaphore_mem>>)
      %dma_wait3A_259 = arith.constant 0 : i32
      %dma_wait3A_260 = arith.constant 0 : i32
      %dma_wait3A_261 = tpu.memref_slice %arg3[%add3A_22, %dma_wait3A_259, %dma_wait3A_260] : memref<3200x1x100xi32, #tpu.memory_space<hbm>> -> memref<50x1x100xi32, #tpu.memory_space<hbm>>
      %dma_wait3A_262 = arith.constant 0 : i32
      %dma_wait3A_263 = arith.constant 0 : i32
      %dma_wait3A_264 = tpu.memref_slice %arg3[%add3A_22, %dma_wait3A_262, %dma_wait3A_263] : memref<3200x1x100xi32, #tpu.memory_space<hbm>> -> memref<50x1x100xi32, #tpu.memory_space<hbm>>
      tpu.wait_dma2 semaphore(%run_scoped3A : memref<!tpu.dma_semaphore, #tpu.memory_space<semaphore_mem>>) src(%dma_wait3A_264 : memref<50x1x100xi32, #tpu.memory_space<hbm>>) dst(%arg7 : memref<50x1x100xi32, #tpu.memory_space<vmem>>)
      tpu.yield
    }) : () -> ()
    %mul3A_23 = arith.constant 100 : i32
    %mul3A_24 = arith.muli %add3A, %mul3A_23 : i32
    %add3A_25 = arith.constant 0 : i32
    %add3A_26 = arith.addi %mul3A_24, %add3A_25 : i32
    "tpu.region"() ({
      %run_scoped3A = tpu.sem_alloc : memref<!tpu.dma_semaphore, #tpu.memory_space<semaphore_mem>>
      %dma_start3A_253 = arith.constant 0 : i32
      %dma_start3A_254 = arith.constant 0 : i32
      %dma_start3A_255 = tpu.memref_slice %arg4[%add3A_26, %dma_start3A_253, %dma_start3A_254] : memref<3200x1x100xi32, #tpu.memory_space<hbm>> -> memref<50x1x100xi32, #tpu.memory_space<hbm>>
      %dma_start3A_256 = arith.constant 0 : i32
      %dma_start3A_257 = arith.constant 0 : i32
      %dma_start3A_258 = tpu.memref_slice %arg4[%add3A_26, %dma_start3A_256, %dma_start3A_257] : memref<3200x1x100xi32, #tpu.memory_space<hbm>> -> memref<50x1x100xi32, #tpu.memory_space<hbm>>
      tpu.enqueue_dma source(%dma_start3A_258 : memref<50x1x100xi32, #tpu.memory_space<hbm>>) target(%arg8 : memref<50x1x100xi32, #tpu.memory_space<vmem>>) target_semaphore(%run_scoped3A : memref<!tpu.dma_semaphore, #tpu.memory_space<semaphore_mem>>)
      %dma_wait3A_259 = arith.constant 0 : i32
      %dma_wait3A_260 = arith.constant 0 : i32
      %dma_wait3A_261 = tpu.memref_slice %arg4[%add3A_26, %dma_wait3A_259, %dma_wait3A_260] : memref<3200x1x100xi32, #tpu.memory_space<hbm>> -> memref<50x1x100xi32, #tpu.memory_space<hbm>>
      %dma_wait3A_262 = arith.constant 0 : i32
      %dma_wait3A_263 = arith.constant 0 : i32
      %dma_wait3A_264 = tpu.memref_slice %arg4[%add3A_26, %dma_wait3A_262, %dma_wait3A_263] : memref<3200x1x100xi32, #tpu.memory_space<hbm>> -> memref<50x1x100xi32, #tpu.memory_space<hbm>>
      tpu.wait_dma2 semaphore(%run_scoped3A : memref<!tpu.dma_semaphore, #tpu.memory_space<semaphore_mem>>) src(%dma_wait3A_264 : memref<50x1x100xi32, #tpu.memory_space<hbm>>) dst(%arg8 : memref<50x1x100xi32, #tpu.memory_space<vmem>>)
      tpu.yield
    }) : () -> ()
    %dma_start3A = arith.constant 0 : i32
    %dma_start3A_27 = arith.constant 0 : i32
    %dma_start3A_28 = arith.constant 0 : i32
    %dma_start3A_29 = tpu.memref_slice %arg7[%dma_start3A, %dma_start3A_27, %dma_start3A_28] : memref<50x1x100xi32, #tpu.memory_space<vmem>> -> memref<1x1x100xi32, #tpu.memory_space<vmem>>
    %dma_start3A_30 = tpu.memref_squeeze %dma_start3A_29 : memref<1x1x100xi32, #tpu.memory_space<vmem>> -> memref<100xi32, #tpu.memory_space<vmem>>
    %dma_start3A_31 = arith.constant 0 : i32
    %dma_start3A_32 = arith.constant 0 : i32
    %dma_start3A_33 = tpu.memref_slice %arg2[%dma_start3A_31, %dma_start3A_32] : memref<10000x128xf32, #tpu.memory_space<hbm>> -> memref<10000x128xf32, #tpu.memory_space<hbm>>
    tpu.enqueue_indirect_dma source(%dma_start3A_33 : memref<10000x128xf32, #tpu.memory_space<hbm>>) target(%arg9 : memref<100x128xf32, #tpu.memory_space<vmem>>) offsets(%dma_start3A_30 : memref<100xi32, #tpu.memory_space<vmem>>) semaphore(%arg12 : memref<!tpu.dma_semaphore, #tpu.memory_space<semaphore_mem>>)
    %dma_wait3A = arith.constant 0 : i32
    %dma_wait3A_34 = arith.constant 0 : i32
    %dma_wait3A_35 = arith.constant 0 : i32
    %dma_wait3A_36 = tpu.memref_slice %arg7[%dma_wait3A, %dma_wait3A_34, %dma_wait3A_35] : memref<50x1x100xi32, #tpu.memory_space<vmem>> -> memref<1x1x100xi32, #tpu.memory_space<vmem>>
    %dma_wait3A_37 = tpu.memref_squeeze %dma_wait3A_36 : memref<1x1x100xi32, #tpu.memory_space<vmem>> -> memref<100xi32, #tpu.memory_space<vmem>>
    %dma_wait3A_38 = arith.constant 0 : i32
    %dma_wait3A_39 = arith.constant 0 : i32
    %dma_wait3A_40 = tpu.memref_slice %arg2[%dma_wait3A_38, %dma_wait3A_39] : memref<10000x128xf32, #tpu.memory_space<hbm>> -> memref<10000x128xf32, #tpu.memory_space<hbm>>
    tpu.wait_indirect_dma semaphore(%arg12 : memref<!tpu.dma_semaphore, #tpu.memory_space<semaphore_mem>>) src(%dma_wait3A_40 : memref<10000x128xf32, #tpu.memory_space<hbm>>) dst(%arg9 : memref<100x128xf32, #tpu.memory_space<vmem>>)
    %dma_start3A_41 = arith.constant 0 : i32
    %dma_start3A_42 = arith.constant 0 : i32
    %dma_start3A_43 = arith.constant 0 : i32
    %dma_start3A_44 = tpu.memref_slice %arg8[%dma_start3A_41, %dma_start3A_42, %dma_start3A_43] : memref<50x1x100xi32, #tpu.memory_space<vmem>> -> memref<1x1x100xi32, #tpu.memory_space<vmem>>
    %dma_start3A_45 = tpu.memref_squeeze %dma_start3A_44 : memref<1x1x100xi32, #tpu.memory_space<vmem>> -> memref<100xi32, #tpu.memory_space<vmem>>
    %dma_start3A_46 = arith.constant 0 : i32
    %dma_start3A_47 = arith.constant 0 : i32
    %dma_start3A_48 = tpu.memref_slice %arg11[%dma_start3A_46, %dma_start3A_47] : memref<10240x128xf32, #tpu.memory_space<vmem_shared>> -> memref<10240x128xf32, #tpu.memory_space<vmem_shared>>
    tpu.enqueue_indirect_dma source(%arg9 : memref<100x128xf32, #tpu.memory_space<vmem>>) target(%dma_start3A_48 : memref<10240x128xf32, #tpu.memory_space<vmem_shared>>) offsets(%dma_start3A_45 : memref<100xi32, #tpu.memory_space<vmem>>) semaphore(%arg14 : memref<!tpu.dma_semaphore, #tpu.memory_space<semaphore_mem>>) {add = true}
    %dma_start3A_49 = arith.constant 1 : i32
    %dma_start3A_50 = arith.constant 0 : i32
    %dma_start3A_51 = arith.constant 0 : i32
    %dma_start3A_52 = tpu.memref_slice %arg7[%dma_start3A_49, %dma_start3A_50, %dma_start3A_51] : memref<50x1x100xi32, #tpu.memory_space<vmem>> -> memref<1x1x100xi32, #tpu.memory_space<vmem>>
    %dma_start3A_53 = tpu.memref_squeeze %dma_start3A_52 : memref<1x1x100xi32, #tpu.memory_space<vmem>> -> memref<100xi32, #tpu.memory_space<vmem>>
    %dma_start3A_54 = arith.constant 0 : i32
    %dma_start3A_55 = arith.constant 0 : i32
    %dma_start3A_56 = tpu.memref_slice %arg2[%dma_start3A_54, %dma_start3A_55] : memref<10000x128xf32, #tpu.memory_space<hbm>> -> memref<10000x128xf32, #tpu.memory_space<hbm>>
    tpu.enqueue_indirect_dma source(%dma_start3A_56 : memref<10000x128xf32, #tpu.memory_space<hbm>>) target(%arg10 : memref<100x128xf32, #tpu.memory_space<vmem>>) offsets(%dma_start3A_53 : memref<100xi32, #tpu.memory_space<vmem>>) semaphore(%arg13 : memref<!tpu.dma_semaphore, #tpu.memory_space<semaphore_mem>>)
    %dma_wait3A_57 = arith.constant 1 : i32
    %dma_wait3A_58 = arith.constant 0 : i32
    %dma_wait3A_59 = arith.constant 0 : i32
    %dma_wait3A_60 = tpu.memref_slice %arg7[%dma_wait3A_57, %dma_wait3A_58, %dma_wait3A_59] : memref<50x1x100xi32, #tpu.memory_space<vmem>> -> memref<1x1x100xi32, #tpu.memory_space<vmem>>
    %dma_wait3A_61 = tpu.memref_squeeze %dma_wait3A_60 : memref<1x1x100xi32, #tpu.memory_space<vmem>> -> memref<100xi32, #tpu.memory_space<vmem>>
    %dma_wait3A_62 = arith.constant 0 : i32
    %dma_wait3A_63 = arith.constant 0 : i32
    %dma_wait3A_64 = tpu.memref_slice %arg2[%dma_wait3A_62, %dma_wait3A_63] : memref<10000x128xf32, #tpu.memory_space<hbm>> -> memref<10000x128xf32, #tpu.memory_space<hbm>>
    tpu.wait_indirect_dma semaphore(%arg13 : memref<!tpu.dma_semaphore, #tpu.memory_space<semaphore_mem>>) src(%dma_wait3A_64 : memref<10000x128xf32, #tpu.memory_space<hbm>>) dst(%arg10 : memref<100x128xf32, #tpu.memory_space<vmem>>)
    %dma_start3A_65 = arith.constant 1 : i32
    %dma_start3A_66 = arith.constant 0 : i32
    %dma_start3A_67 = arith.constant 0 : i32
    %dma_start3A_68 = tpu.memref_slice %arg8[%dma_start3A_65, %dma_start3A_66, %dma_start3A_67] : memref<50x1x100xi32, #tpu.memory_space<vmem>> -> memref<1x1x100xi32, #tpu.memory_space<vmem>>
    %dma_start3A_69 = tpu.memref_squeeze %dma_start3A_68 : memref<1x1x100xi32, #tpu.memory_space<vmem>> -> memref<100xi32, #tpu.memory_space<vmem>>
    %dma_start3A_70 = arith.constant 0 : i32
    %dma_start3A_71 = arith.constant 0 : i32
    %dma_start3A_72 = tpu.memref_slice %arg11[%dma_start3A_70, %dma_start3A_71] : memref<10240x128xf32, #tpu.memory_space<vmem_shared>> -> memref<10240x128xf32, #tpu.memory_space<vmem_shared>>
    tpu.enqueue_indirect_dma source(%arg10 : memref<100x128xf32, #tpu.memory_space<vmem>>) target(%dma_start3A_72 : memref<10240x128xf32, #tpu.memory_space<vmem_shared>>) offsets(%dma_start3A_69 : memref<100xi32, #tpu.memory_space<vmem>>) semaphore(%arg15 : memref<!tpu.dma_semaphore, #tpu.memory_space<semaphore_mem>>) {add = true}
    tpu.wait_dma2 semaphore(%arg14 : memref<!tpu.dma_semaphore, #tpu.memory_space<semaphore_mem>>) src(%arg5 : memref<100x128xf32, #tpu.memory_space<hbm>>) dst(%arg9 : memref<100x128xf32, #tpu.memory_space<vmem>>)
    %dma_start3A_73 = arith.constant 2 : i32
    %dma_start3A_74 = arith.constant 0 : i32
    %dma_start3A_75 = arith.constant 0 : i32
    %dma_start3A_76 = tpu.memref_slice %arg7[%dma_start3A_73, %dma_start3A_74, %dma_start3A_75] : memref<50x1x100xi32, #tpu.memory_space<vmem>> -> memref<1x1x100xi32, #tpu.memory_space<vmem>>
    %dma_start3A_77 = tpu.memref_squeeze %dma_start3A_76 : memref<1x1x100xi32, #tpu.memory_space<vmem>> -> memref<100xi32, #tpu.memory_space<vmem>>
    %dma_start3A_78 = arith.constant 0 : i32
    %dma_start3A_79 = arith.constant 0 : i32
    %dma_start3A_80 = tpu.memref_slice %arg2[%dma_start3A_78, %dma_start3A_79] : memref<10000x128xf32, #tpu.memory_space<hbm>> -> memref<10000x128xf32, #tpu.memory_space<hbm>>
    tpu.enqueue_indirect_dma source(%dma_start3A_80 : memref<10000x128xf32, #tpu.memory_space<hbm>>) target(%arg9 : memref<100x128xf32, #tpu.memory_space<vmem>>) offsets(%dma_start3A_77 : memref<100xi32, #tpu.memory_space<vmem>>) semaphore(%arg12 : memref<!tpu.dma_semaphore, #tpu.memory_space<semaphore_mem>>)
    %scan3A = arith.constant 0 : i32
    %scan3A_81 = arith.constant 1 : i32
    %scan3A_82 = arith.constant 23 : i32
    %scan3A_83 = arith.addi %scan3A_81, %scan3A_82 : i32
    %scan3A_84 = arith.constant 1 : i32
    scf.for %scan3A_253 = %scan3A_81 to %scan3A_83 step %scan3A_84  : i32 {
      %mul3A_254 = arith.constant 2 : i32
      %mul3A_255 = arith.muli %mul3A_254, %scan3A_253 : i32
      tpu.wait_dma2 semaphore(%arg12 : memref<!tpu.dma_semaphore, #tpu.memory_space<semaphore_mem>>) src(%arg5 : memref<100x128xf32, #tpu.memory_space<hbm>>) dst(%arg9 : memref<100x128xf32, #tpu.memory_space<vmem>>)
      %dma_start3A_256 = arith.constant 0 : i32
      %dma_start3A_257 = arith.constant 0 : i32
      %dma_start3A_258 = tpu.memref_slice %arg8[%mul3A_255, %dma_start3A_256, %dma_start3A_257] : memref<50x1x100xi32, #tpu.memory_space<vmem>> -> memref<1x1x100xi32, #tpu.memory_space<vmem>>
      %dma_start3A_259 = tpu.memref_squeeze %dma_start3A_258 : memref<1x1x100xi32, #tpu.memory_space<vmem>> -> memref<100xi32, #tpu.memory_space<vmem>>
      %dma_start3A_260 = arith.constant 0 : i32
      %dma_start3A_261 = arith.constant 0 : i32
      %dma_start3A_262 = tpu.memref_slice %arg11[%dma_start3A_260, %dma_start3A_261] : memref<10240x128xf32, #tpu.memory_space<vmem_shared>> -> memref<10240x128xf32, #tpu.memory_space<vmem_shared>>
      tpu.enqueue_indirect_dma source(%arg9 : memref<100x128xf32, #tpu.memory_space<vmem>>) target(%dma_start3A_262 : memref<10240x128xf32, #tpu.memory_space<vmem_shared>>) offsets(%dma_start3A_259 : memref<100xi32, #tpu.memory_space<vmem>>) semaphore(%arg14 : memref<!tpu.dma_semaphore, #tpu.memory_space<semaphore_mem>>) {add = true}
      tpu.wait_dma2 semaphore(%arg15 : memref<!tpu.dma_semaphore, #tpu.memory_space<semaphore_mem>>) src(%arg5 : memref<100x128xf32, #tpu.memory_space<hbm>>) dst(%arg10 : memref<100x128xf32, #tpu.memory_space<vmem>>)
      %add3A_263 = arith.constant 1 : i32
      %add3A_264 = arith.addi %mul3A_255, %add3A_263 : i32
      %dma_start3A_265 = arith.constant 0 : i32
      %dma_start3A_266 = arith.constant 0 : i32
      %dma_start3A_267 = tpu.memref_slice %arg7[%add3A_264, %dma_start3A_265, %dma_start3A_266] : memref<50x1x100xi32, #tpu.memory_space<vmem>> -> memref<1x1x100xi32, #tpu.memory_space<vmem>>
      %dma_start3A_268 = tpu.memref_squeeze %dma_start3A_267 : memref<1x1x100xi32, #tpu.memory_space<vmem>> -> memref<100xi32, #tpu.memory_space<vmem>>
      %dma_start3A_269 = arith.constant 0 : i32
      %dma_start3A_270 = arith.constant 0 : i32
      %dma_start3A_271 = tpu.memref_slice %arg2[%dma_start3A_269, %dma_start3A_270] : memref<10000x128xf32, #tpu.memory_space<hbm>> -> memref<10000x128xf32, #tpu.memory_space<hbm>>
      tpu.enqueue_indirect_dma source(%dma_start3A_271 : memref<10000x128xf32, #tpu.memory_space<hbm>>) target(%arg10 : memref<100x128xf32, #tpu.memory_space<vmem>>) offsets(%dma_start3A_268 : memref<100xi32, #tpu.memory_space<vmem>>) semaphore(%arg13 : memref<!tpu.dma_semaphore, #tpu.memory_space<semaphore_mem>>)
      tpu.wait_dma2 semaphore(%arg13 : memref<!tpu.dma_semaphore, #tpu.memory_space<semaphore_mem>>) src(%arg5 : memref<100x128xf32, #tpu.memory_space<hbm>>) dst(%arg10 : memref<100x128xf32, #tpu.memory_space<vmem>>)
      %add3A_272 = arith.constant 1 : i32
      %add3A_273 = arith.addi %mul3A_255, %add3A_272 : i32
      %dma_start3A_274 = arith.constant 0 : i32
      %dma_start3A_275 = arith.constant 0 : i32
      %dma_start3A_276 = tpu.memref_slice %arg8[%add3A_273, %dma_start3A_274, %dma_start3A_275] : memref<50x1x100xi32, #tpu.memory_space<vmem>> -> memref<1x1x100xi32, #tpu.memory_space<vmem>>
      %dma_start3A_277 = tpu.memref_squeeze %dma_start3A_276 : memref<1x1x100xi32, #tpu.memory_space<vmem>> -> memref<100xi32, #tpu.memory_space<vmem>>
      %dma_start3A_278 = arith.constant 0 : i32
      %dma_start3A_279 = arith.constant 0 : i32
      %dma_start3A_280 = tpu.memref_slice %arg11[%dma_start3A_278, %dma_start3A_279] : memref<10240x128xf32, #tpu.memory_space<vmem_shared>> -> memref<10240x128xf32, #tpu.memory_space<vmem_shared>>
      tpu.enqueue_indirect_dma source(%arg10 : memref<100x128xf32, #tpu.memory_space<vmem>>) target(%dma_start3A_280 : memref<10240x128xf32, #tpu.memory_space<vmem_shared>>) offsets(%dma_start3A_277 : memref<100xi32, #tpu.memory_space<vmem>>) semaphore(%arg15 : memref<!tpu.dma_semaphore, #tpu.memory_space<semaphore_mem>>) {add = true}
      tpu.wait_dma2 semaphore(%arg14 : memref<!tpu.dma_semaphore, #tpu.memory_space<semaphore_mem>>) src(%arg5 : memref<100x128xf32, #tpu.memory_space<hbm>>) dst(%arg9 : memref<100x128xf32, #tpu.memory_space<vmem>>)
      %add3A_281 = arith.constant 2 : i32
      %add3A_282 = arith.addi %mul3A_255, %add3A_281 : i32
      %dma_start3A_283 = arith.constant 0 : i32
      %dma_start3A_284 = arith.constant 0 : i32
      %dma_start3A_285 = tpu.memref_slice %arg7[%add3A_282, %dma_start3A_283, %dma_start3A_284] : memref<50x1x100xi32, #tpu.memory_space<vmem>> -> memref<1x1x100xi32, #tpu.memory_space<vmem>>
      %dma_start3A_286 = tpu.memref_squeeze %dma_start3A_285 : memref<1x1x100xi32, #tpu.memory_space<vmem>> -> memref<100xi32, #tpu.memory_space<vmem>>
      %dma_start3A_287 = arith.constant 0 : i32
      %dma_start3A_288 = arith.constant 0 : i32
      %dma_start3A_289 = tpu.memref_slice %arg2[%dma_start3A_287, %dma_start3A_288] : memref<10000x128xf32, #tpu.memory_space<hbm>> -> memref<10000x128xf32, #tpu.memory_space<hbm>>
      tpu.enqueue_indirect_dma source(%dma_start3A_289 : memref<10000x128xf32, #tpu.memory_space<hbm>>) target(%arg9 : memref<100x128xf32, #tpu.memory_space<vmem>>) offsets(%dma_start3A_286 : memref<100xi32, #tpu.memory_space<vmem>>) semaphore(%arg12 : memref<!tpu.dma_semaphore, #tpu.memory_space<semaphore_mem>>)
    }
    %scan3A_85 = arith.constant 23 : i32
    tpu.wait_dma2 semaphore(%arg12 : memref<!tpu.dma_semaphore, #tpu.memory_space<semaphore_mem>>) src(%arg5 : memref<100x128xf32, #tpu.memory_space<hbm>>) dst(%arg9 : memref<100x128xf32, #tpu.memory_space<vmem>>)
    %dma_start3A_86 = arith.constant 48 : i32
    %dma_start3A_87 = arith.constant 0 : i32
    %dma_start3A_88 = arith.constant 0 : i32
    %dma_start3A_89 = tpu.memref_slice %arg8[%dma_start3A_86, %dma_start3A_87, %dma_start3A_88] : memref<50x1x100xi32, #tpu.memory_space<vmem>> -> memref<1x1x100xi32, #tpu.memory_space<vmem>>
    %dma_start3A_90 = tpu.memref_squeeze %dma_start3A_89 : memref<1x1x100xi32, #tpu.memory_space<vmem>> -> memref<100xi32, #tpu.memory_space<vmem>>
    %dma_start3A_91 = arith.constant 0 : i32
    %dma_start3A_92 = arith.constant 0 : i32
    %dma_start3A_93 = tpu.memref_slice %arg11[%dma_start3A_91, %dma_start3A_92] : memref<10240x128xf32, #tpu.memory_space<vmem_shared>> -> memref<10240x128xf32, #tpu.memory_space<vmem_shared>>
    tpu.enqueue_indirect_dma source(%arg9 : memref<100x128xf32, #tpu.memory_space<vmem>>) target(%dma_start3A_93 : memref<10240x128xf32, #tpu.memory_space<vmem_shared>>) offsets(%dma_start3A_90 : memref<100xi32, #tpu.memory_space<vmem>>) semaphore(%arg14 : memref<!tpu.dma_semaphore, #tpu.memory_space<semaphore_mem>>) {add = true}
    tpu.wait_dma2 semaphore(%arg15 : memref<!tpu.dma_semaphore, #tpu.memory_space<semaphore_mem>>) src(%arg5 : memref<100x128xf32, #tpu.memory_space<hbm>>) dst(%arg10 : memref<100x128xf32, #tpu.memory_space<vmem>>)
    %dma_start3A_94 = arith.constant 49 : i32
    %dma_start3A_95 = arith.constant 0 : i32
    %dma_start3A_96 = arith.constant 0 : i32
    %dma_start3A_97 = tpu.memref_slice %arg7[%dma_start3A_94, %dma_start3A_95, %dma_start3A_96] : memref<50x1x100xi32, #tpu.memory_space<vmem>> -> memref<1x1x100xi32, #tpu.memory_space<vmem>>
    %dma_start3A_98 = tpu.memref_squeeze %dma_start3A_97 : memref<1x1x100xi32, #tpu.memory_space<vmem>> -> memref<100xi32, #tpu.memory_space<vmem>>
    %dma_start3A_99 = arith.constant 0 : i32
    %dma_start3A_100 = arith.constant 0 : i32
    %dma_start3A_101 = tpu.memref_slice %arg2[%dma_start3A_99, %dma_start3A_100] : memref<10000x128xf32, #tpu.memory_space<hbm>> -> memref<10000x128xf32, #tpu.memory_space<hbm>>
    tpu.enqueue_indirect_dma source(%dma_start3A_101 : memref<10000x128xf32, #tpu.memory_space<hbm>>) target(%arg10 : memref<100x128xf32, #tpu.memory_space<vmem>>) offsets(%dma_start3A_98 : memref<100xi32, #tpu.memory_space<vmem>>) semaphore(%arg13 : memref<!tpu.dma_semaphore, #tpu.memory_space<semaphore_mem>>)
    %dma_wait3A_102 = arith.constant 49 : i32
    %dma_wait3A_103 = arith.constant 0 : i32
    %dma_wait3A_104 = arith.constant 0 : i32
    %dma_wait3A_105 = tpu.memref_slice %arg7[%dma_wait3A_102, %dma_wait3A_103, %dma_wait3A_104] : memref<50x1x100xi32, #tpu.memory_space<vmem>> -> memref<1x1x100xi32, #tpu.memory_space<vmem>>
    %dma_wait3A_106 = tpu.memref_squeeze %dma_wait3A_105 : memref<1x1x100xi32, #tpu.memory_space<vmem>> -> memref<100xi32, #tpu.memory_space<vmem>>
    %dma_wait3A_107 = arith.constant 0 : i32
    %dma_wait3A_108 = arith.constant 0 : i32
    %dma_wait3A_109 = tpu.memref_slice %arg2[%dma_wait3A_107, %dma_wait3A_108] : memref<10000x128xf32, #tpu.memory_space<hbm>> -> memref<10000x128xf32, #tpu.memory_space<hbm>>
    tpu.wait_indirect_dma semaphore(%arg13 : memref<!tpu.dma_semaphore, #tpu.memory_space<semaphore_mem>>) src(%dma_wait3A_109 : memref<10000x128xf32, #tpu.memory_space<hbm>>) dst(%arg10 : memref<100x128xf32, #tpu.memory_space<vmem>>)
    %dma_start3A_110 = arith.constant 49 : i32
    %dma_start3A_111 = arith.constant 0 : i32
    %dma_start3A_112 = arith.constant 0 : i32
    %dma_start3A_113 = tpu.memref_slice %arg8[%dma_start3A_110, %dma_start3A_111, %dma_start3A_112] : memref<50x1x100xi32, #tpu.memory_space<vmem>> -> memref<1x1x100xi32, #tpu.memory_space<vmem>>
    %dma_start3A_114 = tpu.memref_squeeze %dma_start3A_113 : memref<1x1x100xi32, #tpu.memory_space<vmem>> -> memref<100xi32, #tpu.memory_space<vmem>>
    %dma_start3A_115 = arith.constant 0 : i32
    %dma_start3A_116 = arith.constant 0 : i32
    %dma_start3A_117 = tpu.memref_slice %arg11[%dma_start3A_115, %dma_start3A_116] : memref<10240x128xf32, #tpu.memory_space<vmem_shared>> -> memref<10240x128xf32, #tpu.memory_space<vmem_shared>>
    tpu.enqueue_indirect_dma source(%arg10 : memref<100x128xf32, #tpu.memory_space<vmem>>) target(%dma_start3A_117 : memref<10240x128xf32, #tpu.memory_space<vmem_shared>>) offsets(%dma_start3A_114 : memref<100xi32, #tpu.memory_space<vmem>>) semaphore(%arg15 : memref<!tpu.dma_semaphore, #tpu.memory_space<semaphore_mem>>) {add = true}
    tpu.wait_dma2 semaphore(%arg14 : memref<!tpu.dma_semaphore, #tpu.memory_space<semaphore_mem>>) src(%arg5 : memref<100x128xf32, #tpu.memory_space<hbm>>) dst(%arg9 : memref<100x128xf32, #tpu.memory_space<vmem>>)
    tpu.wait_dma2 semaphore(%arg15 : memref<!tpu.dma_semaphore, #tpu.memory_space<semaphore_mem>>) src(%arg5 : memref<100x128xf32, #tpu.memory_space<hbm>>) dst(%arg10 : memref<100x128xf32, #tpu.memory_space<vmem>>)
    %mul3A_118 = arith.constant 100 : i32
    %mul3A_119 = arith.muli %add3A, %mul3A_118 : i32
    %add3A_120 = arith.constant 50 : i32
    %add3A_121 = arith.addi %mul3A_119, %add3A_120 : i32
    "tpu.region"() ({
      %run_scoped3A = tpu.sem_alloc : memref<!tpu.dma_semaphore, #tpu.memory_space<semaphore_mem>>
      %dma_start3A_253 = arith.constant 0 : i32
      %dma_start3A_254 = arith.constant 0 : i32
      %dma_start3A_255 = tpu.memref_slice %arg3[%add3A_121, %dma_start3A_253, %dma_start3A_254] : memref<3200x1x100xi32, #tpu.memory_space<hbm>> -> memref<50x1x100xi32, #tpu.memory_space<hbm>>
      %dma_start3A_256 = arith.constant 0 : i32
      %dma_start3A_257 = arith.constant 0 : i32
      %dma_start3A_258 = tpu.memref_slice %arg3[%add3A_121, %dma_start3A_256, %dma_start3A_257] : memref<3200x1x100xi32, #tpu.memory_space<hbm>> -> memref<50x1x100xi32, #tpu.memory_space<hbm>>
      tpu.enqueue_dma source(%dma_start3A_258 : memref<50x1x100xi32, #tpu.memory_space<hbm>>) target(%arg7 : memref<50x1x100xi32, #tpu.memory_space<vmem>>) target_semaphore(%run_scoped3A : memref<!tpu.dma_semaphore, #tpu.memory_space<semaphore_mem>>)
      %dma_wait3A_259 = arith.constant 0 : i32
      %dma_wait3A_260 = arith.constant 0 : i32
      %dma_wait3A_261 = tpu.memref_slice %arg3[%add3A_121, %dma_wait3A_259, %dma_wait3A_260] : memref<3200x1x100xi32, #tpu.memory_space<hbm>> -> memref<50x1x100xi32, #tpu.memory_space<hbm>>
      %dma_wait3A_262 = arith.constant 0 : i32
      %dma_wait3A_263 = arith.constant 0 : i32
      %dma_wait3A_264 = tpu.memref_slice %arg3[%add3A_121, %dma_wait3A_262, %dma_wait3A_263] : memref<3200x1x100xi32, #tpu.memory_space<hbm>> -> memref<50x1x100xi32, #tpu.memory_space<hbm>>
      tpu.wait_dma2 semaphore(%run_scoped3A : memref<!tpu.dma_semaphore, #tpu.memory_space<semaphore_mem>>) src(%dma_wait3A_264 : memref<50x1x100xi32, #tpu.memory_space<hbm>>) dst(%arg7 : memref<50x1x100xi32, #tpu.memory_space<vmem>>)
      tpu.yield
    }) : () -> ()
    %mul3A_122 = arith.constant 100 : i32
    %mul3A_123 = arith.muli %add3A, %mul3A_122 : i32
    %add3A_124 = arith.constant 50 : i32
    %add3A_125 = arith.addi %mul3A_123, %add3A_124 : i32
    "tpu.region"() ({
      %run_scoped3A = tpu.sem_alloc : memref<!tpu.dma_semaphore, #tpu.memory_space<semaphore_mem>>
      %dma_start3A_253 = arith.constant 0 : i32
      %dma_start3A_254 = arith.constant 0 : i32
      %dma_start3A_255 = tpu.memref_slice %arg4[%add3A_125, %dma_start3A_253, %dma_start3A_254] : memref<3200x1x100xi32, #tpu.memory_space<hbm>> -> memref<50x1x100xi32, #tpu.memory_space<hbm>>
      %dma_start3A_256 = arith.constant 0 : i32
      %dma_start3A_257 = arith.constant 0 : i32
      %dma_start3A_258 = tpu.memref_slice %arg4[%add3A_125, %dma_start3A_256, %dma_start3A_257] : memref<3200x1x100xi32, #tpu.memory_space<hbm>> -> memref<50x1x100xi32, #tpu.memory_space<hbm>>
      tpu.enqueue_dma source(%dma_start3A_258 : memref<50x1x100xi32, #tpu.memory_space<hbm>>) target(%arg8 : memref<50x1x100xi32, #tpu.memory_space<vmem>>) target_semaphore(%run_scoped3A : memref<!tpu.dma_semaphore, #tpu.memory_space<semaphore_mem>>)
      %dma_wait3A_259 = arith.constant 0 : i32
      %dma_wait3A_260 = arith.constant 0 : i32
      %dma_wait3A_261 = tpu.memref_slice %arg4[%add3A_125, %dma_wait3A_259, %dma_wait3A_260] : memref<3200x1x100xi32, #tpu.memory_space<hbm>> -> memref<50x1x100xi32, #tpu.memory_space<hbm>>
      %dma_wait3A_262 = arith.constant 0 : i32
      %dma_wait3A_263 = arith.constant 0 : i32
      %dma_wait3A_264 = tpu.memref_slice %arg4[%add3A_125, %dma_wait3A_262, %dma_wait3A_263] : memref<3200x1x100xi32, #tpu.memory_space<hbm>> -> memref<50x1x100xi32, #tpu.memory_space<hbm>>
      tpu.wait_dma2 semaphore(%run_scoped3A : memref<!tpu.dma_semaphore, #tpu.memory_space<semaphore_mem>>) src(%dma_wait3A_264 : memref<50x1x100xi32, #tpu.memory_space<hbm>>) dst(%arg8 : memref<50x1x100xi32, #tpu.memory_space<vmem>>)
      tpu.yield
    }) : () -> ()
    %dma_start3A_126 = arith.constant 0 : i32
    %dma_start3A_127 = arith.constant 0 : i32
    %dma_start3A_128 = arith.constant 0 : i32
    %dma_start3A_129 = tpu.memref_slice %arg7[%dma_start3A_126, %dma_start3A_127, %dma_start3A_128] : memref<50x1x100xi32, #tpu.memory_space<vmem>> -> memref<1x1x100xi32, #tpu.memory_space<vmem>>
    %dma_start3A_130 = tpu.memref_squeeze %dma_start3A_129 : memref<1x1x100xi32, #tpu.memory_space<vmem>> -> memref<100xi32, #tpu.memory_space<vmem>>
    %dma_start3A_131 = arith.constant 0 : i32
    %dma_start3A_132 = arith.constant 0 : i32
    %dma_start3A_133 = tpu.memref_slice %arg2[%dma_start3A_131, %dma_start3A_132] : memref<10000x128xf32, #tpu.memory_space<hbm>> -> memref<10000x128xf32, #tpu.memory_space<hbm>>
    tpu.enqueue_indirect_dma source(%dma_start3A_133 : memref<10000x128xf32, #tpu.memory_space<hbm>>) target(%arg9 : memref<100x128xf32, #tpu.memory_space<vmem>>) offsets(%dma_start3A_130 : memref<100xi32, #tpu.memory_space<vmem>>) semaphore(%arg12 : memref<!tpu.dma_semaphore, #tpu.memory_space<semaphore_mem>>)
    %dma_wait3A_134 = arith.constant 0 : i32
    %dma_wait3A_135 = arith.constant 0 : i32
    %dma_wait3A_136 = arith.constant 0 : i32
    %dma_wait3A_137 = tpu.memref_slice %arg7[%dma_wait3A_134, %dma_wait3A_135, %dma_wait3A_136] : memref<50x1x100xi32, #tpu.memory_space<vmem>> -> memref<1x1x100xi32, #tpu.memory_space<vmem>>
    %dma_wait3A_138 = tpu.memref_squeeze %dma_wait3A_137 : memref<1x1x100xi32, #tpu.memory_space<vmem>> -> memref<100xi32, #tpu.memory_space<vmem>>
    %dma_wait3A_139 = arith.constant 0 : i32
    %dma_wait3A_140 = arith.constant 0 : i32
    %dma_wait3A_141 = tpu.memref_slice %arg2[%dma_wait3A_139, %dma_wait3A_140] : memref<10000x128xf32, #tpu.memory_space<hbm>> -> memref<10000x128xf32, #tpu.memory_space<hbm>>
    tpu.wait_indirect_dma semaphore(%arg12 : memref<!tpu.dma_semaphore, #tpu.memory_space<semaphore_mem>>) src(%dma_wait3A_141 : memref<10000x128xf32, #tpu.memory_space<hbm>>) dst(%arg9 : memref<100x128xf32, #tpu.memory_space<vmem>>)
    %dma_start3A_142 = arith.constant 0 : i32
    %dma_start3A_143 = arith.constant 0 : i32
    %dma_start3A_144 = arith.constant 0 : i32
    %dma_start3A_145 = tpu.memref_slice %arg8[%dma_start3A_142, %dma_start3A_143, %dma_start3A_144] : memref<50x1x100xi32, #tpu.memory_space<vmem>> -> memref<1x1x100xi32, #tpu.memory_space<vmem>>
    %dma_start3A_146 = tpu.memref_squeeze %dma_start3A_145 : memref<1x1x100xi32, #tpu.memory_space<vmem>> -> memref<100xi32, #tpu.memory_space<vmem>>
    %dma_start3A_147 = arith.constant 0 : i32
    %dma_start3A_148 = arith.constant 0 : i32
    %dma_start3A_149 = tpu.memref_slice %arg11[%dma_start3A_147, %dma_start3A_148] : memref<10240x128xf32, #tpu.memory_space<vmem_shared>> -> memref<10240x128xf32, #tpu.memory_space<vmem_shared>>
    tpu.enqueue_indirect_dma source(%arg9 : memref<100x128xf32, #tpu.memory_space<vmem>>) target(%dma_start3A_149 : memref<10240x128xf32, #tpu.memory_space<vmem_shared>>) offsets(%dma_start3A_146 : memref<100xi32, #tpu.memory_space<vmem>>) semaphore(%arg14 : memref<!tpu.dma_semaphore, #tpu.memory_space<semaphore_mem>>) {add = true}
    %dma_start3A_150 = arith.constant 1 : i32
    %dma_start3A_151 = arith.constant 0 : i32
    %dma_start3A_152 = arith.constant 0 : i32
    %dma_start3A_153 = tpu.memref_slice %arg7[%dma_start3A_150, %dma_start3A_151, %dma_start3A_152] : memref<50x1x100xi32, #tpu.memory_space<vmem>> -> memref<1x1x100xi32, #tpu.memory_space<vmem>>
    %dma_start3A_154 = tpu.memref_squeeze %dma_start3A_153 : memref<1x1x100xi32, #tpu.memory_space<vmem>> -> memref<100xi32, #tpu.memory_space<vmem>>
    %dma_start3A_155 = arith.constant 0 : i32
    %dma_start3A_156 = arith.constant 0 : i32
    %dma_start3A_157 = tpu.memref_slice %arg2[%dma_start3A_155, %dma_start3A_156] : memref<10000x128xf32, #tpu.memory_space<hbm>> -> memref<10000x128xf32, #tpu.memory_space<hbm>>
    tpu.enqueue_indirect_dma source(%dma_start3A_157 : memref<10000x128xf32, #tpu.memory_space<hbm>>) target(%arg10 : memref<100x128xf32, #tpu.memory_space<vmem>>) offsets(%dma_start3A_154 : memref<100xi32, #tpu.memory_space<vmem>>) semaphore(%arg13 : memref<!tpu.dma_semaphore, #tpu.memory_space<semaphore_mem>>)
    %dma_wait3A_158 = arith.constant 1 : i32
    %dma_wait3A_159 = arith.constant 0 : i32
    %dma_wait3A_160 = arith.constant 0 : i32
    %dma_wait3A_161 = tpu.memref_slice %arg7[%dma_wait3A_158, %dma_wait3A_159, %dma_wait3A_160] : memref<50x1x100xi32, #tpu.memory_space<vmem>> -> memref<1x1x100xi32, #tpu.memory_space<vmem>>
    %dma_wait3A_162 = tpu.memref_squeeze %dma_wait3A_161 : memref<1x1x100xi32, #tpu.memory_space<vmem>> -> memref<100xi32, #tpu.memory_space<vmem>>
    %dma_wait3A_163 = arith.constant 0 : i32
    %dma_wait3A_164 = arith.constant 0 : i32
    %dma_wait3A_165 = tpu.memref_slice %arg2[%dma_wait3A_163, %dma_wait3A_164] : memref<10000x128xf32, #tpu.memory_space<hbm>> -> memref<10000x128xf32, #tpu.memory_space<hbm>>
    tpu.wait_indirect_dma semaphore(%arg13 : memref<!tpu.dma_semaphore, #tpu.memory_space<semaphore_mem>>) src(%dma_wait3A_165 : memref<10000x128xf32, #tpu.memory_space<hbm>>) dst(%arg10 : memref<100x128xf32, #tpu.memory_space<vmem>>)
    %dma_start3A_166 = arith.constant 1 : i32
    %dma_start3A_167 = arith.constant 0 : i32
    %dma_start3A_168 = arith.constant 0 : i32
    %dma_start3A_169 = tpu.memref_slice %arg8[%dma_start3A_166, %dma_start3A_167, %dma_start3A_168] : memref<50x1x100xi32, #tpu.memory_space<vmem>> -> memref<1x1x100xi32, #tpu.memory_space<vmem>>
    %dma_start3A_170 = tpu.memref_squeeze %dma_start3A_169 : memref<1x1x100xi32, #tpu.memory_space<vmem>> -> memref<100xi32, #tpu.memory_space<vmem>>
    %dma_start3A_171 = arith.constant 0 : i32
    %dma_start3A_172 = arith.constant 0 : i32
    %dma_start3A_173 = tpu.memref_slice %arg11[%dma_start3A_171, %dma_start3A_172] : memref<10240x128xf32, #tpu.memory_space<vmem_shared>> -> memref<10240x128xf32, #tpu.memory_space<vmem_shared>>
    tpu.enqueue_indirect_dma source(%arg10 : memref<100x128xf32, #tpu.memory_space<vmem>>) target(%dma_start3A_173 : memref<10240x128xf32, #tpu.memory_space<vmem_shared>>) offsets(%dma_start3A_170 : memref<100xi32, #tpu.memory_space<vmem>>) semaphore(%arg15 : memref<!tpu.dma_semaphore, #tpu.memory_space<semaphore_mem>>) {add = true}
    tpu.wait_dma2 semaphore(%arg14 : memref<!tpu.dma_semaphore, #tpu.memory_space<semaphore_mem>>) src(%arg5 : memref<100x128xf32, #tpu.memory_space<hbm>>) dst(%arg9 : memref<100x128xf32, #tpu.memory_space<vmem>>)
    %dma_start3A_174 = arith.constant 2 : i32
    %dma_start3A_175 = arith.constant 0 : i32
    %dma_start3A_176 = arith.constant 0 : i32
    %dma_start3A_177 = tpu.memref_slice %arg7[%dma_start3A_174, %dma_start3A_175, %dma_start3A_176] : memref<50x1x100xi32, #tpu.memory_space<vmem>> -> memref<1x1x100xi32, #tpu.memory_space<vmem>>
    %dma_start3A_178 = tpu.memref_squeeze %dma_start3A_177 : memref<1x1x100xi32, #tpu.memory_space<vmem>> -> memref<100xi32, #tpu.memory_space<vmem>>
    %dma_start3A_179 = arith.constant 0 : i32
    %dma_start3A_180 = arith.constant 0 : i32
    %dma_start3A_181 = tpu.memref_slice %arg2[%dma_start3A_179, %dma_start3A_180] : memref<10000x128xf32, #tpu.memory_space<hbm>> -> memref<10000x128xf32, #tpu.memory_space<hbm>>
    tpu.enqueue_indirect_dma source(%dma_start3A_181 : memref<10000x128xf32, #tpu.memory_space<hbm>>) target(%arg9 : memref<100x128xf32, #tpu.memory_space<vmem>>) offsets(%dma_start3A_178 : memref<100xi32, #tpu.memory_space<vmem>>) semaphore(%arg12 : memref<!tpu.dma_semaphore, #tpu.memory_space<semaphore_mem>>)
    %scan3A_182 = arith.constant 0 : i32
    %scan3A_183 = arith.constant 1 : i32
    %scan3A_184 = arith.constant 23 : i32
    %scan3A_185 = arith.addi %scan3A_183, %scan3A_184 : i32
    %scan3A_186 = arith.constant 1 : i32
    scf.for %scan3A_253 = %scan3A_183 to %scan3A_185 step %scan3A_186  : i32 {
      %mul3A_254 = arith.constant 2 : i32
      %mul3A_255 = arith.muli %mul3A_254, %scan3A_253 : i32
      tpu.wait_dma2 semaphore(%arg12 : memref<!tpu.dma_semaphore, #tpu.memory_space<semaphore_mem>>) src(%arg5 : memref<100x128xf32, #tpu.memory_space<hbm>>) dst(%arg9 : memref<100x128xf32, #tpu.memory_space<vmem>>)
      %dma_start3A_256 = arith.constant 0 : i32
      %dma_start3A_257 = arith.constant 0 : i32
      %dma_start3A_258 = tpu.memref_slice %arg8[%mul3A_255, %dma_start3A_256, %dma_start3A_257] : memref<50x1x100xi32, #tpu.memory_space<vmem>> -> memref<1x1x100xi32, #tpu.memory_space<vmem>>
      %dma_start3A_259 = tpu.memref_squeeze %dma_start3A_258 : memref<1x1x100xi32, #tpu.memory_space<vmem>> -> memref<100xi32, #tpu.memory_space<vmem>>
      %dma_start3A_260 = arith.constant 0 : i32
      %dma_start3A_261 = arith.constant 0 : i32
      %dma_start3A_262 = tpu.memref_slice %arg11[%dma_start3A_260, %dma_start3A_261] : memref<10240x128xf32, #tpu.memory_space<vmem_shared>> -> memref<10240x128xf32, #tpu.memory_space<vmem_shared>>
      tpu.enqueue_indirect_dma source(%arg9 : memref<100x128xf32, #tpu.memory_space<vmem>>) target(%dma_start3A_262 : memref<10240x128xf32, #tpu.memory_space<vmem_shared>>) offsets(%dma_start3A_259 : memref<100xi32, #tpu.memory_space<vmem>>) semaphore(%arg14 : memref<!tpu.dma_semaphore, #tpu.memory_space<semaphore_mem>>) {add = true}
      tpu.wait_dma2 semaphore(%arg15 : memref<!tpu.dma_semaphore, #tpu.memory_space<semaphore_mem>>) src(%arg5 : memref<100x128xf32, #tpu.memory_space<hbm>>) dst(%arg10 : memref<100x128xf32, #tpu.memory_space<vmem>>)
      %add3A_263 = arith.constant 1 : i32
      %add3A_264 = arith.addi %mul3A_255, %add3A_263 : i32
      %dma_start3A_265 = arith.constant 0 : i32
      %dma_start3A_266 = arith.constant 0 : i32
      %dma_start3A_267 = tpu.memref_slice %arg7[%add3A_264, %dma_start3A_265, %dma_start3A_266] : memref<50x1x100xi32, #tpu.memory_space<vmem>> -> memref<1x1x100xi32, #tpu.memory_space<vmem>>
      %dma_start3A_268 = tpu.memref_squeeze %dma_start3A_267 : memref<1x1x100xi32, #tpu.memory_space<vmem>> -> memref<100xi32, #tpu.memory_space<vmem>>
      %dma_start3A_269 = arith.constant 0 : i32
      %dma_start3A_270 = arith.constant 0 : i32
      %dma_start3A_271 = tpu.memref_slice %arg2[%dma_start3A_269, %dma_start3A_270] : memref<10000x128xf32, #tpu.memory_space<hbm>> -> memref<10000x128xf32, #tpu.memory_space<hbm>>
      tpu.enqueue_indirect_dma source(%dma_start3A_271 : memref<10000x128xf32, #tpu.memory_space<hbm>>) target(%arg10 : memref<100x128xf32, #tpu.memory_space<vmem>>) offsets(%dma_start3A_268 : memref<100xi32, #tpu.memory_space<vmem>>) semaphore(%arg13 : memref<!tpu.dma_semaphore, #tpu.memory_space<semaphore_mem>>)
      tpu.wait_dma2 semaphore(%arg13 : memref<!tpu.dma_semaphore, #tpu.memory_space<semaphore_mem>>) src(%arg5 : memref<100x128xf32, #tpu.memory_space<hbm>>) dst(%arg10 : memref<100x128xf32, #tpu.memory_space<vmem>>)
      %add3A_272 = arith.constant 1 : i32
      %add3A_273 = arith.addi %mul3A_255, %add3A_272 : i32
      %dma_start3A_274 = arith.constant 0 : i32
      %dma_start3A_275 = arith.constant 0 : i32
      %dma_start3A_276 = tpu.memref_slice %arg8[%add3A_273, %dma_start3A_274, %dma_start3A_275] : memref<50x1x100xi32, #tpu.memory_space<vmem>> -> memref<1x1x100xi32, #tpu.memory_space<vmem>>
      %dma_start3A_277 = tpu.memref_squeeze %dma_start3A_276 : memref<1x1x100xi32, #tpu.memory_space<vmem>> -> memref<100xi32, #tpu.memory_space<vmem>>
      %dma_start3A_278 = arith.constant 0 : i32
      %dma_start3A_279 = arith.constant 0 : i32
      %dma_start3A_280 = tpu.memref_slice %arg11[%dma_start3A_278, %dma_start3A_279] : memref<10240x128xf32, #tpu.memory_space<vmem_shared>> -> memref<10240x128xf32, #tpu.memory_space<vmem_shared>>
      tpu.enqueue_indirect_dma source(%arg10 : memref<100x128xf32, #tpu.memory_space<vmem>>) target(%dma_start3A_280 : memref<10240x128xf32, #tpu.memory_space<vmem_shared>>) offsets(%dma_start3A_277 : memref<100xi32, #tpu.memory_space<vmem>>) semaphore(%arg15 : memref<!tpu.dma_semaphore, #tpu.memory_space<semaphore_mem>>) {add = true}
      tpu.wait_dma2 semaphore(%arg14 : memref<!tpu.dma_semaphore, #tpu.memory_space<semaphore_mem>>) src(%arg5 : memref<100x128xf32, #tpu.memory_space<hbm>>) dst(%arg9 : memref<100x128xf32, #tpu.memory_space<vmem>>)
      %add3A_281 = arith.constant 2 : i32
      %add3A_282 = arith.addi %mul3A_255, %add3A_281 : i32
      %dma_start3A_283 = arith.constant 0 : i32
      %dma_start3A_284 = arith.constant 0 : i32
      %dma_start3A_285 = tpu.memref_slice %arg7[%add3A_282, %dma_start3A_283, %dma_start3A_284] : memref<50x1x100xi32, #tpu.memory_space<vmem>> -> memref<1x1x100xi32, #tpu.memory_space<vmem>>
      %dma_start3A_286 = tpu.memref_squeeze %dma_start3A_285 : memref<1x1x100xi32, #tpu.memory_space<vmem>> -> memref<100xi32, #tpu.memory_space<vmem>>
      %dma_start3A_287 = arith.constant 0 : i32
      %dma_start3A_288 = arith.constant 0 : i32
      %dma_start3A_289 = tpu.memref_slice %arg2[%dma_start3A_287, %dma_start3A_288] : memref<10000x128xf32, #tpu.memory_space<hbm>> -> memref<10000x128xf32, #tpu.memory_space<hbm>>
      tpu.enqueue_indirect_dma source(%dma_start3A_289 : memref<10000x128xf32, #tpu.memory_space<hbm>>) target(%arg9 : memref<100x128xf32, #tpu.memory_space<vmem>>) offsets(%dma_start3A_286 : memref<100xi32, #tpu.memory_space<vmem>>) semaphore(%arg12 : memref<!tpu.dma_semaphore, #tpu.memory_space<semaphore_mem>>)
    }
    %scan3A_187 = arith.constant 23 : i32
    tpu.wait_dma2 semaphore(%arg12 : memref<!tpu.dma_semaphore, #tpu.memory_space<semaphore_mem>>) src(%arg5 : memref<100x128xf32, #tpu.memory_space<hbm>>) dst(%arg9 : memref<100x128xf32, #tpu.memory_space<vmem>>)
    %dma_start3A_188 = arith.constant 48 : i32
    %dma_start3A_189 = arith.constant 0 : i32
    %dma_start3A_190 = arith.constant 0 : i32
    %dma_start3A_191 = tpu.memref_slice %arg8[%dma_start3A_188, %dma_start3A_189, %dma_start3A_190] : memref<50x1x100xi32, #tpu.memory_space<vmem>> -> memref<1x1x100xi32, #tpu.memory_space<vmem>>
    %dma_start3A_192 = tpu.memref_squeeze %dma_start3A_191 : memref<1x1x100xi32, #tpu.memory_space<vmem>> -> memref<100xi32, #tpu.memory_space<vmem>>
    %dma_start3A_193 = arith.constant 0 : i32
    %dma_start3A_194 = arith.constant 0 : i32
    %dma_start3A_195 = tpu.memref_slice %arg11[%dma_start3A_193, %dma_start3A_194] : memref<10240x128xf32, #tpu.memory_space<vmem_shared>> -> memref<10240x128xf32, #tpu.memory_space<vmem_shared>>
    tpu.enqueue_indirect_dma source(%arg9 : memref<100x128xf32, #tpu.memory_space<vmem>>) target(%dma_start3A_195 : memref<10240x128xf32, #tpu.memory_space<vmem_shared>>) offsets(%dma_start3A_192 : memref<100xi32, #tpu.memory_space<vmem>>) semaphore(%arg14 : memref<!tpu.dma_semaphore, #tpu.memory_space<semaphore_mem>>) {add = true}
    tpu.wait_dma2 semaphore(%arg15 : memref<!tpu.dma_semaphore, #tpu.memory_space<semaphore_mem>>) src(%arg5 : memref<100x128xf32, #tpu.memory_space<hbm>>) dst(%arg10 : memref<100x128xf32, #tpu.memory_space<vmem>>)
    %dma_start3A_196 = arith.constant 49 : i32
    %dma_start3A_197 = arith.constant 0 : i32
    %dma_start3A_198 = arith.constant 0 : i32
    %dma_start3A_199 = tpu.memref_slice %arg7[%dma_start3A_196, %dma_start3A_197, %dma_start3A_198] : memref<50x1x100xi32, #tpu.memory_space<vmem>> -> memref<1x1x100xi32, #tpu.memory_space<vmem>>
    %dma_start3A_200 = tpu.memref_squeeze %dma_start3A_199 : memref<1x1x100xi32, #tpu.memory_space<vmem>> -> memref<100xi32, #tpu.memory_space<vmem>>
    %dma_start3A_201 = arith.constant 0 : i32
    %dma_start3A_202 = arith.constant 0 : i32
    %dma_start3A_203 = tpu.memref_slice %arg2[%dma_start3A_201, %dma_start3A_202] : memref<10000x128xf32, #tpu.memory_space<hbm>> -> memref<10000x128xf32, #tpu.memory_space<hbm>>
    tpu.enqueue_indirect_dma source(%dma_start3A_203 : memref<10000x128xf32, #tpu.memory_space<hbm>>) target(%arg10 : memref<100x128xf32, #tpu.memory_space<vmem>>) offsets(%dma_start3A_200 : memref<100xi32, #tpu.memory_space<vmem>>) semaphore(%arg13 : memref<!tpu.dma_semaphore, #tpu.memory_space<semaphore_mem>>)
    %dma_wait3A_204 = arith.constant 49 : i32
    %dma_wait3A_205 = arith.constant 0 : i32
    %dma_wait3A_206 = arith.constant 0 : i32
    %dma_wait3A_207 = tpu.memref_slice %arg7[%dma_wait3A_204, %dma_wait3A_205, %dma_wait3A_206] : memref<50x1x100xi32, #tpu.memory_space<vmem>> -> memref<1x1x100xi32, #tpu.memory_space<vmem>>
    %dma_wait3A_208 = tpu.memref_squeeze %dma_wait3A_207 : memref<1x1x100xi32, #tpu.memory_space<vmem>> -> memref<100xi32, #tpu.memory_space<vmem>>
    %dma_wait3A_209 = arith.constant 0 : i32
    %dma_wait3A_210 = arith.constant 0 : i32
    %dma_wait3A_211 = tpu.memref_slice %arg2[%dma_wait3A_209, %dma_wait3A_210] : memref<10000x128xf32, #tpu.memory_space<hbm>> -> memref<10000x128xf32, #tpu.memory_space<hbm>>
    tpu.wait_indirect_dma semaphore(%arg13 : memref<!tpu.dma_semaphore, #tpu.memory_space<semaphore_mem>>) src(%dma_wait3A_211 : memref<10000x128xf32, #tpu.memory_space<hbm>>) dst(%arg10 : memref<100x128xf32, #tpu.memory_space<vmem>>)
    %dma_start3A_212 = arith.constant 49 : i32
    %dma_start3A_213 = arith.constant 0 : i32
    %dma_start3A_214 = arith.constant 0 : i32
    %dma_start3A_215 = tpu.memref_slice %arg8[%dma_start3A_212, %dma_start3A_213, %dma_start3A_214] : memref<50x1x100xi32, #tpu.memory_space<vmem>> -> memref<1x1x100xi32, #tpu.memory_space<vmem>>
    %dma_start3A_216 = tpu.memref_squeeze %dma_start3A_215 : memref<1x1x100xi32, #tpu.memory_space<vmem>> -> memref<100xi32, #tpu.memory_space<vmem>>
    %dma_start3A_217 = arith.constant 0 : i32
    %dma_start3A_218 = arith.constant 0 : i32
    %dma_start3A_219 = tpu.memref_slice %arg11[%dma_start3A_217, %dma_start3A_218] : memref<10240x128xf32, #tpu.memory_space<vmem_shared>> -> memref<10240x128xf32, #tpu.memory_space<vmem_shared>>
    tpu.enqueue_indirect_dma source(%arg10 : memref<100x128xf32, #tpu.memory_space<vmem>>) target(%dma_start3A_219 : memref<10240x128xf32, #tpu.memory_space<vmem_shared>>) offsets(%dma_start3A_216 : memref<100xi32, #tpu.memory_space<vmem>>) semaphore(%arg15 : memref<!tpu.dma_semaphore, #tpu.memory_space<semaphore_mem>>) {add = true}
    tpu.wait_dma2 semaphore(%arg14 : memref<!tpu.dma_semaphore, #tpu.memory_space<semaphore_mem>>) src(%arg5 : memref<100x128xf32, #tpu.memory_space<hbm>>) dst(%arg9 : memref<100x128xf32, #tpu.memory_space<vmem>>)
    tpu.wait_dma2 semaphore(%arg15 : memref<!tpu.dma_semaphore, #tpu.memory_space<semaphore_mem>>) src(%arg5 : memref<100x128xf32, #tpu.memory_space<hbm>>) dst(%arg10 : memref<100x128xf32, #tpu.memory_space<vmem>>)
    %barrier3A_220 = arith.constant 0 : index
    tpu.barrier barrier_id(%barrier3A_220)
    %add3A_221 = arith.constant 0 : i32
    %add3A_222 = arith.addi %mul3A_2, %add3A_221 : i32
    %add3A_223 = arith.constant 0 : i32
    %add3A_224 = arith.addi %mul3A_2, %add3A_223 : i32
    "tpu.region"() ({
      %run_scoped3A = tpu.sem_alloc : memref<!tpu.dma_semaphore, #tpu.memory_space<semaphore_mem>>
      %dma_start3A_253 = arith.constant 0 : i32
      %dma_start3A_254 = tpu.memref_slice %arg6[%arg0, %add3A_224, %dma_start3A_253] : memref<2x10240x128xf32, #tpu.memory_space<hbm>> -> memref<1x80x128xf32, #tpu.memory_space<hbm>>
      %dma_start3A_255 = tpu.memref_squeeze %dma_start3A_254 : memref<1x80x128xf32, #tpu.memory_space<hbm>> -> memref<80x128xf32, #tpu.memory_space<hbm>>
      %dma_start3A_256 = arith.constant 0 : i32
      %dma_start3A_257 = tpu.memref_slice %arg11[%add3A_222, %dma_start3A_256] : memref<10240x128xf32, #tpu.memory_space<vmem_shared>> -> memref<80x128xf32, #tpu.memory_space<vmem_shared>>
      tpu.enqueue_dma source(%dma_start3A_257 : memref<80x128xf32, #tpu.memory_space<vmem_shared>>) target(%dma_start3A_255 : memref<80x128xf32, #tpu.memory_space<hbm>>) target_semaphore(%run_scoped3A : memref<!tpu.dma_semaphore, #tpu.memory_space<semaphore_mem>>)
      %dma_wait3A_258 = arith.constant 0 : i32
      %dma_wait3A_259 = tpu.memref_slice %arg6[%arg0, %add3A_224, %dma_wait3A_258] : memref<2x10240x128xf32, #tpu.memory_space<hbm>> -> memref<1x80x128xf32, #tpu.memory_space<hbm>>
      %dma_wait3A_260 = tpu.memref_squeeze %dma_wait3A_259 : memref<1x80x128xf32, #tpu.memory_space<hbm>> -> memref<80x128xf32, #tpu.memory_space<hbm>>
      %dma_wait3A_261 = arith.constant 0 : i32
      %dma_wait3A_262 = tpu.memref_slice %arg11[%add3A_222, %dma_wait3A_261] : memref<10240x128xf32, #tpu.memory_space<vmem_shared>> -> memref<80x128xf32, #tpu.memory_space<vmem_shared>>
      tpu.wait_dma2 semaphore(%run_scoped3A : memref<!tpu.dma_semaphore, #tpu.memory_space<semaphore_mem>>) src(%dma_wait3A_262 : memref<80x128xf32, #tpu.memory_space<vmem_shared>>) dst(%dma_wait3A_260 : memref<80x128xf32, #tpu.memory_space<hbm>>)
      tpu.yield
    }) : () -> ()
    %add3A_225 = arith.constant 80 : i32
    %add3A_226 = arith.addi %mul3A_2, %add3A_225 : i32
    %add3A_227 = arith.constant 80 : i32
    %add3A_228 = arith.addi %mul3A_2, %add3A_227 : i32
    "tpu.region"() ({
      %run_scoped3A = tpu.sem_alloc : memref<!tpu.dma_semaphore, #tpu.memory_space<semaphore_mem>>
      %dma_start3A_253 = arith.constant 0 : i32
      %dma_start3A_254 = tpu.memref_slice %arg6[%arg0, %add3A_228, %dma_start3A_253] : memref<2x10240x128xf32, #tpu.memory_space<hbm>> -> memref<1x80x128xf32, #tpu.memory_space<hbm>>
      %dma_start3A_255 = tpu.memref_squeeze %dma_start3A_254 : memref<1x80x128xf32, #tpu.memory_space<hbm>> -> memref<80x128xf32, #tpu.memory_space<hbm>>
      %dma_start3A_256 = arith.constant 0 : i32
      %dma_start3A_257 = tpu.memref_slice %arg11[%add3A_226, %dma_start3A_256] : memref<10240x128xf32, #tpu.memory_space<vmem_shared>> -> memref<80x128xf32, #tpu.memory_space<vmem_shared>>
      tpu.enqueue_dma source(%dma_start3A_257 : memref<80x128xf32, #tpu.memory_space<vmem_shared>>) target(%dma_start3A_255 : memref<80x128xf32, #tpu.memory_space<hbm>>) target_semaphore(%run_scoped3A : memref<!tpu.dma_semaphore, #tpu.memory_space<semaphore_mem>>)
      %dma_wait3A_258 = arith.constant 0 : i32
      %dma_wait3A_259 = tpu.memref_slice %arg6[%arg0, %add3A_228, %dma_wait3A_258] : memref<2x10240x128xf32, #tpu.memory_space<hbm>> -> memref<1x80x128xf32, #tpu.memory_space<hbm>>
      %dma_wait3A_260 = tpu.memref_squeeze %dma_wait3A_259 : memref<1x80x128xf32, #tpu.memory_space<hbm>> -> memref<80x128xf32, #tpu.memory_space<hbm>>
      %dma_wait3A_261 = arith.constant 0 : i32
      %dma_wait3A_262 = tpu.memref_slice %arg11[%add3A_226, %dma_wait3A_261] : memref<10240x128xf32, #tpu.memory_space<vmem_shared>> -> memref<80x128xf32, #tpu.memory_space<vmem_shared>>
      tpu.wait_dma2 semaphore(%run_scoped3A : memref<!tpu.dma_semaphore, #tpu.memory_space<semaphore_mem>>) src(%dma_wait3A_262 : memref<80x128xf32, #tpu.memory_space<vmem_shared>>) dst(%dma_wait3A_260 : memref<80x128xf32, #tpu.memory_space<hbm>>)
      tpu.yield
    }) : () -> ()
    %add3A_229 = arith.constant 160 : i32
    %add3A_230 = arith.addi %mul3A_2, %add3A_229 : i32
    %add3A_231 = arith.constant 160 : i32
    %add3A_232 = arith.addi %mul3A_2, %add3A_231 : i32
    "tpu.region"() ({
      %run_scoped3A = tpu.sem_alloc : memref<!tpu.dma_semaphore, #tpu.memory_space<semaphore_mem>>
      %dma_start3A_253 = arith.constant 0 : i32
      %dma_start3A_254 = tpu.memref_slice %arg6[%arg0, %add3A_232, %dma_start3A_253] : memref<2x10240x128xf32, #tpu.memory_space<hbm>> -> memref<1x80x128xf32, #tpu.memory_space<hbm>>
      %dma_start3A_255 = tpu.memref_squeeze %dma_start3A_254 : memref<1x80x128xf32, #tpu.memory_space<hbm>> -> memref<80x128xf32, #tpu.memory_space<hbm>>
      %dma_start3A_256 = arith.constant 0 : i32
      %dma_start3A_257 = tpu.memref_slice %arg11[%add3A_230, %dma_start3A_256] : memref<10240x128xf32, #tpu.memory_space<vmem_shared>> -> memref<80x128xf32, #tpu.memory_space<vmem_shared>>
      tpu.enqueue_dma source(%dma_start3A_257 : memref<80x128xf32, #tpu.memory_space<vmem_shared>>) target(%dma_start3A_255 : memref<80x128xf32, #tpu.memory_space<hbm>>) target_semaphore(%run_scoped3A : memref<!tpu.dma_semaphore, #tpu.memory_space<semaphore_mem>>)
      %dma_wait3A_258 = arith.constant 0 : i32
      %dma_wait3A_259 = tpu.memref_slice %arg6[%arg0, %add3A_232, %dma_wait3A_258] : memref<2x10240x128xf32, #tpu.memory_space<hbm>> -> memref<1x80x128xf32, #tpu.memory_space<hbm>>
      %dma_wait3A_260 = tpu.memref_squeeze %dma_wait3A_259 : memref<1x80x128xf32, #tpu.memory_space<hbm>> -> memref<80x128xf32, #tpu.memory_space<hbm>>
      %dma_wait3A_261 = arith.constant 0 : i32
      %dma_wait3A_262 = tpu.memref_slice %arg11[%add3A_230, %dma_wait3A_261] : memref<10240x128xf32, #tpu.memory_space<vmem_shared>> -> memref<80x128xf32, #tpu.memory_space<vmem_shared>>
      tpu.wait_dma2 semaphore(%run_scoped3A : memref<!tpu.dma_semaphore, #tpu.memory_space<semaphore_mem>>) src(%dma_wait3A_262 : memref<80x128xf32, #tpu.memory_space<vmem_shared>>) dst(%dma_wait3A_260 : memref<80x128xf32, #tpu.memory_space<hbm>>)
      tpu.yield
    }) : () -> ()
    %add3A_233 = arith.constant 240 : i32
    %add3A_234 = arith.addi %mul3A_2, %add3A_233 : i32
    %add3A_235 = arith.constant 240 : i32
    %add3A_236 = arith.addi %mul3A_2, %add3A_235 : i32
    "tpu.region"() ({
      %run_scoped3A = tpu.sem_alloc : memref<!tpu.dma_semaphore, #tpu.memory_space<semaphore_mem>>
      %dma_start3A_253 = arith.constant 0 : i32
      %dma_start3A_254 = tpu.memref_slice %arg6[%arg0, %add3A_236, %dma_start3A_253] : memref<2x10240x128xf32, #tpu.memory_space<hbm>> -> memref<1x80x128xf32, #tpu.memory_space<hbm>>
      %dma_start3A_255 = tpu.memref_squeeze %dma_start3A_254 : memref<1x80x128xf32, #tpu.memory_space<hbm>> -> memref<80x128xf32, #tpu.memory_space<hbm>>
      %dma_start3A_256 = arith.constant 0 : i32
      %dma_start3A_257 = tpu.memref_slice %arg11[%add3A_234, %dma_start3A_256] : memref<10240x128xf32, #tpu.memory_space<vmem_shared>> -> memref<80x128xf32, #tpu.memory_space<vmem_shared>>
      tpu.enqueue_dma source(%dma_start3A_257 : memref<80x128xf32, #tpu.memory_space<vmem_shared>>) target(%dma_start3A_255 : memref<80x128xf32, #tpu.memory_space<hbm>>) target_semaphore(%run_scoped3A : memref<!tpu.dma_semaphore, #tpu.memory_space<semaphore_mem>>)
      %dma_wait3A_258 = arith.constant 0 : i32
      %dma_wait3A_259 = tpu.memref_slice %arg6[%arg0, %add3A_236, %dma_wait3A_258] : memref<2x10240x128xf32, #tpu.memory_space<hbm>> -> memref<1x80x128xf32, #tpu.memory_space<hbm>>
      %dma_wait3A_260 = tpu.memref_squeeze %dma_wait3A_259 : memref<1x80x128xf32, #tpu.memory_space<hbm>> -> memref<80x128xf32, #tpu.memory_space<hbm>>
      %dma_wait3A_261 = arith.constant 0 : i32
      %dma_wait3A_262 = tpu.memref_slice %arg11[%add3A_234, %dma_wait3A_261] : memref<10240x128xf32, #tpu.memory_space<vmem_shared>> -> memref<80x128xf32, #tpu.memory_space<vmem_shared>>
      tpu.wait_dma2 semaphore(%run_scoped3A : memref<!tpu.dma_semaphore, #tpu.memory_space<semaphore_mem>>) src(%dma_wait3A_262 : memref<80x128xf32, #tpu.memory_space<vmem_shared>>) dst(%dma_wait3A_260 : memref<80x128xf32, #tpu.memory_space<hbm>>)
      tpu.yield
    }) : () -> ()
    %add3A_237 = arith.constant 320 : i32
    %add3A_238 = arith.addi %mul3A_2, %add3A_237 : i32
    %add3A_239 = arith.constant 320 : i32
    %add3A_240 = arith.addi %mul3A_2, %add3A_239 : i32
    "tpu.region"() ({
      %run_scoped3A = tpu.sem_alloc : memref<!tpu.dma_semaphore, #tpu.memory_space<semaphore_mem>>
      %dma_start3A_253 = arith.constant 0 : i32
      %dma_start3A_254 = tpu.memref_slice %arg6[%arg0, %add3A_240, %dma_start3A_253] : memref<2x10240x128xf32, #tpu.memory_space<hbm>> -> memref<1x80x128xf32, #tpu.memory_space<hbm>>
      %dma_start3A_255 = tpu.memref_squeeze %dma_start3A_254 : memref<1x80x128xf32, #tpu.memory_space<hbm>> -> memref<80x128xf32, #tpu.memory_space<hbm>>
      %dma_start3A_256 = arith.constant 0 : i32
      %dma_start3A_257 = tpu.memref_slice %arg11[%add3A_238, %dma_start3A_256] : memref<10240x128xf32, #tpu.memory_space<vmem_shared>> -> memref<80x128xf32, #tpu.memory_space<vmem_shared>>
      tpu.enqueue_dma source(%dma_start3A_257 : memref<80x128xf32, #tpu.memory_space<vmem_shared>>) target(%dma_start3A_255 : memref<80x128xf32, #tpu.memory_space<hbm>>) target_semaphore(%run_scoped3A : memref<!tpu.dma_semaphore, #tpu.memory_space<semaphore_mem>>)
      %dma_wait3A_258 = arith.constant 0 : i32
      %dma_wait3A_259 = tpu.memref_slice %arg6[%arg0, %add3A_240, %dma_wait3A_258] : memref<2x10240x128xf32, #tpu.memory_space<hbm>> -> memref<1x80x128xf32, #tpu.memory_space<hbm>>
      %dma_wait3A_260 = tpu.memref_squeeze %dma_wait3A_259 : memref<1x80x128xf32, #tpu.memory_space<hbm>> -> memref<80x128xf32, #tpu.memory_space<hbm>>
      %dma_wait3A_261 = arith.constant 0 : i32
      %dma_wait3A_262 = tpu.memref_slice %arg11[%add3A_238, %dma_wait3A_261] : memref<10240x128xf32, #tpu.memory_space<vmem_shared>> -> memref<80x128xf32, #tpu.memory_space<vmem_shared>>
      tpu.wait_dma2 semaphore(%run_scoped3A : memref<!tpu.dma_semaphore, #tpu.memory_space<semaphore_mem>>) src(%dma_wait3A_262 : memref<80x128xf32, #tpu.memory_space<vmem_shared>>) dst(%dma_wait3A_260 : memref<80x128xf32, #tpu.memory_space<hbm>>)
      tpu.yield
    }) : () -> ()
    %add3A_241 = arith.constant 400 : i32
    %add3A_242 = arith.addi %mul3A_2, %add3A_241 : i32
    %add3A_243 = arith.constant 400 : i32
    %add3A_244 = arith.addi %mul3A_2, %add3A_243 : i32
    "tpu.region"() ({
      %run_scoped3A = tpu.sem_alloc : memref<!tpu.dma_semaphore, #tpu.memory_space<semaphore_mem>>
      %dma_start3A_253 = arith.constant 0 : i32
      %dma_start3A_254 = tpu.memref_slice %arg6[%arg0, %add3A_244, %dma_start3A_253] : memref<2x10240x128xf32, #tpu.memory_space<hbm>> -> memref<1x80x128xf32, #tpu.memory_space<hbm>>
      %dma_start3A_255 = tpu.memref_squeeze %dma_start3A_254 : memref<1x80x128xf32, #tpu.memory_space<hbm>> -> memref<80x128xf32, #tpu.memory_space<hbm>>
      %dma_start3A_256 = arith.constant 0 : i32
      %dma_start3A_257 = tpu.memref_slice %arg11[%add3A_242, %dma_start3A_256] : memref<10240x128xf32, #tpu.memory_space<vmem_shared>> -> memref<80x128xf32, #tpu.memory_space<vmem_shared>>
      tpu.enqueue_dma source(%dma_start3A_257 : memref<80x128xf32, #tpu.memory_space<vmem_shared>>) target(%dma_start3A_255 : memref<80x128xf32, #tpu.memory_space<hbm>>) target_semaphore(%run_scoped3A : memref<!tpu.dma_semaphore, #tpu.memory_space<semaphore_mem>>)
      %dma_wait3A_258 = arith.constant 0 : i32
      %dma_wait3A_259 = tpu.memref_slice %arg6[%arg0, %add3A_244, %dma_wait3A_258] : memref<2x10240x128xf32, #tpu.memory_space<hbm>> -> memref<1x80x128xf32, #tpu.memory_space<hbm>>
      %dma_wait3A_260 = tpu.memref_squeeze %dma_wait3A_259 : memref<1x80x128xf32, #tpu.memory_space<hbm>> -> memref<80x128xf32, #tpu.memory_space<hbm>>
      %dma_wait3A_261 = arith.constant 0 : i32
      %dma_wait3A_262 = tpu.memref_slice %arg11[%add3A_242, %dma_wait3A_261] : memref<10240x128xf32, #tpu.memory_space<vmem_shared>> -> memref<80x128xf32, #tpu.memory_space<vmem_shared>>
      tpu.wait_dma2 semaphore(%run_scoped3A : memref<!tpu.dma_semaphore, #tpu.memory_space<semaphore_mem>>) src(%dma_wait3A_262 : memref<80x128xf32, #tpu.memory_space<vmem_shared>>) dst(%dma_wait3A_260 : memref<80x128xf32, #tpu.memory_space<hbm>>)
      tpu.yield
    }) : () -> ()
    %add3A_245 = arith.constant 480 : i32
    %add3A_246 = arith.addi %mul3A_2, %add3A_245 : i32
    %add3A_247 = arith.constant 480 : i32
    %add3A_248 = arith.addi %mul3A_2, %add3A_247 : i32
    "tpu.region"() ({
      %run_scoped3A = tpu.sem_alloc : memref<!tpu.dma_semaphore, #tpu.memory_space<semaphore_mem>>
      %dma_start3A_253 = arith.constant 0 : i32
      %dma_start3A_254 = tpu.memref_slice %arg6[%arg0, %add3A_248, %dma_start3A_253] : memref<2x10240x128xf32, #tpu.memory_space<hbm>> -> memref<1x80x128xf32, #tpu.memory_space<hbm>>
      %dma_start3A_255 = tpu.memref_squeeze %dma_start3A_254 : memref<1x80x128xf32, #tpu.memory_space<hbm>> -> memref<80x128xf32, #tpu.memory_space<hbm>>
      %dma_start3A_256 = arith.constant 0 : i32
      %dma_start3A_257 = tpu.memref_slice %arg11[%add3A_246, %dma_start3A_256] : memref<10240x128xf32, #tpu.memory_space<vmem_shared>> -> memref<80x128xf32, #tpu.memory_space<vmem_shared>>
      tpu.enqueue_dma source(%dma_start3A_257 : memref<80x128xf32, #tpu.memory_space<vmem_shared>>) target(%dma_start3A_255 : memref<80x128xf32, #tpu.memory_space<hbm>>) target_semaphore(%run_scoped3A : memref<!tpu.dma_semaphore, #tpu.memory_space<semaphore_mem>>)
      %dma_wait3A_258 = arith.constant 0 : i32
      %dma_wait3A_259 = tpu.memref_slice %arg6[%arg0, %add3A_248, %dma_wait3A_258] : memref<2x10240x128xf32, #tpu.memory_space<hbm>> -> memref<1x80x128xf32, #tpu.memory_space<hbm>>
      %dma_wait3A_260 = tpu.memref_squeeze %dma_wait3A_259 : memref<1x80x128xf32, #tpu.memory_space<hbm>> -> memref<80x128xf32, #tpu.memory_space<hbm>>
      %dma_wait3A_261 = arith.constant 0 : i32
      %dma_wait3A_262 = tpu.memref_slice %arg11[%add3A_246, %dma_wait3A_261] : memref<10240x128xf32, #tpu.memory_space<vmem_shared>> -> memref<80x128xf32, #tpu.memory_space<vmem_shared>>
      tpu.wait_dma2 semaphore(%run_scoped3A : memref<!tpu.dma_semaphore, #tpu.memory_space<semaphore_mem>>) src(%dma_wait3A_262 : memref<80x128xf32, #tpu.memory_space<vmem_shared>>) dst(%dma_wait3A_260 : memref<80x128xf32, #tpu.memory_space<hbm>>)
      tpu.yield
    }) : () -> ()
    %add3A_249 = arith.constant 560 : i32
    %add3A_250 = arith.addi %mul3A_2, %add3A_249 : i32
    %add3A_251 = arith.constant 560 : i32
    %add3A_252 = arith.addi %mul3A_2, %add3A_251 : i32
    "tpu.region"() ({
      %run_scoped3A = tpu.sem_alloc : memref<!tpu.dma_semaphore, #tpu.memory_space<semaphore_mem>>
      %dma_start3A_253 = arith.constant 0 : i32
      %dma_start3A_254 = tpu.memref_slice %arg6[%arg0, %add3A_252, %dma_start3A_253] : memref<2x10240x128xf32, #tpu.memory_space<hbm>> -> memref<1x80x128xf32, #tpu.memory_space<hbm>>
      %dma_start3A_255 = tpu.memref_squeeze %dma_start3A_254 : memref<1x80x128xf32, #tpu.memory_space<hbm>> -> memref<80x128xf32, #tpu.memory_space<hbm>>
      %dma_start3A_256 = arith.constant 0 : i32
      %dma_start3A_257 = tpu.memref_slice %arg11[%add3A_250, %dma_start3A_256] : memref<10240x128xf32, #tpu.memory_space<vmem_shared>> -> memref<80x128xf32, #tpu.memory_space<vmem_shared>>
      tpu.enqueue_dma source(%dma_start3A_257 : memref<80x128xf32, #tpu.memory_space<vmem_shared>>) target(%dma_start3A_255 : memref<80x128xf32, #tpu.memory_space<hbm>>) target_semaphore(%run_scoped3A : memref<!tpu.dma_semaphore, #tpu.memory_space<semaphore_mem>>)
      %dma_wait3A_258 = arith.constant 0 : i32
      %dma_wait3A_259 = tpu.memref_slice %arg6[%arg0, %add3A_252, %dma_wait3A_258] : memref<2x10240x128xf32, #tpu.memory_space<hbm>> -> memref<1x80x128xf32, #tpu.memory_space<hbm>>
      %dma_wait3A_260 = tpu.memref_squeeze %dma_wait3A_259 : memref<1x80x128xf32, #tpu.memory_space<hbm>> -> memref<80x128xf32, #tpu.memory_space<hbm>>
      %dma_wait3A_261 = arith.constant 0 : i32
      %dma_wait3A_262 = tpu.memref_slice %arg11[%add3A_250, %dma_wait3A_261] : memref<10240x128xf32, #tpu.memory_space<vmem_shared>> -> memref<80x128xf32, #tpu.memory_space<vmem_shared>>
      tpu.wait_dma2 semaphore(%run_scoped3A : memref<!tpu.dma_semaphore, #tpu.memory_space<semaphore_mem>>) src(%dma_wait3A_262 : memref<80x128xf32, #tpu.memory_space<vmem_shared>>) dst(%dma_wait3A_260 : memref<80x128xf32, #tpu.memory_space<hbm>>)
      tpu.yield
    }) : () -> ()
    return
  }
}

#map = affine_map<(d0, d1) -> (0, 0, 0)>
#map1 = affine_map<(d0, d1) -> (0)>
#map2 = affine_map<(d0, d1) -> (0, 0)>
module attributes {stable_mosaic.version = 14 : i64} {
  func.func @_deg_kernel(%arg0: i32, %arg1: i32, %arg2: memref<3200x1x100xi32, #tpu.memory_space<hbm>>, %arg3: memref<128xf32, #tpu.memory_space<hbm>>, %arg4: memref<640xf32, #tpu.memory_space<hbm>>, %arg5: memref<2x10240xf32, #tpu.memory_space<hbm>>, %arg6: memref<100x1x100xi32, #tpu.memory_space<vmem>>, %arg7: memref<128xf32, #tpu.memory_space<vmem>>, %arg8: memref<640xf32, #tpu.memory_space<vmem>>, %arg9: memref<10240xf32, #tpu.memory_space<vmem_shared>>, %arg10: memref<!tpu.dma_semaphore, #tpu.memory_space<semaphore_mem>>, %arg11: memref<!tpu.dma_semaphore, #tpu.memory_space<semaphore_mem>>, %arg12: memref<!tpu.dma_semaphore, #tpu.memory_space<semaphore_mem>>, %arg13: memref<!tpu.dma_semaphore, #tpu.memory_space<semaphore_mem>>) attributes {dimension_semantics = [#tpu.dimension_semantics<core_parallel>, #tpu.dimension_semantics<subcore_parallel>], iteration_bounds = array<i64: 2, 16>, scalar_prefetch = 0 : i64, scratch_operands = 8 : i64, tpu.core_type = #tpu.core_type<sc_vector_subcore>, window_params = [{transform_indices = #map}, {transform_indices = #map1}, {transform_indices = #map1}, {transform_indices = #map2}]} {
    %mul3A = arith.constant 2 : i32
    %mul3A_0 = arith.muli %arg1, %mul3A : i32
    %add3A = arith.addi %mul3A_0, %arg0 : i32
    "tpu.region"() ({
      %run_scoped3A = tpu.sem_alloc : memref<!tpu.dma_semaphore, #tpu.memory_space<semaphore_mem>>
      tpu.enqueue_dma source(%arg3 : memref<128xf32, #tpu.memory_space<hbm>>) target(%arg7 : memref<128xf32, #tpu.memory_space<vmem>>) target_semaphore(%run_scoped3A : memref<!tpu.dma_semaphore, #tpu.memory_space<semaphore_mem>>)
      tpu.wait_dma2 semaphore(%run_scoped3A : memref<!tpu.dma_semaphore, #tpu.memory_space<semaphore_mem>>) src(%arg3 : memref<128xf32, #tpu.memory_space<hbm>>) dst(%arg7 : memref<128xf32, #tpu.memory_space<vmem>>)
      tpu.yield
    }) : () -> ()
    "tpu.region"() ({
      %run_scoped3A = tpu.sem_alloc : memref<!tpu.dma_semaphore, #tpu.memory_space<semaphore_mem>>
      tpu.enqueue_dma source(%arg4 : memref<640xf32, #tpu.memory_space<hbm>>) target(%arg8 : memref<640xf32, #tpu.memory_space<vmem>>) target_semaphore(%run_scoped3A : memref<!tpu.dma_semaphore, #tpu.memory_space<semaphore_mem>>)
      tpu.wait_dma2 semaphore(%run_scoped3A : memref<!tpu.dma_semaphore, #tpu.memory_space<semaphore_mem>>) src(%arg4 : memref<640xf32, #tpu.memory_space<hbm>>) dst(%arg8 : memref<640xf32, #tpu.memory_space<vmem>>)
      tpu.yield
    }) : () -> ()
    %mul3A_1 = arith.constant 100 : i32
    %mul3A_2 = arith.muli %add3A, %mul3A_1 : i32
    "tpu.region"() ({
      %run_scoped3A = tpu.sem_alloc : memref<!tpu.dma_semaphore, #tpu.memory_space<semaphore_mem>>
      %dma_start3A = arith.constant 0 : i32
      %dma_start3A_15 = arith.constant 0 : i32
      %dma_start3A_16 = tpu.memref_slice %arg2[%mul3A_2, %dma_start3A, %dma_start3A_15] : memref<3200x1x100xi32, #tpu.memory_space<hbm>> -> memref<100x1x100xi32, #tpu.memory_space<hbm>>
      %dma_start3A_17 = arith.constant 0 : i32
      %dma_start3A_18 = arith.constant 0 : i32
      %dma_start3A_19 = tpu.memref_slice %arg2[%mul3A_2, %dma_start3A_17, %dma_start3A_18] : memref<3200x1x100xi32, #tpu.memory_space<hbm>> -> memref<100x1x100xi32, #tpu.memory_space<hbm>>
      tpu.enqueue_dma source(%dma_start3A_19 : memref<100x1x100xi32, #tpu.memory_space<hbm>>) target(%arg6 : memref<100x1x100xi32, #tpu.memory_space<vmem>>) target_semaphore(%run_scoped3A : memref<!tpu.dma_semaphore, #tpu.memory_space<semaphore_mem>>)
      %dma_wait3A = arith.constant 0 : i32
      %dma_wait3A_20 = arith.constant 0 : i32
      %dma_wait3A_21 = tpu.memref_slice %arg2[%mul3A_2, %dma_wait3A, %dma_wait3A_20] : memref<3200x1x100xi32, #tpu.memory_space<hbm>> -> memref<100x1x100xi32, #tpu.memory_space<hbm>>
      %dma_wait3A_22 = arith.constant 0 : i32
      %dma_wait3A_23 = arith.constant 0 : i32
      %dma_wait3A_24 = tpu.memref_slice %arg2[%mul3A_2, %dma_wait3A_22, %dma_wait3A_23] : memref<3200x1x100xi32, #tpu.memory_space<hbm>> -> memref<100x1x100xi32, #tpu.memory_space<hbm>>
      tpu.wait_dma2 semaphore(%run_scoped3A : memref<!tpu.dma_semaphore, #tpu.memory_space<semaphore_mem>>) src(%dma_wait3A_24 : memref<100x1x100xi32, #tpu.memory_space<hbm>>) dst(%arg6 : memref<100x1x100xi32, #tpu.memory_space<vmem>>)
      tpu.yield
    }) : () -> ()
    %mul3A_3 = arith.constant 640 : i32
    %mul3A_4 = arith.muli %arg1, %mul3A_3 : i32
    "tpu.region"() ({
      %run_scoped3A = tpu.sem_alloc : memref<!tpu.dma_semaphore, #tpu.memory_space<semaphore_mem>>
      %dma_start3A = tpu.memref_slice %arg9[%mul3A_4] : memref<10240xf32, #tpu.memory_space<vmem_shared>> -> memref<640xf32, #tpu.memory_space<vmem_shared>>
      %dma_start3A_15 = tpu.memref_slice %arg9[%mul3A_4] : memref<10240xf32, #tpu.memory_space<vmem_shared>> -> memref<640xf32, #tpu.memory_space<vmem_shared>>
      tpu.enqueue_dma source(%arg8 : memref<640xf32, #tpu.memory_space<vmem>>) target(%dma_start3A_15 : memref<640xf32, #tpu.memory_space<vmem_shared>>) target_semaphore(%run_scoped3A : memref<!tpu.dma_semaphore, #tpu.memory_space<semaphore_mem>>)
      %dma_wait3A = tpu.memref_slice %arg9[%mul3A_4] : memref<10240xf32, #tpu.memory_space<vmem_shared>> -> memref<640xf32, #tpu.memory_space<vmem_shared>>
      %dma_wait3A_16 = tpu.memref_slice %arg9[%mul3A_4] : memref<10240xf32, #tpu.memory_space<vmem_shared>> -> memref<640xf32, #tpu.memory_space<vmem_shared>>
      tpu.wait_dma2 semaphore(%run_scoped3A : memref<!tpu.dma_semaphore, #tpu.memory_space<semaphore_mem>>) src(%arg8 : memref<640xf32, #tpu.memory_space<vmem>>) dst(%dma_wait3A_16 : memref<640xf32, #tpu.memory_space<vmem_shared>>)
      tpu.yield
    }) : () -> ()
    %barrier3A = arith.constant 0 : index
    tpu.barrier barrier_id(%barrier3A)
    %scan3A = arith.constant 0 : i32
    %scan3A_5 = arith.constant 0 : i32
    %scan3A_6 = arith.constant 25 : i32
    %scan3A_7 = arith.addi %scan3A_5, %scan3A_6 : i32
    %scan3A_8 = arith.constant 1 : i32
    scf.for %scan3A_15 = %scan3A_5 to %scan3A_7 step %scan3A_8  : i32 {
      %mul3A_16 = arith.constant 4 : i32
      %mul3A_17 = arith.muli %mul3A_16, %scan3A_15 : i32
      %add3A_18 = arith.constant 0 : i32
      %add3A_19 = arith.addi %mul3A_17, %add3A_18 : i32
      %dma_start3A = arith.constant 0 : i32
      %dma_start3A_20 = arith.constant 0 : i32
      %dma_start3A_21 = tpu.memref_slice %arg7[%dma_start3A_20] : memref<128xf32, #tpu.memory_space<vmem>> -> memref<100xf32, #tpu.memory_space<vmem>>
      %dma_start3A_22 = arith.constant 0 : i32
      %dma_start3A_23 = tpu.memref_slice %arg6[%add3A_19, %dma_start3A, %dma_start3A_22] : memref<100x1x100xi32, #tpu.memory_space<vmem>> -> memref<1x1x100xi32, #tpu.memory_space<vmem>>
      %dma_start3A_24 = tpu.memref_squeeze %dma_start3A_23 : memref<1x1x100xi32, #tpu.memory_space<vmem>> -> memref<100xi32, #tpu.memory_space<vmem>>
      %dma_start3A_25 = arith.constant 0 : i32
      %dma_start3A_26 = tpu.memref_slice %arg9[%dma_start3A_25] : memref<10240xf32, #tpu.memory_space<vmem_shared>> -> memref<10240xf32, #tpu.memory_space<vmem_shared>>
      tpu.enqueue_indirect_dma source(%dma_start3A_21 : memref<100xf32, #tpu.memory_space<vmem>>) target(%dma_start3A_26 : memref<10240xf32, #tpu.memory_space<vmem_shared>>) offsets(%dma_start3A_24 : memref<100xi32, #tpu.memory_space<vmem>>) semaphore(%arg10 : memref<!tpu.dma_semaphore, #tpu.memory_space<semaphore_mem>>) {add = true}
      %mul3A_27 = arith.constant 4 : i32
      %mul3A_28 = arith.muli %mul3A_27, %scan3A_15 : i32
      %add3A_29 = arith.constant 1 : i32
      %add3A_30 = arith.addi %mul3A_28, %add3A_29 : i32
      %dma_start3A_31 = arith.constant 0 : i32
      %dma_start3A_32 = arith.constant 0 : i32
      %dma_start3A_33 = tpu.memref_slice %arg7[%dma_start3A_32] : memref<128xf32, #tpu.memory_space<vmem>> -> memref<100xf32, #tpu.memory_space<vmem>>
      %dma_start3A_34 = arith.constant 0 : i32
      %dma_start3A_35 = tpu.memref_slice %arg6[%add3A_30, %dma_start3A_31, %dma_start3A_34] : memref<100x1x100xi32, #tpu.memory_space<vmem>> -> memref<1x1x100xi32, #tpu.memory_space<vmem>>
      %dma_start3A_36 = tpu.memref_squeeze %dma_start3A_35 : memref<1x1x100xi32, #tpu.memory_space<vmem>> -> memref<100xi32, #tpu.memory_space<vmem>>
      %dma_start3A_37 = arith.constant 0 : i32
      %dma_start3A_38 = tpu.memref_slice %arg9[%dma_start3A_37] : memref<10240xf32, #tpu.memory_space<vmem_shared>> -> memref<10240xf32, #tpu.memory_space<vmem_shared>>
      tpu.enqueue_indirect_dma source(%dma_start3A_33 : memref<100xf32, #tpu.memory_space<vmem>>) target(%dma_start3A_38 : memref<10240xf32, #tpu.memory_space<vmem_shared>>) offsets(%dma_start3A_36 : memref<100xi32, #tpu.memory_space<vmem>>) semaphore(%arg11 : memref<!tpu.dma_semaphore, #tpu.memory_space<semaphore_mem>>) {add = true}
      %mul3A_39 = arith.constant 4 : i32
      %mul3A_40 = arith.muli %mul3A_39, %scan3A_15 : i32
      %add3A_41 = arith.constant 2 : i32
      %add3A_42 = arith.addi %mul3A_40, %add3A_41 : i32
      %dma_start3A_43 = arith.constant 0 : i32
      %dma_start3A_44 = arith.constant 0 : i32
      %dma_start3A_45 = tpu.memref_slice %arg7[%dma_start3A_44] : memref<128xf32, #tpu.memory_space<vmem>> -> memref<100xf32, #tpu.memory_space<vmem>>
      %dma_start3A_46 = arith.constant 0 : i32
      %dma_start3A_47 = tpu.memref_slice %arg6[%add3A_42, %dma_start3A_43, %dma_start3A_46] : memref<100x1x100xi32, #tpu.memory_space<vmem>> -> memref<1x1x100xi32, #tpu.memory_space<vmem>>
      %dma_start3A_48 = tpu.memref_squeeze %dma_start3A_47 : memref<1x1x100xi32, #tpu.memory_space<vmem>> -> memref<100xi32, #tpu.memory_space<vmem>>
      %dma_start3A_49 = arith.constant 0 : i32
      %dma_start3A_50 = tpu.memref_slice %arg9[%dma_start3A_49] : memref<10240xf32, #tpu.memory_space<vmem_shared>> -> memref<10240xf32, #tpu.memory_space<vmem_shared>>
      tpu.enqueue_indirect_dma source(%dma_start3A_45 : memref<100xf32, #tpu.memory_space<vmem>>) target(%dma_start3A_50 : memref<10240xf32, #tpu.memory_space<vmem_shared>>) offsets(%dma_start3A_48 : memref<100xi32, #tpu.memory_space<vmem>>) semaphore(%arg12 : memref<!tpu.dma_semaphore, #tpu.memory_space<semaphore_mem>>) {add = true}
      %mul3A_51 = arith.constant 4 : i32
      %mul3A_52 = arith.muli %mul3A_51, %scan3A_15 : i32
      %add3A_53 = arith.constant 3 : i32
      %add3A_54 = arith.addi %mul3A_52, %add3A_53 : i32
      %dma_start3A_55 = arith.constant 0 : i32
      %dma_start3A_56 = arith.constant 0 : i32
      %dma_start3A_57 = tpu.memref_slice %arg7[%dma_start3A_56] : memref<128xf32, #tpu.memory_space<vmem>> -> memref<100xf32, #tpu.memory_space<vmem>>
      %dma_start3A_58 = arith.constant 0 : i32
      %dma_start3A_59 = tpu.memref_slice %arg6[%add3A_54, %dma_start3A_55, %dma_start3A_58] : memref<100x1x100xi32, #tpu.memory_space<vmem>> -> memref<1x1x100xi32, #tpu.memory_space<vmem>>
      %dma_start3A_60 = tpu.memref_squeeze %dma_start3A_59 : memref<1x1x100xi32, #tpu.memory_space<vmem>> -> memref<100xi32, #tpu.memory_space<vmem>>
      %dma_start3A_61 = arith.constant 0 : i32
      %dma_start3A_62 = tpu.memref_slice %arg9[%dma_start3A_61] : memref<10240xf32, #tpu.memory_space<vmem_shared>> -> memref<10240xf32, #tpu.memory_space<vmem_shared>>
      tpu.enqueue_indirect_dma source(%dma_start3A_57 : memref<100xf32, #tpu.memory_space<vmem>>) target(%dma_start3A_62 : memref<10240xf32, #tpu.memory_space<vmem_shared>>) offsets(%dma_start3A_60 : memref<100xi32, #tpu.memory_space<vmem>>) semaphore(%arg13 : memref<!tpu.dma_semaphore, #tpu.memory_space<semaphore_mem>>) {add = true}
      %dma_wait3A = arith.constant 0 : i32
      %dma_wait3A_63 = arith.constant 0 : i32
      %dma_wait3A_64 = tpu.memref_slice %arg7[%dma_wait3A_63] : memref<128xf32, #tpu.memory_space<vmem>> -> memref<100xf32, #tpu.memory_space<vmem>>
      %dma_wait3A_65 = arith.constant 0 : i32
      %dma_wait3A_66 = tpu.memref_slice %arg6[%add3A_19, %dma_wait3A, %dma_wait3A_65] : memref<100x1x100xi32, #tpu.memory_space<vmem>> -> memref<1x1x100xi32, #tpu.memory_space<vmem>>
      %dma_wait3A_67 = tpu.memref_squeeze %dma_wait3A_66 : memref<1x1x100xi32, #tpu.memory_space<vmem>> -> memref<100xi32, #tpu.memory_space<vmem>>
      %dma_wait3A_68 = arith.constant 0 : i32
      %dma_wait3A_69 = tpu.memref_slice %arg9[%dma_wait3A_68] : memref<10240xf32, #tpu.memory_space<vmem_shared>> -> memref<10240xf32, #tpu.memory_space<vmem_shared>>
      tpu.wait_indirect_dma semaphore(%arg10 : memref<!tpu.dma_semaphore, #tpu.memory_space<semaphore_mem>>) src(%dma_wait3A_64 : memref<100xf32, #tpu.memory_space<vmem>>) dst(%dma_wait3A_69 : memref<10240xf32, #tpu.memory_space<vmem_shared>>)
      %dma_wait3A_70 = arith.constant 0 : i32
      %dma_wait3A_71 = arith.constant 0 : i32
      %dma_wait3A_72 = tpu.memref_slice %arg7[%dma_wait3A_71] : memref<128xf32, #tpu.memory_space<vmem>> -> memref<100xf32, #tpu.memory_space<vmem>>
      %dma_wait3A_73 = arith.constant 0 : i32
      %dma_wait3A_74 = tpu.memref_slice %arg6[%add3A_30, %dma_wait3A_70, %dma_wait3A_73] : memref<100x1x100xi32, #tpu.memory_space<vmem>> -> memref<1x1x100xi32, #tpu.memory_space<vmem>>
      %dma_wait3A_75 = tpu.memref_squeeze %dma_wait3A_74 : memref<1x1x100xi32, #tpu.memory_space<vmem>> -> memref<100xi32, #tpu.memory_space<vmem>>
      %dma_wait3A_76 = arith.constant 0 : i32
      %dma_wait3A_77 = tpu.memref_slice %arg9[%dma_wait3A_76] : memref<10240xf32, #tpu.memory_space<vmem_shared>> -> memref<10240xf32, #tpu.memory_space<vmem_shared>>
      tpu.wait_indirect_dma semaphore(%arg11 : memref<!tpu.dma_semaphore, #tpu.memory_space<semaphore_mem>>) src(%dma_wait3A_72 : memref<100xf32, #tpu.memory_space<vmem>>) dst(%dma_wait3A_77 : memref<10240xf32, #tpu.memory_space<vmem_shared>>)
      %dma_wait3A_78 = arith.constant 0 : i32
      %dma_wait3A_79 = arith.constant 0 : i32
      %dma_wait3A_80 = tpu.memref_slice %arg7[%dma_wait3A_79] : memref<128xf32, #tpu.memory_space<vmem>> -> memref<100xf32, #tpu.memory_space<vmem>>
      %dma_wait3A_81 = arith.constant 0 : i32
      %dma_wait3A_82 = tpu.memref_slice %arg6[%add3A_42, %dma_wait3A_78, %dma_wait3A_81] : memref<100x1x100xi32, #tpu.memory_space<vmem>> -> memref<1x1x100xi32, #tpu.memory_space<vmem>>
      %dma_wait3A_83 = tpu.memref_squeeze %dma_wait3A_82 : memref<1x1x100xi32, #tpu.memory_space<vmem>> -> memref<100xi32, #tpu.memory_space<vmem>>
      %dma_wait3A_84 = arith.constant 0 : i32
      %dma_wait3A_85 = tpu.memref_slice %arg9[%dma_wait3A_84] : memref<10240xf32, #tpu.memory_space<vmem_shared>> -> memref<10240xf32, #tpu.memory_space<vmem_shared>>
      tpu.wait_indirect_dma semaphore(%arg12 : memref<!tpu.dma_semaphore, #tpu.memory_space<semaphore_mem>>) src(%dma_wait3A_80 : memref<100xf32, #tpu.memory_space<vmem>>) dst(%dma_wait3A_85 : memref<10240xf32, #tpu.memory_space<vmem_shared>>)
      %dma_wait3A_86 = arith.constant 0 : i32
      %dma_wait3A_87 = arith.constant 0 : i32
      %dma_wait3A_88 = tpu.memref_slice %arg7[%dma_wait3A_87] : memref<128xf32, #tpu.memory_space<vmem>> -> memref<100xf32, #tpu.memory_space<vmem>>
      %dma_wait3A_89 = arith.constant 0 : i32
      %dma_wait3A_90 = tpu.memref_slice %arg6[%add3A_54, %dma_wait3A_86, %dma_wait3A_89] : memref<100x1x100xi32, #tpu.memory_space<vmem>> -> memref<1x1x100xi32, #tpu.memory_space<vmem>>
      %dma_wait3A_91 = tpu.memref_squeeze %dma_wait3A_90 : memref<1x1x100xi32, #tpu.memory_space<vmem>> -> memref<100xi32, #tpu.memory_space<vmem>>
      %dma_wait3A_92 = arith.constant 0 : i32
      %dma_wait3A_93 = tpu.memref_slice %arg9[%dma_wait3A_92] : memref<10240xf32, #tpu.memory_space<vmem_shared>> -> memref<10240xf32, #tpu.memory_space<vmem_shared>>
      tpu.wait_indirect_dma semaphore(%arg13 : memref<!tpu.dma_semaphore, #tpu.memory_space<semaphore_mem>>) src(%dma_wait3A_88 : memref<100xf32, #tpu.memory_space<vmem>>) dst(%dma_wait3A_93 : memref<10240xf32, #tpu.memory_space<vmem_shared>>)
    }
    %scan3A_9 = arith.constant 25 : i32
    %barrier3A_10 = arith.constant 0 : index
    tpu.barrier barrier_id(%barrier3A_10)
    %mul3A_11 = arith.constant 640 : i32
    %mul3A_12 = arith.muli %arg1, %mul3A_11 : i32
    "tpu.region"() ({
      %run_scoped3A = tpu.sem_alloc : memref<!tpu.dma_semaphore, #tpu.memory_space<semaphore_mem>>
      %dma_start3A = tpu.memref_slice %arg9[%mul3A_12] : memref<10240xf32, #tpu.memory_space<vmem_shared>> -> memref<640xf32, #tpu.memory_space<vmem_shared>>
      %dma_start3A_15 = tpu.memref_slice %arg9[%mul3A_12] : memref<10240xf32, #tpu.memory_space<vmem_shared>> -> memref<640xf32, #tpu.memory_space<vmem_shared>>
      tpu.enqueue_dma source(%dma_start3A_15 : memref<640xf32, #tpu.memory_space<vmem_shared>>) target(%arg8 : memref<640xf32, #tpu.memory_space<vmem>>) target_semaphore(%run_scoped3A : memref<!tpu.dma_semaphore, #tpu.memory_space<semaphore_mem>>)
      %dma_wait3A = tpu.memref_slice %arg9[%mul3A_12] : memref<10240xf32, #tpu.memory_space<vmem_shared>> -> memref<640xf32, #tpu.memory_space<vmem_shared>>
      %dma_wait3A_16 = tpu.memref_slice %arg9[%mul3A_12] : memref<10240xf32, #tpu.memory_space<vmem_shared>> -> memref<640xf32, #tpu.memory_space<vmem_shared>>
      tpu.wait_dma2 semaphore(%run_scoped3A : memref<!tpu.dma_semaphore, #tpu.memory_space<semaphore_mem>>) src(%dma_wait3A_16 : memref<640xf32, #tpu.memory_space<vmem_shared>>) dst(%arg8 : memref<640xf32, #tpu.memory_space<vmem>>)
      tpu.yield
    }) : () -> ()
    %mul3A_13 = arith.constant 640 : i32
    %mul3A_14 = arith.muli %arg1, %mul3A_13 : i32
    "tpu.region"() ({
      %run_scoped3A = tpu.sem_alloc : memref<!tpu.dma_semaphore, #tpu.memory_space<semaphore_mem>>
      %dma_start3A = tpu.memref_slice %arg5[%arg0, %mul3A_14] : memref<2x10240xf32, #tpu.memory_space<hbm>> -> memref<1x640xf32, #tpu.memory_space<hbm>>
      %dma_start3A_15 = tpu.memref_squeeze %dma_start3A : memref<1x640xf32, #tpu.memory_space<hbm>> -> memref<640xf32, #tpu.memory_space<hbm>>
      %dma_start3A_16 = tpu.memref_slice %arg5[%arg0, %mul3A_14] : memref<2x10240xf32, #tpu.memory_space<hbm>> -> memref<1x640xf32, #tpu.memory_space<hbm>>
      %dma_start3A_17 = tpu.memref_squeeze %dma_start3A_16 : memref<1x640xf32, #tpu.memory_space<hbm>> -> memref<640xf32, #tpu.memory_space<hbm>>
      tpu.enqueue_dma source(%arg8 : memref<640xf32, #tpu.memory_space<vmem>>) target(%dma_start3A_17 : memref<640xf32, #tpu.memory_space<hbm>>) target_semaphore(%run_scoped3A : memref<!tpu.dma_semaphore, #tpu.memory_space<semaphore_mem>>)
      %dma_wait3A = tpu.memref_slice %arg5[%arg0, %mul3A_14] : memref<2x10240xf32, #tpu.memory_space<hbm>> -> memref<1x640xf32, #tpu.memory_space<hbm>>
      %dma_wait3A_18 = tpu.memref_squeeze %dma_wait3A : memref<1x640xf32, #tpu.memory_space<hbm>> -> memref<640xf32, #tpu.memory_space<hbm>>
      %dma_wait3A_19 = tpu.memref_slice %arg5[%arg0, %mul3A_14] : memref<2x10240xf32, #tpu.memory_space<hbm>> -> memref<1x640xf32, #tpu.memory_space<hbm>>
      %dma_wait3A_20 = tpu.memref_squeeze %dma_wait3A_19 : memref<1x640xf32, #tpu.memory_space<hbm>> -> memref<640xf32, #tpu.memory_space<hbm>>
      tpu.wait_dma2 semaphore(%run_scoped3A : memref<!tpu.dma_semaphore, #tpu.memory_space<semaphore_mem>>) src(%arg8 : memref<640xf32, #tpu.memory_space<vmem>>) dst(%dma_wait3A_20 : memref<640xf32, #tpu.memory_space<hbm>>)
      tpu.yield
    }) : () -> ()
    return
  }
}

module attributes {stable_mosaic.version = 14 : i64} {
  func.func @_k1_body(%arg0: i32, %arg1: memref<1280x128xf32, #tpu.memory_space<vmem>>, %arg2: memref<128x128xf32, #tpu.memory_space<vmem>>, %arg3: memref<1280x2xf32, #tpu.memory_space<vmem>>, %arg4: memref<1280x128xf32, #tpu.memory_space<vmem>>) attributes {dimension_semantics = [#tpu.dimension_semantics<arbitrary>], iteration_bounds = array<i64: 8>, scalar_prefetch = 0 : i64, scratch_operands = 0 : i64, tpu.core_type = #tpu.core_type<tc>, window_params = [{transform_indices = @transform_0, window_bounds = array<i64: 1280, 128>}, {pipeline_mode = #tpu.pipeline_mode<synchronous>, transform_indices = @transform_1, window_bounds = array<i64: 128, 128>}, {transform_indices = @transform_2, window_bounds = array<i64: 1280, 2>}, {transform_indices = @transform_3, window_bounds = array<i64: 1280, 128>}]} {
    %get3A = arith.constant 0 : index
    %get3A_0 = arith.constant 0 : index
    %get3A_1 = vector.load %arg3[%get3A, %get3A_0] : memref<1280x2xf32, #tpu.memory_space<vmem>>, vector<1280x2xf32>
    %slice3A = vector.extract_strided_slice %get3A_1 {offsets = [0, 0], sizes = [1280, 1], strides = [1, 1]} : vector<1280x2xf32> to vector<1280x1xf32>
    %slice3A_2 = vector.extract_strided_slice %get3A_1 {offsets = [0, 1], sizes = [1280, 1], strides = [1, 1]} : vector<1280x2xf32> to vector<1280x1xf32>
    %add3A = arith.addf %slice3A, %slice3A_2 : vector<1280x1xf32>
    %max3A = arith.constant 1.000000e+00 : f32
    %max3A_3 = vector.broadcast %max3A : f32 to vector<1280x1xf32>
    %max3A_4 = arith.maximumf %add3A, %max3A_3 : vector<1280x1xf32>
    %rsqrt3A = math.rsqrt %max3A_4 : vector<1280x1xf32>
    %get3A_5 = arith.constant 0 : index
    %get3A_6 = arith.constant 0 : index
    %get3A_7 = vector.load %arg1[%get3A_5, %get3A_6] : memref<1280x128xf32, #tpu.memory_space<vmem>>, vector<1280x128xf32>
    %get3A_8 = arith.constant 0 : index
    %get3A_9 = arith.constant 0 : index
    %get3A_10 = vector.load %arg2[%get3A_8, %get3A_9] : memref<128x128xf32, #tpu.memory_space<vmem>>, vector<128x128xf32>
    %dot_general3A = arith.constant dense<0.000000e+00> : vector<1280x128xf32>
    %dot_general3A_11 = tpu.matmul %get3A_7, %get3A_10, %dot_general3A {dimension_numbers = #tpu.dot_dimension_numbers<[1], [0], [0], [1], [0, 0, 1, 1], [], []>, transpose_lhs_hint = false} : vector<1280x128xf32>, vector<128x128xf32>, vector<1280x128xf32> -> vector<1280x128xf32>
    %mul3A = vector.broadcast %rsqrt3A : vector<1280x1xf32> to vector<1280x128xf32>
    %mul3A_12 = arith.mulf %dot_general3A_11, %mul3A : vector<1280x128xf32>
    %swap3A = arith.constant 0 : index
    %swap3A_13 = arith.constant 0 : index
    %swap3A_14 = vector.load %arg4[%swap3A, %swap3A_13] : memref<1280x128xf32, #tpu.memory_space<vmem>>, vector<1280x128xf32>
    tpu.vector_store %arg4[%swap3A, %swap3A_13], %mul3A_12 {strides = array<i32>} : memref<1280x128xf32, #tpu.memory_space<vmem>>, vector<1280x128xf32>,
    return
  }
  func.func @transform_0(%arg0: i32) -> (i32, i32) {
    %c0_i32 = arith.constant 0 : i32
    %c0_i32_0 = arith.constant 0 : i32
    return %arg0, %c0_i32 : i32, i32
  }
  func.func @transform_1(%arg0: i32) -> (i32, i32) {
    %c0_i32 = arith.constant 0 : i32
    %c0_i32_0 = arith.constant 0 : i32
    %c0_i32_1 = arith.constant 0 : i32
    return %c0_i32, %c0_i32_0 : i32, i32
  }
  func.func @transform_2(%arg0: i32) -> (i32, i32) {
    %c0_i32 = arith.constant 0 : i32
    %c0_i32_0 = arith.constant 0 : i32
    return %arg0, %c0_i32 : i32, i32
  }
  func.func @transform_3(%arg0: i32) -> (i32, i32) {
    %c0_i32 = arith.constant 0 : i32
    %c0_i32_0 = arith.constant 0 : i32
    return %arg0, %c0_i32 : i32, i32
  }
}

module attributes {stable_mosaic.version = 14 : i64} {
  func.func @_k2_body(%arg0: i32, %arg1: memref<2x1280x128xf32, #tpu.memory_space<vmem>>, %arg2: memref<1280x2xf32, #tpu.memory_space<vmem>>, %arg3: memref<1x128xf32, #tpu.memory_space<vmem>>, %arg4: memref<128x128xf32, #tpu.memory_space<vmem>>, %arg5: memref<1280x128xf32, #tpu.memory_space<vmem>>) attributes {dimension_semantics = [#tpu.dimension_semantics<arbitrary>], iteration_bounds = array<i64: 8>, scalar_prefetch = 0 : i64, scratch_operands = 0 : i64, tpu.core_type = #tpu.core_type<tc>, window_params = [{transform_indices = @transform_0, window_bounds = array<i64: 2, 1280, 128>}, {transform_indices = @transform_1, window_bounds = array<i64: 1280, 2>}, {pipeline_mode = #tpu.pipeline_mode<synchronous>, transform_indices = @transform_2, window_bounds = array<i64: 1, 128>}, {pipeline_mode = #tpu.pipeline_mode<synchronous>, transform_indices = @transform_3, window_bounds = array<i64: 128, 128>}, {transform_indices = @transform_4, window_bounds = array<i64: 1280, 128>}]} {
    %get3A = arith.constant 0 : index
    %get3A_0 = arith.constant 0 : index
    %get3A_1 = vector.load %arg2[%get3A, %get3A_0] : memref<1280x2xf32, #tpu.memory_space<vmem>>, vector<1280x2xf32>
    %slice3A = vector.extract_strided_slice %get3A_1 {offsets = [0, 0], sizes = [1280, 1], strides = [1, 1]} : vector<1280x2xf32> to vector<1280x1xf32>
    %slice3A_2 = vector.extract_strided_slice %get3A_1 {offsets = [0, 1], sizes = [1280, 1], strides = [1, 1]} : vector<1280x2xf32> to vector<1280x1xf32>
    %add3A = arith.addf %slice3A, %slice3A_2 : vector<1280x1xf32>
    %max3A = arith.constant 1.000000e+00 : f32
    %max3A_3 = vector.broadcast %max3A : f32 to vector<1280x1xf32>
    %max3A_4 = arith.maximumf %add3A, %max3A_3 : vector<1280x1xf32>
    %rsqrt3A = math.rsqrt %max3A_4 : vector<1280x1xf32>
    %get3A_5 = arith.constant 0 : index
    %get3A_6 = arith.constant 0 : index
    %get3A_7 = arith.constant 0 : index
    %get3A_8 = vector.load %arg1[%get3A_5, %get3A_6, %get3A_7] : memref<2x1280x128xf32, #tpu.memory_space<vmem>>, vector<1x1280x128xf32>
    %get3A_9 = vector.shape_cast %get3A_8 : vector<1x1280x128xf32> to vector<1280x128xf32>
    %get3A_10 = arith.constant 1 : index
    %get3A_11 = arith.constant 0 : index
    %get3A_12 = arith.constant 0 : index
    %get3A_13 = vector.load %arg1[%get3A_10, %get3A_11, %get3A_12] : memref<2x1280x128xf32, #tpu.memory_space<vmem>>, vector<1x1280x128xf32>
    %get3A_14 = vector.shape_cast %get3A_13 : vector<1x1280x128xf32> to vector<1280x128xf32>
    %add3A_15 = arith.addf %get3A_9, %get3A_14 : vector<1280x128xf32>
    %mul3A = vector.broadcast %rsqrt3A : vector<1280x1xf32> to vector<1280x128xf32>
    %mul3A_16 = arith.mulf %add3A_15, %mul3A : vector<1280x128xf32>
    %get3A_17 = arith.constant 0 : index
    %get3A_18 = arith.constant 0 : index
    %get3A_19 = vector.load %arg3[%get3A_17, %get3A_18] : memref<1x128xf32, #tpu.memory_space<vmem>>, vector<1x128xf32>
    %add3A_20 = vector.broadcast %get3A_19 : vector<1x128xf32> to vector<1280x128xf32>
    %add3A_21 = arith.addf %mul3A_16, %add3A_20 : vector<1280x128xf32>
    %max3A_22 = arith.constant 0.000000e+00 : f32
    %max3A_23 = vector.broadcast %max3A_22 : f32 to vector<1280x128xf32>
    %max3A_24 = arith.maximumf %add3A_21, %max3A_23 : vector<1280x128xf32>
    %get3A_25 = arith.constant 0 : index
    %get3A_26 = arith.constant 0 : index
    %get3A_27 = vector.load %arg4[%get3A_25, %get3A_26] : memref<128x128xf32, #tpu.memory_space<vmem>>, vector<128x128xf32>
    %dot_general3A = arith.constant dense<0.000000e+00> : vector<1280x128xf32>
    %dot_general3A_28 = tpu.matmul %max3A_24, %get3A_27, %dot_general3A {dimension_numbers = #tpu.dot_dimension_numbers<[1], [0], [0], [1], [0, 0, 1, 1], [], []>, transpose_lhs_hint = false} : vector<1280x128xf32>, vector<128x128xf32>, vector<1280x128xf32> -> vector<1280x128xf32>
    %mul3A_29 = vector.broadcast %rsqrt3A : vector<1280x1xf32> to vector<1280x128xf32>
    %mul3A_30 = arith.mulf %dot_general3A_28, %mul3A_29 : vector<1280x128xf32>
    %swap3A = arith.constant 0 : index
    %swap3A_31 = arith.constant 0 : index
    %swap3A_32 = vector.load %arg5[%swap3A, %swap3A_31] : memref<1280x128xf32, #tpu.memory_space<vmem>>, vector<1280x128xf32>
    tpu.vector_store %arg5[%swap3A, %swap3A_31], %mul3A_30 {strides = array<i32>} : memref<1280x128xf32, #tpu.memory_space<vmem>>, vector<1280x128xf32>,
    return
  }
  func.func @transform_0(%arg0: i32) -> (i32, i32, i32) {
    %c0_i32 = arith.constant 0 : i32
    %c0_i32_0 = arith.constant 0 : i32
    %c0_i32_1 = arith.constant 0 : i32
    return %c0_i32, %arg0, %c0_i32_0 : i32, i32, i32
  }
  func.func @transform_1(%arg0: i32) -> (i32, i32) {
    %c0_i32 = arith.constant 0 : i32
    %c0_i32_0 = arith.constant 0 : i32
    return %arg0, %c0_i32 : i32, i32
  }
  func.func @transform_2(%arg0: i32) -> (i32, i32) {
    %c0_i32 = arith.constant 0 : i32
    %c0_i32_0 = arith.constant 0 : i32
    %c0_i32_1 = arith.constant 0 : i32
    return %c0_i32, %c0_i32_0 : i32, i32
  }
  func.func @transform_3(%arg0: i32) -> (i32, i32) {
    %c0_i32 = arith.constant 0 : i32
    %c0_i32_0 = arith.constant 0 : i32
    %c0_i32_1 = arith.constant 0 : i32
    return %c0_i32, %c0_i32_0 : i32, i32
  }
  func.func @transform_4(%arg0: i32) -> (i32, i32) {
    %c0_i32 = arith.constant 0 : i32
    %c0_i32_0 = arith.constant 0 : i32
    return %arg0, %c0_i32 : i32, i32
  }
}

module attributes {stable_mosaic.version = 14 : i64} {
  func.func @_k3_body(%arg0: i32, %arg1: memref<2x1280x128xf32, #tpu.memory_space<vmem>>, %arg2: memref<1280x2xf32, #tpu.memory_space<vmem>>, %arg3: memref<1x128xf32, #tpu.memory_space<vmem>>, %arg4: memref<4x1280x128xf32, #tpu.memory_space<vmem>>) attributes {dimension_semantics = [#tpu.dimension_semantics<arbitrary>], iteration_bounds = array<i64: 8>, scalar_prefetch = 0 : i64, scratch_operands = 0 : i64, tpu.core_type = #tpu.core_type<tc>, window_params = [{transform_indices = @transform_0, window_bounds = array<i64: 2, 1280, 128>}, {transform_indices = @transform_1, window_bounds = array<i64: 1280, 2>}, {pipeline_mode = #tpu.pipeline_mode<synchronous>, transform_indices = @transform_2, window_bounds = array<i64: 1, 128>}, {transform_indices = @transform_3, window_bounds = array<i64: 4, 1280, 128>}]} {
    %get3A = arith.constant 0 : index
    %get3A_0 = arith.constant 0 : index
    %get3A_1 = vector.load %arg2[%get3A, %get3A_0] : memref<1280x2xf32, #tpu.memory_space<vmem>>, vector<1280x2xf32>
    %slice3A = vector.extract_strided_slice %get3A_1 {offsets = [0, 0], sizes = [1280, 1], strides = [1, 1]} : vector<1280x2xf32> to vector<1280x1xf32>
    %slice3A_2 = vector.extract_strided_slice %get3A_1 {offsets = [0, 1], sizes = [1280, 1], strides = [1, 1]} : vector<1280x2xf32> to vector<1280x1xf32>
    %add3A = arith.addf %slice3A, %slice3A_2 : vector<1280x1xf32>
    %max3A = arith.constant 1.000000e+00 : f32
    %max3A_3 = vector.broadcast %max3A : f32 to vector<1280x1xf32>
    %max3A_4 = arith.maximumf %add3A, %max3A_3 : vector<1280x1xf32>
    %rsqrt3A = math.rsqrt %max3A_4 : vector<1280x1xf32>
    %get3A_5 = arith.constant 0 : index
    %get3A_6 = arith.constant 0 : index
    %get3A_7 = arith.constant 0 : index
    %get3A_8 = vector.load %arg1[%get3A_5, %get3A_6, %get3A_7] : memref<2x1280x128xf32, #tpu.memory_space<vmem>>, vector<1x1280x128xf32>
    %get3A_9 = vector.shape_cast %get3A_8 : vector<1x1280x128xf32> to vector<1280x128xf32>
    %get3A_10 = arith.constant 1 : index
    %get3A_11 = arith.constant 0 : index
    %get3A_12 = arith.constant 0 : index
    %get3A_13 = vector.load %arg1[%get3A_10, %get3A_11, %get3A_12] : memref<2x1280x128xf32, #tpu.memory_space<vmem>>, vector<1x1280x128xf32>
    %get3A_14 = vector.shape_cast %get3A_13 : vector<1x1280x128xf32> to vector<1280x128xf32>
    %add3A_15 = arith.addf %get3A_9, %get3A_14 : vector<1280x128xf32>
    %mul3A = vector.broadcast %rsqrt3A : vector<1280x1xf32> to vector<1280x128xf32>
    %mul3A_16 = arith.mulf %add3A_15, %mul3A : vector<1280x128xf32>
    %get3A_17 = arith.constant 0 : index
    %get3A_18 = arith.constant 0 : index
    %get3A_19 = vector.load %arg3[%get3A_17, %get3A_18] : memref<1x128xf32, #tpu.memory_space<vmem>>, vector<1x128xf32>
    %add3A_20 = vector.broadcast %get3A_19 : vector<1x128xf32> to vector<1280x128xf32>
    %add3A_21 = arith.addf %mul3A_16, %add3A_20 : vector<1280x128xf32>
    %broadcast_in_dim3A = arith.constant 0.000000e+00 : f32
    %broadcast_in_dim3A_22 = vector.broadcast %broadcast_in_dim3A : f32 to vector<1280x128xf32>
    %sub3A = arith.subf %add3A_21, %broadcast_in_dim3A_22 : vector<1280x128xf32>
    %div3A = arith.constant 2.000000e+00 : f32
    %div3A_23 = vector.broadcast %div3A : f32 to vector<1280x128xf32>
    %div3A_24 = arith.divf %sub3A, %div3A_23 : vector<1280x128xf32>
    %add3A_25 = arith.addf %broadcast_in_dim3A_22, %div3A_24 : vector<1280x128xf32>
    %ge3A = arith.constant 1.000000e+00 : f32
    %ge3A_26 = vector.broadcast %ge3A : f32 to vector<1280x128xf32>
    %ge3A_27 = arith.cmpf oge, %add3A_25, %ge3A_26 : vector<1280x128xf32>
    %convert_element_type3A = arith.extui %ge3A_27 : vector<1280x128xi1> to vector<1280x128xi32>
    %convert_element_type3A_28 = arith.sitofp %convert_element_type3A : vector<1280x128xi32> to vector<1280x128xf32>
    %swap3A = arith.constant 0 : index
    %swap3A_29 = arith.constant 0 : index
    %swap3A_30 = arith.constant 0 : index
    %swap3A_31 = vector.load %arg4[%swap3A, %swap3A_29, %swap3A_30] : memref<4x1280x128xf32, #tpu.memory_space<vmem>>, vector<1x1280x128xf32>
    %swap3A_32 = vector.shape_cast %swap3A_31 : vector<1x1280x128xf32> to vector<1280x128xf32>
    %swap3A_33 = vector.shape_cast %convert_element_type3A_28 : vector<1280x128xf32> to vector<1x1280x128xf32>
    tpu.vector_store %arg4[%swap3A, %swap3A_29, %swap3A_30], %swap3A_33 {strides = array<i32>} : memref<4x1280x128xf32, #tpu.memory_space<vmem>>, vector<1x1280x128xf32>,
    %sub3A_34 = arith.constant 1.000000e+00 : f32
    %sub3A_35 = vector.broadcast %sub3A_34 : f32 to vector<1280x128xf32>
    %sub3A_36 = arith.subf %sub3A_35, %convert_element_type3A_28 : vector<1280x128xf32>
    %mul3A_37 = arith.mulf %add3A_25, %sub3A_36 : vector<1280x128xf32>
    %sub3A_38 = arith.subf %add3A_21, %mul3A_37 : vector<1280x128xf32>
    %div3A_39 = arith.constant 2.000000e+00 : f32
    %div3A_40 = vector.broadcast %div3A_39 : f32 to vector<1280x128xf32>
    %div3A_41 = arith.divf %sub3A_38, %div3A_40 : vector<1280x128xf32>
    %add3A_42 = arith.addf %mul3A_37, %div3A_41 : vector<1280x128xf32>
    %ge3A_43 = arith.constant 1.000000e+00 : f32
    %ge3A_44 = vector.broadcast %ge3A_43 : f32 to vector<1280x128xf32>
    %ge3A_45 = arith.cmpf oge, %add3A_42, %ge3A_44 : vector<1280x128xf32>
    %convert_element_type3A_46 = arith.extui %ge3A_45 : vector<1280x128xi1> to vector<1280x128xi32>
    %convert_element_type3A_47 = arith.sitofp %convert_element_type3A_46 : vector<1280x128xi32> to vector<1280x128xf32>
    %swap3A_48 = arith.constant 1 : index
    %swap3A_49 = arith.constant 0 : index
    %swap3A_50 = arith.constant 0 : index
    %swap3A_51 = vector.load %arg4[%swap3A_48, %swap3A_49, %swap3A_50] : memref<4x1280x128xf32, #tpu.memory_space<vmem>>, vector<1x1280x128xf32>
    %swap3A_52 = vector.shape_cast %swap3A_51 : vector<1x1280x128xf32> to vector<1280x128xf32>
    %swap3A_53 = vector.shape_cast %convert_element_type3A_47 : vector<1280x128xf32> to vector<1x1280x128xf32>
    tpu.vector_store %arg4[%swap3A_48, %swap3A_49, %swap3A_50], %swap3A_53 {strides = array<i32>} : memref<4x1280x128xf32, #tpu.memory_space<vmem>>, vector<1x1280x128xf32>,
    %sub3A_54 = arith.constant 1.000000e+00 : f32
    %sub3A_55 = vector.broadcast %sub3A_54 : f32 to vector<1280x128xf32>
    %sub3A_56 = arith.subf %sub3A_55, %convert_element_type3A_47 : vector<1280x128xf32>
    %mul3A_57 = arith.mulf %add3A_42, %sub3A_56 : vector<1280x128xf32>
    %sub3A_58 = arith.subf %add3A_21, %mul3A_57 : vector<1280x128xf32>
    %div3A_59 = arith.constant 2.000000e+00 : f32
    %div3A_60 = vector.broadcast %div3A_59 : f32 to vector<1280x128xf32>
    %div3A_61 = arith.divf %sub3A_58, %div3A_60 : vector<1280x128xf32>
    %add3A_62 = arith.addf %mul3A_57, %div3A_61 : vector<1280x128xf32>
    %ge3A_63 = arith.constant 1.000000e+00 : f32
    %ge3A_64 = vector.broadcast %ge3A_63 : f32 to vector<1280x128xf32>
    %ge3A_65 = arith.cmpf oge, %add3A_62, %ge3A_64 : vector<1280x128xf32>
    %convert_element_type3A_66 = arith.extui %ge3A_65 : vector<1280x128xi1> to vector<1280x128xi32>
    %convert_element_type3A_67 = arith.sitofp %convert_element_type3A_66 : vector<1280x128xi32> to vector<1280x128xf32>
    %swap3A_68 = arith.constant 2 : index
    %swap3A_69 = arith.constant 0 : index
    %swap3A_70 = arith.constant 0 : index
    %swap3A_71 = vector.load %arg4[%swap3A_68, %swap3A_69, %swap3A_70] : memref<4x1280x128xf32, #tpu.memory_space<vmem>>, vector<1x1280x128xf32>
    %swap3A_72 = vector.shape_cast %swap3A_71 : vector<1x1280x128xf32> to vector<1280x128xf32>
    %swap3A_73 = vector.shape_cast %convert_element_type3A_67 : vector<1280x128xf32> to vector<1x1280x128xf32>
    tpu.vector_store %arg4[%swap3A_68, %swap3A_69, %swap3A_70], %swap3A_73 {strides = array<i32>} : memref<4x1280x128xf32, #tpu.memory_space<vmem>>, vector<1x1280x128xf32>,
    %sub3A_74 = arith.constant 1.000000e+00 : f32
    %sub3A_75 = vector.broadcast %sub3A_74 : f32 to vector<1280x128xf32>
    %sub3A_76 = arith.subf %sub3A_75, %convert_element_type3A_67 : vector<1280x128xf32>
    %mul3A_77 = arith.mulf %add3A_62, %sub3A_76 : vector<1280x128xf32>
    %sub3A_78 = arith.subf %add3A_21, %mul3A_77 : vector<1280x128xf32>
    %div3A_79 = arith.constant 2.000000e+00 : f32
    %div3A_80 = vector.broadcast %div3A_79 : f32 to vector<1280x128xf32>
    %div3A_81 = arith.divf %sub3A_78, %div3A_80 : vector<1280x128xf32>
    %add3A_82 = arith.addf %mul3A_77, %div3A_81 : vector<1280x128xf32>
    %ge3A_83 = arith.constant 1.000000e+00 : f32
    %ge3A_84 = vector.broadcast %ge3A_83 : f32 to vector<1280x128xf32>
    %ge3A_85 = arith.cmpf oge, %add3A_82, %ge3A_84 : vector<1280x128xf32>
    %convert_element_type3A_86 = arith.extui %ge3A_85 : vector<1280x128xi1> to vector<1280x128xi32>
    %convert_element_type3A_87 = arith.sitofp %convert_element_type3A_86 : vector<1280x128xi32> to vector<1280x128xf32>
    %swap3A_88 = arith.constant 3 : index
    %swap3A_89 = arith.constant 0 : index
    %swap3A_90 = arith.constant 0 : index
    %swap3A_91 = vector.load %arg4[%swap3A_88, %swap3A_89, %swap3A_90] : memref<4x1280x128xf32, #tpu.memory_space<vmem>>, vector<1x1280x128xf32>
    %swap3A_92 = vector.shape_cast %swap3A_91 : vector<1x1280x128xf32> to vector<1280x128xf32>
    %swap3A_93 = vector.shape_cast %convert_element_type3A_87 : vector<1280x128xf32> to vector<1x1280x128xf32>
    tpu.vector_store %arg4[%swap3A_88, %swap3A_89, %swap3A_90], %swap3A_93 {strides = array<i32>} : memref<4x1280x128xf32, #tpu.memory_space<vmem>>, vector<1x1280x128xf32>,
    return
  }
  func.func @transform_0(%arg0: i32) -> (i32, i32, i32) {
    %c0_i32 = arith.constant 0 : i32
    %c0_i32_0 = arith.constant 0 : i32
    %c0_i32_1 = arith.constant 0 : i32
    return %c0_i32, %arg0, %c0_i32_0 : i32, i32, i32
  }
  func.func @transform_1(%arg0: i32) -> (i32, i32) {
    %c0_i32 = arith.constant 0 : i32
    %c0_i32_0 = arith.constant 0 : i32
    return %arg0, %c0_i32 : i32, i32
  }
  func.func @transform_2(%arg0: i32) -> (i32, i32) {
    %c0_i32 = arith.constant 0 : i32
    %c0_i32_0 = arith.constant 0 : i32
    %c0_i32_1 = arith.constant 0 : i32
    return %c0_i32, %c0_i32_0 : i32, i32
  }
  func.func @transform_3(%arg0: i32) -> (i32, i32, i32) {
    %c0_i32 = arith.constant 0 : i32
    %c0_i32_0 = arith.constant 0 : i32
    %c0_i32_1 = arith.constant 0 : i32
    return %c0_i32, %arg0, %c0_i32_0 : i32, i32, i32
  }
}

</mosaic_0001>

<sc_bundles>
// kernel: kernel.11.cloned.1.call-start
scs
__scs_entry_jumppad:
0x0: {  	(pc) =	sbr.rel $0x88, $3  }
0x1: {  	(tag) =	ssettag $0x0;
	lr =	simm.s32 $0x1  }
0x2: {  	[smem:$0x3F9B] =	sst lr;
	_ =	strace $0xD0000000  }
0x3: {  	_ = 	snop  }
0x4: {  	_ = 	snop  }
0x5: {  	_ = 	snop  }
0x6: {  	_ = 	snop  }
0x7: {  	_ = 	snop  }
__scs_overlays_trampoline_lowered:
0x8: {  	[smem:$0x3FAA] =	sst s0  }
0x9: {  	[smem:$0x3FAB] =	sst s1  }
0xa: {  	[smem:$0x3FAC] =	sst s2  }
0xb: {  	[smem:$0x3FAD] =	sst s3  }
0xc: {  	[smem:$0x3FAE] =	sst s4  }
0xd: {  	[smem:$0x3FAF] =	sst s5  }
0xe: {  	[smem:$0x3FB0] =	sst s6  }
0xf: {  	[smem:$0x3FB1] =	sst s7  }
0x10: {  	[smem:$0x3FB2] =	sst s8  }
0x11: {  	[smem:$0x3FB3] =	sst s9;
	s0 =	simm.s32 @!p0 $0x0  }
0x12: {  	s1 =	sld [smem:$0x3F99];
	s0 =	simm.s32 @p0 $0x1  }
0x13: {  	[smem:$0x3FB4] =	sst s0;
	s0 =	simm.s32 @!p1 $0x0  }
0x14: {  	s2 =	sld [smem:$0x3F98];
	s0 =	simm.s32 @p1 $0x1  }
0x15: {  	[smem:$0x3FB5] =	sst s0;
	s0 =	simm.s32 @!p2 $0x0  }
0x16: {  	s3 =	sld [smem:$0x3FDB];
	s0 =	simm.s32 @p2 $0x1  }
0x17: {  	s4 =	simm.s32 $0x1BF5;
	[smem:$0x3FB7] =	sst s0  }
0x18: {  	s0 =	sld [smem:$0x3F9A];
	_ =	swait.ge [sflag:s4], $0x0  }
0x19: {  	s7 =	sld [smem:$0x3F9B]  }
0x1a: {  	s8 =	sadd.s32 $0xFFFFE003, lr  }
0x1b: {  	s9 =	sadd.s32 $0xFFFFFEF7, lr;
	s5 =	simm.s32 $0xFFFFFFFF;
	p2 =	slt.u32 s8, $0xFFFFF086  }
0x1c: {  	p1 =	slt.u32 s9, $0xF7A;
	s5 =	simm.s32 @!p2 $0x0  }
0x1d: {  	s5 =	simm.s32 @p1 $0x1;
	p0 =	seq.s32 s7, s2  }
0x1e: {  	s7 =	smul.u32 @!p0 $0xF7A, s2;
	p2 =	seq.s32 @!p0 s5, $0x0  }
0x1f: {  	s9 =	smul.u32 $0xF7A, s1;
	s8 =	simm.s32 @!p0 $0x1BF5;
	p2 =	por !p2, p0  }
0x20: {  	[sflag:s8] =	ssyncset.s32 @!p0 $0xFFFFF086;
	s6 =	sadd.s32 @!p0 s3, s7;
	s7 =	simm.s32 @!p0 $0x108  }
0x21: {  	s3 =	sadd.s32 s3, s9;
	s6 =	sadd.s32 @!p0 $0x88, s6;
	s7 =	simm.s32 @p2 $0x1082  }
0x22: {  	[simem:s7], [sflag:s8] =	dma.local @!p0 [hbm:s6], $0xF7A  }
0x23: {  	s9 =	sor.u32 $0xD0000000, s2;
	s6 =	simm.s32 $0x108;
	_ =	swait.ge @!p0 [sflag:s8], $0x0  }
0x24: {  	s3 =	sadd.s32 $0x88, s3;
	s6 =	simm.s32 @!p1 $0x1082;
	[sflag:s4] =	ssyncset.s32 $0xFFFFF086  }
0x25: {  	[simem:s6], [sflag:s4] =	dma.local [hbm:s3], $0xF7A  }
0x26: {  	[smem:$0x3F9B] =	sst s1;
	(tag) =	ssettag s2;
	_ =	strace s9  }
0x27: {  	s1 =	sld [smem:$0x3FAB]  }
0x28: {  	s2 =	sld [smem:$0x3FAC]  }
0x29: {  	s4 =	sld [smem:$0x3FAE]  }
0x2a: {  	p0 =	seq.s32 s5, $0x0;
	s5 =	sld [smem:$0x3FAF]  }
0x2b: {  	s6 =	sld [smem:$0x3FB0]  }
0x2c: {  	s7 =	sld [smem:$0x3FB1]  }
0x2d: {  	s3 =	simm.s32 $0x108;
	s8 =	sld [smem:$0x3FB2]  }
0x2e: {  	s3 =	simm.s32 @!p0 $0x1082;
	s9 =	sld [smem:$0x3FB3]  }
0x2f: {  	lr =	sadd.s32 s0, s3;
	s0 =	sld [smem:$0x3FAA]  }
0x30: {  	s3 =	sld [smem:$0x3FAD]  }
0x31: {  	[smem:$0x3FB6] =	sst s10  }
0x32: {  	s10 =	sld [smem:$0x3FB4];
	_ =	sdelay $0x3  }
0x33: {  	p0 =	seq.s32 s10, $0x1;
	s10 =	sld [smem:$0x3FB6];
	_ =	sdelay $0x3  }
0x34: {  	[smem:$0x3FB6] =	sst s10  }
0x35: {  	s10 =	sld [smem:$0x3FB5];
	_ =	sdelay $0x3  }
0x36: {  	p1 =	seq.s32 s10, $0x1;
	s10 =	sld [smem:$0x3FB6];
	_ =	sdelay $0x3  }
0x37: {  	[smem:$0x3FB6] =	sst s10  }
0x38: {  	s10 =	sld [smem:$0x3FB7]  }
0x39: {  	_ = 	snop;
	(pc) =	sbr.ind lr, $3  }
0x3a: {  	_ = 	snop  }
0x3b: {  	_ = 	snop  }
0x3c: {  	p2 =	seq.s32 s10, $0x1;
	s10 =	sld [smem:$0x3FB6]  }
0x3d: {  	_ =	shalt  }
0x3e: {  	_ =	shalt  }
0x3f: {  	_ =	shalt  }
0x40: {  	_ =	shalt  }
0x41: {  	_ =	shalt  }
0x42: {  	_ =	shalt  }
0x43: {  	_ =	shalt  }
0x44: {  	_ =	shalt  }
0x45: {  	_ =	shalt  }
0x46: {  	_ =	shalt  }
0x47: {  	_ =	shalt  }
0x48: {  	_ =	shalt  }
0x49: {  	_ =	shalt  }
0x4a: {  	_ =	shalt  }
0x4b: {  	_ =	shalt  }
0x4c: {  	_ =	shalt  }
0x4d: {  	_ =	shalt  }
0x4e: {  	_ =	shalt  }
0x4f: {  	_ =	shalt  }
0x50: {  	_ =	shalt  }
0x51: {  	_ =	shalt  }
0x52: {  	_ =	shalt  }
0x53: {  	_ =	shalt  }
0x54: {  	_ =	shalt  }
0x55: {  	_ =	shalt  }
0x56: {  	_ =	shalt  }
0x57: {  	_ =	shalt  }
0x58: {  	_ =	shalt  }
0x59: {  	_ =	shalt  }
0x5a: {  	_ =	shalt  }
0x5b: {  	_ =	shalt  }
0x5c: {  	_ =	shalt  }
0x5d: {  	_ =	shalt  }
0x5e: {  	_ =	shalt  }
0x5f: {  	_ =	shalt  }
0x60: {  	_ =	shalt  }
0x61: {  	_ =	shalt  }
0x62: {  	_ =	shalt  }
0x63: {  	_ =	shalt  }
0x64: {  	_ =	shalt  }
0x65: {  	_ =	shalt  }
0x66: {  	_ =	shalt  }
0x67: {  	_ =	shalt  }
0x68: {  	_ =	shalt  }
0x69: {  	_ =	shalt  }
0x6a: {  	_ =	shalt  }
0x6b: {  	_ =	shalt  }
0x6c: {  	_ =	shalt  }
0x6d: {  	_ =	shalt  }
0x6e: {  	_ =	shalt  }
0x6f: {  	_ =	shalt  }
0x70: {  	_ =	shalt  }
0x71: {  	_ =	shalt  }
0x72: {  	_ =	shalt  }
0x73: {  	_ =	shalt  }
0x74: {  	_ =	shalt  }
0x75: {  	_ =	shalt  }
0x76: {  	_ =	shalt  }
0x77: {  	_ =	shalt  }
0x78: {  	_ =	shalt  }
0x79: {  	_ =	shalt  }
0x7a: {  	_ =	shalt  }
0x7b: {  	_ =	shalt  }
0x7c: {  	_ =	shalt  }
0x7d: {  	_ =	shalt  }
0x7e: {  	_ =	shalt  }
0x7f: {  	_ =	shalt  }
0x80: {  	_ =	shalt  }
0x81: {  	_ =	shalt  }
0x82: {  	_ =	shalt  }
0x83: {  	_ =	shalt  }
0x84: {  	_ =	shalt  }
0x85: {  	_ =	shalt  }
0x86: {  	_ =	shalt  }
0x87: {  	_ =	shalt  }
.Lfunc_end0:
.L_simem_size_0:
called_computation.1_lowered:
.L_overlay_start_0:
0x88: {  	s2 =	sld [smem:$0x3FD9]  }
0x89: {  	s3 =	sld [smem:$0x3FFE];
	_ =	sdelay $0x1  }
0x8a: {  	s1 =	srdreg.scid  }
0x8b: {  	s0 =	sand.u32 $0x1, s1  }
0x8c: {  	s17 =	sshll.u32 s0, $0xA;
	s2 =	sadd.s32 s3, s2  }
0x8d: {  	s2 =	sadd.s32 s2, s17  }
0x8e: {  	[smem:$0x3FC2] =	sst s2  }
0x8f: {  	_ = 	snop  }
0x90: {  	s2 =	sld [smem:$0x3FD0];
	(tm) =	ssettm $0x1  }
0x91: {  	s18 =	sld [smem:$0x3FFB];
	_ =	sdelay $0x3  }
0x92: {  	_ =	strace s18  }
0x93: {  	s3 =	sld [smem:$0x3FFC];
	_ =	sdelay $0x3  }
0x94: {  	_ =	strace s3  }
0x95: {  	s3 =	sld [smem:$0x3FFD];
	_ =	sdelay $0x3  }
0x96: {  	_ =	strace s3  }
0x97: {  	_ =	strace $0x8FFFFFFF  }
0x98: {  	s19 =	sld [smem:$0x3FDB];
	_ =	sdelay $0x1  }
0x99: {  	s4 =	simm.s32 $_scs_section_size  }
0x9a: {  	s5 =	simm.s32 $_size__tile_overlayer_lowered;
	s6 =	simm.s32 $_tile_overlayer_lowered  }
0x9b: {  	s22 =	simm.s32 $0x1BFF;
	s21 =	sshll.u32 s6, $0x1;
	s3 =	sadd.s32 s4, s19  }
0x9c: {  	s7 =	simm.s32 $0x0;
	s20 =	sshll.u32 s5, $0x1;
	s5 =	sadd.s32 s21, s3  }
0x9d: {  	[timem:s7], [sflag:s22] =	dma.local [hbm:s5], s20  }
0x9e: {  	_ =	swait.ge [sflag:s22], s20  }
0x9f: {  	s4 =	ssub.s32 $0x0, s20;
	[sflag:s22] =	ssyncset.done $0x0  }
0xa0: {  	[sflag:s22] =	ssyncadd.s32 s4;
	_ =	sdelay $0x1  }
0xa1: {  	s23 =	simm.s32 $0x1B8B  }
0xa2: {  	_ =	swait.ge [sflag:s23], $0x1  }
0xa3: {  	[sflag:s23] =	ssyncset.done $0x0  }
0xa4: {  	s25 =	simm.s32 $0x1B8E;
	s24 =	sld [smem:$0x3FFE];
	[sflag:s23] =	ssyncadd.s32 $0xFFFFFFFF  }
0xa5: {  	s26 =	simm.s32 $execute0_lowered;
	[smem:$0x3FD2] =	sst s25  }
0xa6: {  	s5 =	sshll.u32 s26, $0x1;
	_ =	strace $0x80000049;
	[dreg:$0x1] =	wrdreg $0xFFFFFFFF  }
0xa7: {  	s28 =	simm.s32 $_size_execute0_lowered;
	s3 =	sadd.s32 s3, s5;
	[dreg:$0x0] =	wrdreg $0x0  }
0xa8: {  	s5 =	sshll.u32 s28, $0x1;
	[dreg:$0x2] =	wrdreg s3  }
0xa9: {  	[dreg:$0x3] =	wrdreg s5  }
0xaa: {  	[dreg:$0x4] =	wrdreg $0xC0  }
0xab: {  	_ =	task [dreg:s7], $0x5FFFF  }
0xac: {  	[dreg:$0x1] =	wrdreg $0xFFFFFFFF  }
0xad: {  	[dreg:$0x0] =	wrdreg $0x60  }
0xae: {  	[dreg:$0x2] =	wrdreg s24  }
0xaf: {  	[dreg:$0x3] =	wrdreg s2  }
0xb0: {  	[dreg:$0x4] =	wrdreg $0x9A000  }
0xb1: {  	[dreg:$0x5] =	wrdreg $0x9  }
0xb2: {  	_ =	task.clear_ibuf [dreg:s7], $0x6FFFF;
	_ =	strace $0x90000049  }
0xb3: {  	s29 =	simm.s32 $0x9;
	_ =	strace $0x8000004B  }
0xb4: {  	_ =	swait.ge [sflag:s29], $0x1  }
0xb5: {  	[sflag:s29] =	ssyncadd.s32 $0xFFFFFFFF  }
0xb6: {  	_ =	strace $0x9000004B  }
0xb7: {  	_ =	sfence  }
0xb8: {  	s30 =	sld [smem:$0x0];
	_ =	sdelay $0x2  }
0xb9: {  	s31 =	sshll.u32 s1, $0xD;
	s1 =	sshrl.u32 s1, $0x2  }
0xba: {  	s3 =	sand.u32 $0x4000, s31;
	s1 =	sadd.s32 s1, s30  }
0xbb: {  	s0 =	sor.u32 s3, s0;
	s1 =	sshll.u32 s1, $0x11  }
0xbc: {  	s0 =	sor.u32 s1, s0  }
0xbd: {  	s0 =	sadd.s32 $0x8F2B, s0  }
0xbe: {  	[sflag:s0] =	ssyncadd.remote.s32 $0x1  }
0xbf: {  	_ =	sfence.sel $0xFFFF  }
0xc0: {  	[dreg:$0x0] =	wrdreg $0xFFFFFFFF;
	(pc) =	sbr.abs _section_cstart, $3  }
0xc1: {  	[dreg:$0x1] =	wrdreg $0xFFFFFFFF  }
0xc2: {  	_ =	task.clear_ibuf [dreg:s7], $0x2FFFF;
	_ =	strace $0x9FFFFFFF  }
0xc3: {  	(tm) =	ssettm $0x7FFFFFFF  }
tec
execute0_lowered:
.L_overlay_start_1:
0x0: {  	(tag) =	ssettag $0x1  }
0x1: {  	s0 =	rddreg [dreg:$0x0]  }
0x2: {  	s3 =	rddreg [dreg:$0x1];
	s4 =	srdreg.scid  }
0x3: {  	s1 =	rddreg [dreg:$0x2];
	s2 =	simm.s32 $0x0;
	s10 =	stileid.u32  }
0x4: {  	s28 =	simm.s32 $0x3200;
	s29 =	simm.s32 $0x5;
	s30 =	simm.s32 $0x1900  }
0x5: {  	s31 =	simm.s32 $0x64;
	s4 =	sand.u32 $0x1, s4;
	[smem:$0x7FF] =	sst s2  }
0x6: {  	s6 =	sadd.s32 $0xE800, s0;
	s8 =	smul.u32 $0x14000, s10;
	s9 =	sadd.s32 $0x1C00, s0  }
0x7: {  	s20 =	sshll.u32 s10, $0x1;
	s10 =	smul.u32 $0x50000, s10;
	s5 =	ssub.s32 $0x2, s4  }
0x8: {  	s7 =	sshrl.u32 s5, $0x1;
	s11 =	sor.u32 $0x2800, s8;
	s12 =	sadd.s32 $0x5000, s8  }
0x9: {  	s13 =	sadd.s32 $0x7800, s8;
	s15 =	sadd.s32 $0xA000, s8;
	s23 =	sadd.s32 $0xC800, s8  }
0xa: {  	s5 =	ssub.s32 s5, s7;
	s7 =	sor.u32 s4, s20;
	s4 =	smul.u32 $0x140000, s4  }
0xb: {  	s24 =	sadd.s32 $0xF000, s8;
	s25 =	sadd.s32 $0x11800, s8;
	s14 =	smul.u32 $0x3200, s7  }
0xc: {  	s7 =	smul.u32 $0x640, s7;
	s21 =	sadd.s32 s8, s4;
	s26 =	sadd.s32 s4, s11  }
0xd: {  	s8 =	sadd.s32 s4, s12;
	s17 =	sadd.s32 s4, s15;
	s19 =	sadd.s32 s4, s23  }
0xe: {  	s23 =	sadd.s32 s23, s1;
	s14 =	sshrl.u32 s14, $0x3;
	s16 =	sadd.s32 s6, s7  }
0xf: {  	s7 =	sadd.s32 s9, s7;
	s18 =	sshrl.u32 s17, $0x3;
	s20 =	sshrl.u32 s19, $0x3  }
0x10: {  	s19 =	sadd.s32 s11, s1;
	s11 =	simm.s32 $0x3180;
	[dreg:$0x4] =	wrdreg s16  }
0x11: {  	s14 =	sadd.s32 $0x320, s14;
	[dreg:$0x5] =	wrdreg s7;
	s7 =	sshrl.u32 s26, $0x3  }
0x12: {  	s26 =	sshrl.u32 s10, $0x2;
	s10 =	simm.s32 $0x1880;
	s6 =	sadd.s32 s6, s14  }
0x13: {  	s22 =	sadd.s32 s9, s14;
	s9 =	sshrl.u32 s8, $0x3;
	[dreg:$0x6] =	wrdreg s6  }
0x14: {  	s14 =	sadd.s32 s4, s13;
	s8 =	simm.s32 $0x4;
	[dreg:$0x7] =	wrdreg s22  }
0x15: {  	s6 =	sshrl.u32 s21, $0x3;
	s16 =	sshrl.u32 s14, $0x3;
	s21 =	sadd.s32 s4, s24  }
0x16: {  	s4 =	sadd.s32 s4, s25;
	s24 =	sadd.s32 s24, s1;
	s25 =	sadd.s32 s25, s1  }
0x17: {  	s6 =	sadd.s32 s3, s6;
	s22 =	sshrl.u32 s21, $0x3;
	s4 =	sshrl.u32 s4, $0x3  }
0x18: {  	s21 =	sadd.s32 s13, s1;
	[dreg:$0x8] =	wrdreg s6;
	s6 =	sadd.s32 s3, s7  }
0x19: {  	s13 =	simm.s32 $0x0;
	[dreg:$0x9] =	wrdreg s6;
	s6 =	sadd.s32 s3, s9  }
0x1a: {  	s7 =	simm.s32 $0x100;
	s9 =	simm.s32 $0x3100;
	[dreg:$0xa] =	wrdreg s6  }
0x1b: {  	s6 =	sadd.s32 s3, s16;
	s16 =	sadd.s32 $0x1B000, s0;
	s0 =	sadd.s32 $0x42200, s0  }
0x1c: {  	[dreg:$0xb] =	wrdreg s6;
	s6 =	sadd.s32 s3, s18;
	s18 =	sadd.s32 s26, s1  }
0x1d: {  	s26 =	smax.u32 s5, $0x1;
	s5 =	simm.s32 $0x1980;
	[dreg:$0xc] =	wrdreg s6  }
0x1e: {  	s6 =	sadd.s32 s3, s20;
	s20 =	sadd.s32 s12, s1;
	s12 =	simm.s32 $0x1  }
0x1f: {  	[dreg:$0xd] =	wrdreg s6;
	s6 =	sadd.s32 s3, s22;
	s3 =	sadd.s32 s3, s4  }
0x20: {  	s22 =	sadd.s32 s15, s1;
	s4 =	simm.s32 $0x2;
	[dreg:$0xe] =	wrdreg s6  }
0x21: {  	[dreg:$0xf] =	wrdreg s3;
	s3 =	simm.s32 $0x6600;
	s6 =	simm.s32 $0x3  }
0x22: {  	_ =	strace $0x8000004A;
	[dreg:$0x10] =	wrdreg s0;
	s0 =	simm.s32 $0x80  }
.LBB2_1:
0x23: {  	s14 =	rddreg [dreg:$0x10]  }
0x24: {  	[tilespmem:s28], [sflag:$0x5] =	stream.linear.gather [hbm4b:s14+s2], $0x3200, $0x38;
	[tilespmem:$0x1DA00] =	vst v63  }
0x25: {  	_ =	swait.ge [sflag:s29], $0x3200  }
0x26: {  	[sflag:s29] =	ssyncset.done $0x0  }
0x27: {  	[sflag:s29] =	ssyncadd.s32 $0xFFFFCE00  }
0x28: {  	[spmem:s18] =	stream.linear.scatter [tilespmem:s28], [sflag:$0x5], $0x2800, $0x38;
	[tilespmem:$0x1DA00] =	vst v63  }
0x29: {  	_ =	swait.ge [sflag:s29], $0x2800  }
0x2a: {  	[sflag:s29] =	ssyncset.done $0x0  }
0x2b: {  	[sflag:s29] =	ssyncadd.s32 $0xFFFFD800  }
0x2c: {  	[spmem:s19] =	stream.linear.scatter [tilespmem:s28], [sflag:$0x5], $0x2800, $0x38;
	[tilespmem:$0x1DA00] =	vst v63  }
0x2d: {  	_ =	swait.ge [sflag:s29], $0x2800  }
0x2e: {  	[sflag:s29] =	ssyncset.done $0x0  }
0x2f: {  	[sflag:s29] =	ssyncadd.s32 $0xFFFFD800  }
0x30: {  	[spmem:s20] =	stream.linear.scatter [tilespmem:s28], [sflag:$0x5], $0x2800, $0x38;
	[tilespmem:$0x1DA00] =	vst v63  }
0x31: {  	_ =	swait.ge [sflag:s29], $0x2800  }
0x32: {  	[sflag:s29] =	ssyncset.done $0x0  }
0x33: {  	[sflag:s29] =	ssyncadd.s32 $0xFFFFD800  }
0x34: {  	[spmem:s21] =	stream.linear.scatter [tilespmem:s28], [sflag:$0x5], $0x2800, $0x38;
	[tilespmem:$0x1DA00] =	vst v63  }
0x35: {  	_ =	swait.ge [sflag:s29], $0x2800  }
0x36: {  	[sflag:s29] =	ssyncset.done $0x0  }
0x37: {  	[sflag:s29] =	ssyncadd.s32 $0xFFFFD800  }
0x38: {  	[spmem:s22] =	stream.linear.scatter [tilespmem:s28], [sflag:$0x5], $0x2800, $0x38;
	[tilespmem:$0x1DA00] =	vst v63  }
0x39: {  	_ =	swait.ge [sflag:s29], $0x2800  }
0x3a: {  	[sflag:s29] =	ssyncset.done $0x0  }
0x3b: {  	[sflag:s29] =	ssyncadd.s32 $0xFFFFD800  }
0x3c: {  	[spmem:s23] =	stream.linear.scatter [tilespmem:s28], [sflag:$0x5], $0x2800, $0x38;
	[tilespmem:$0x1DA00] =	vst v63  }
0x3d: {  	_ =	swait.ge [sflag:s29], $0x2800  }
0x3e: {  	[sflag:s29] =	ssyncset.done $0x0  }
0x3f: {  	[sflag:s29] =	ssyncadd.s32 $0xFFFFD800  }
0x40: {  	[spmem:s24] =	stream.linear.scatter [tilespmem:s28], [sflag:$0x5], $0x2800, $0x38;
	[tilespmem:$0x1DA00] =	vst v63  }
0x41: {  	_ =	swait.ge [sflag:s29], $0x2800  }
0x42: {  	[sflag:s29] =	ssyncset.done $0x0  }
0x43: {  	[sflag:s29] =	ssyncadd.s32 $0xFFFFD800  }
0x44: {  	[spmem:s25] =	stream.linear.scatter [tilespmem:s28], [sflag:$0x5], $0x2800, $0x38;
	[tilespmem:$0x1DA00] =	vst v63  }
0x45: {  	_ =	swait.ge [sflag:s29], $0x2800  }
0x46: {  	[sflag:s29] =	ssyncset.done $0x0  }
0x47: {  	[sflag:s29] =	ssyncadd.s32 $0xFFFFD800  }
0x48: {  	[bflag:$0x0] =	sbarrier.arrive $0xFFFF  }
0x49: {  	s17 =	rddreg [dreg:$0x4]  }
0x4a: {  	[tilespmem:s2], [sflag:$0x5] =	stream.linear.gather [hbm4b:s17+s2], $0x1900, $0x38;
	[tilespmem:$0x1DA00] =	vst v63  }
0x4b: {  	_ =	swait.ge [sflag:s29], $0x1900  }
0x4c: {  	[sflag:s29] =	ssyncset.done $0x0  }
0x4d: {  	s15 =	rddreg [dreg:$0x5];
	[sflag:s29] =	ssyncadd.s32 $0xFFFFE700  }
0x4e: {  	[tilespmem:s30], [sflag:$0x5] =	stream.linear.gather [hbm4b:s15+s2], $0x1900, $0x38;
	[tilespmem:$0x1DA00] =	vst v63  }
0x4f: {  	_ =	swait.ge [sflag:s29], $0x1900  }
0x50: {  	[sflag:s29] =	ssyncset.done $0x0  }
0x51: {  	[sflag:s29] =	ssyncadd.s32 $0xFFFFE700  }
0x52: {  	[tilespmem:s28], [sflag:$0x1] =	stream.indirect.gather [hbm4b:s16+s31], $0x80, s2, s31, $0xb8;
	[tilespmem:$0x1DA00] =	vst v63  }
0x53: {  	_ =	swait.ge [sflag:s12], $0x3200  }
0x54: {  	[sflag:s12] =	ssyncset.done $0x0  }
0x55: {  	[sflag:s12] =	ssyncadd.s32 $0xFFFFCE00  }
0x56: {  	[spmem:s1] =	stream.indirect.scatter.add.f32 [tilespmem:s28], [sflag:$0x3], $0x80, s30, s31, $0xb8;
	[tilespmem:$0x1DA00] =	vst v63  }
0x57: {  	_ = 	snop  }
0x58: {  	[tilespmem:s3], [sflag:$0x2] =	stream.indirect.gather [hbm4b:s16+s31], $0x80, s0, s31, $0xb8;
	[tilespmem:$0x1DA00] =	vst v63  }
0x59: {  	_ =	swait.ge [sflag:s4], $0x3200  }
0x5a: {  	[sflag:s4] =	ssyncset.done $0x0  }
0x5b: {  	[sflag:s4] =	ssyncadd.s32 $0xFFFFCE00  }
0x5c: {  	[spmem:s1] =	stream.indirect.scatter.add.f32 [tilespmem:s3], [sflag:$0x4], $0x80, s5, s31, $0xb8;
	[tilespmem:$0x1DA00] =	vst v63  }
0x5d: {  	_ =	swait.ge [sflag:s6], $0x3200  }
0x5e: {  	[sflag:s6] =	ssyncset.done $0x0  }
0x5f: {  	[sflag:s6] =	ssyncadd.s32 $0xFFFFCE00  }
0x60: {  	[tilespmem:s28], [sflag:$0x1] =	stream.indirect.gather [hbm4b:s16+s31], $0x80, s7, s31, $0xb8;
	[tilespmem:$0x1DA00] =	vst v63  }
0x61: {  	_ =	swait.ge [sflag:s12], $0x3200  }
0x62: {  	[sflag:s12] =	ssyncset.done $0x0  }
0x63: {  	s17 =	simm.s32 $0x1A00;
	[sflag:s12] =	ssyncadd.s32 $0xFFFFCE00  }
0x64: {  	[spmem:s1] =	stream.indirect.scatter.add.f32 [tilespmem:s28], [sflag:$0x3], $0x80, s17, s31, $0xb8;
	[tilespmem:$0x1DA00] =	vst v63  }
0x65: {  	_ =	swait.ge [sflag:s8], $0x3200  }
0x66: {  	[sflag:s8] =	ssyncset.done $0x0  }
0x67: {  	s15 =	simm.s32 $0x180;
	[sflag:s8] =	ssyncadd.s32 $0xFFFFCE00  }
0x68: {  	[tilespmem:s3], [sflag:$0x2] =	stream.indirect.gather [hbm4b:s16+s31], $0x80, s15, s31, $0xb8;
	[tilespmem:$0x1DA00] =	vst v63  }
0x69: {  	_ =	swait.ge [sflag:s4], $0x3200  }
0x6a: {  	[sflag:s4] =	ssyncset.done $0x0  }
0x6b: {  	s17 =	simm.s32 $0x1A80;
	[sflag:s4] =	ssyncadd.s32 $0xFFFFCE00  }
0x6c: {  	[spmem:s1] =	stream.indirect.scatter.add.f32 [tilespmem:s3], [sflag:$0x4], $0x80, s17, s31, $0xb8;
	[tilespmem:$0x1DA00] =	vst v63  }
0x6d: {  	_ =	swait.ge [sflag:s6], $0x3200  }
0x6e: {  	[sflag:s6] =	ssyncset.done $0x0  }
0x6f: {  	s14 =	simm.s32 $0xFFFFA800;
	s15 =	simm.s32 $0x200;
	[sflag:s6] =	ssyncadd.s32 $0xFFFFCE00  }
.LBB2_2:
0x70: {  	[tilespmem:s28], [sflag:$0x1] =	stream.indirect.gather [hbm4b:s16+s31], $0x80, s15, s31, $0xb8;
	[tilespmem:$0x1DA00] =	vst v63  }
0x71: {  	s15 =	smov.u32 s14  }
0x72: {  	p0 =	sne.s32 s14, $0xFFFFFC00;
	s14 =	sadd.s32 $0x400, s14;
	_ =	swait.ge [sflag:s12], $0x3200  }
0x73: {  	s15 =	sshra.s32 s15, $0x2;
	[sflag:s12] =	ssyncset.done $0x0  }
0x74: {  	s17 =	sadd.s32 $0x3100, s15;
	[sflag:s12] =	ssyncadd.s32 $0xFFFFCE00  }
0x75: {  	[spmem:s1] =	stream.indirect.scatter.add.f32 [tilespmem:s28], [sflag:$0x3], $0x80, s17, s31, $0xb8;
	[tilespmem:$0x1DA00] =	vst v63  }
0x76: {  	_ =	swait.ge [sflag:s8], $0x3200  }
0x77: {  	[sflag:s8] =	ssyncset.done $0x0  }
0x78: {  	s17 =	sadd.s32 $0x1880, s15;
	[sflag:s8] =	ssyncadd.s32 $0xFFFFCE00  }
0x79: {  	[tilespmem:s3], [sflag:$0x2] =	stream.indirect.gather [hbm4b:s16+s31], $0x80, s17, s31, $0xb8;
	[tilespmem:$0x1DA00] =	vst v63  }
0x7a: {  	_ =	swait.ge [sflag:s4], $0x3200  }
0x7b: {  	[sflag:s4] =	ssyncset.done $0x0  }
.Ltmp0:
0x7c: {  	s17 =	sadd.s32 $0x3180, s15;
	[sflag:s4] =	ssyncadd.s32 $0xFFFFCE00;
	(pc) =	sbr.rel @p0 .LBB2_2-.Ltmp0, $4  }
0x7d: {  	[spmem:s1] =	stream.indirect.scatter.add.f32 [tilespmem:s3], [sflag:$0x4], $0x80, s17, s31, $0xb8;
	[tilespmem:$0x1DA00] =	vst v63  }
0x7e: {  	_ =	swait.ge [sflag:s6], $0x3200  }
0x7f: {  	[sflag:s6] =	ssyncset.done $0x0  }
0x80: {  	s15 =	sadd.s32 $0x1900, s15;
	[sflag:s6] =	ssyncadd.s32 $0xFFFFCE00  }
0x81: {  	[tilespmem:s28], [sflag:$0x1] =	stream.indirect.gather [hbm4b:s16+s31], $0x80, s15, s31, $0xb8;
	[tilespmem:$0x1DA00] =	vst v63  }
0x82: {  	_ =	swait.ge [sflag:s12], $0x3200  }
0x83: {  	[sflag:s12] =	ssyncset.done $0x0  }
0x84: {  	[sflag:s12] =	ssyncadd.s32 $0xFFFFCE00  }
0x85: {  	[spmem:s1] =	stream.indirect.scatter.add.f32 [tilespmem:s28], [sflag:$0x3], $0x80, s9, s31, $0xb8;
	[tilespmem:$0x1DA00] =	vst v63  }
0x86: {  	_ =	swait.ge [sflag:s8], $0x3200  }
0x87: {  	[sflag:s8] =	ssyncset.done $0x0  }
0x88: {  	[sflag:s8] =	ssyncadd.s32 $0xFFFFCE00  }
0x89: {  	[tilespmem:s3], [sflag:$0x2] =	stream.indirect.gather [hbm4b:s16+s31], $0x80, s10, s31, $0xb8;
	[tilespmem:$0x1DA00] =	vst v63  }
0x8a: {  	_ =	swait.ge [sflag:s4], $0x3200  }
0x8b: {  	[sflag:s4] =	ssyncset.done $0x0  }
0x8c: {  	[sflag:s4] =	ssyncadd.s32 $0xFFFFCE00  }
0x8d: {  	[spmem:s1] =	stream.indirect.scatter.add.f32 [tilespmem:s3], [sflag:$0x4], $0x80, s11, s31, $0xb8;
	[tilespmem:$0x1DA00] =	vst v63  }
0x8e: {  	_ =	swait.ge [sflag:s6], $0x3200  }
0x8f: {  	[sflag:s6] =	ssyncset.done $0x0  }
0x90: {  	[sflag:s6] =	ssyncadd.s32 $0xFFFFCE00  }
0x91: {  	_ =	swait.ge [sflag:s8], $0x3200  }
0x92: {  	[sflag:s8] =	ssyncset.done $0x0  }
0x93: {  	s14 =	rddreg [dreg:$0x6];
	[sflag:s8] =	ssyncadd.s32 $0xFFFFCE00  }
0x94: {  	[tilespmem:s2], [sflag:$0x5] =	stream.linear.gather [hbm4b:s14+s2], $0x1900, $0x38;
	[tilespmem:$0x1DA00] =	vst v63  }
0x95: {  	_ =	swait.ge [sflag:s29], $0x1900  }
0x96: {  	[sflag:s29] =	ssyncset.done $0x0  }
0x97: {  	s15 =	rddreg [dreg:$0x7];
	[sflag:s29] =	ssyncadd.s32 $0xFFFFE700  }
0x98: {  	[tilespmem:s30], [sflag:$0x5] =	stream.linear.gather [hbm4b:s15+s2], $0x1900, $0x38;
	[tilespmem:$0x1DA00] =	vst v63  }
0x99: {  	_ =	swait.ge [sflag:s29], $0x1900  }
0x9a: {  	[sflag:s29] =	ssyncset.done $0x0  }
0x9b: {  	[sflag:s29] =	ssyncadd.s32 $0xFFFFE700  }
0x9c: {  	[tilespmem:s28], [sflag:$0x1] =	stream.indirect.gather [hbm4b:s16+s31], $0x80, s2, s31, $0xb8;
	[tilespmem:$0x1DA00] =	vst v63  }
0x9d: {  	_ =	swait.ge [sflag:s12], $0x3200  }
0x9e: {  	[sflag:s12] =	ssyncset.done $0x0  }
0x9f: {  	[sflag:s12] =	ssyncadd.s32 $0xFFFFCE00  }
0xa0: {  	[spmem:s1] =	stream.indirect.scatter.add.f32 [tilespmem:s28], [sflag:$0x3], $0x80, s30, s31, $0xb8;
	[tilespmem:$0x1DA00] =	vst v63  }
0xa1: {  	_ = 	snop  }
0xa2: {  	[tilespmem:s3], [sflag:$0x2] =	stream.indirect.gather [hbm4b:s16+s31], $0x80, s0, s31, $0xb8;
	[tilespmem:$0x1DA00] =	vst v63  }
0xa3: {  	_ =	swait.ge [sflag:s4], $0x3200  }
0xa4: {  	[sflag:s4] =	ssyncset.done $0x0  }
0xa5: {  	[sflag:s4] =	ssyncadd.s32 $0xFFFFCE00  }
0xa6: {  	[spmem:s1] =	stream.indirect.scatter.add.f32 [tilespmem:s3], [sflag:$0x4], $0x80, s5, s31, $0xb8;
	[tilespmem:$0x1DA00] =	vst v63  }
0xa7: {  	_ =	swait.ge [sflag:s6], $0x3200  }
0xa8: {  	[sflag:s6] =	ssyncset.done $0x0  }
0xa9: {  	[sflag:s6] =	ssyncadd.s32 $0xFFFFCE00  }
0xaa: {  	[tilespmem:s28], [sflag:$0x1] =	stream.indirect.gather [hbm4b:s16+s31], $0x80, s7, s31, $0xb8;
	[tilespmem:$0x1DA00] =	vst v63  }
0xab: {  	_ =	swait.ge [sflag:s12], $0x3200  }
0xac: {  	[sflag:s12] =	ssyncset.done $0x0  }
0xad: {  	s17 =	simm.s32 $0x1A00;
	[sflag:s12] =	ssyncadd.s32 $0xFFFFCE00  }
0xae: {  	[spmem:s1] =	stream.indirect.scatter.add.f32 [tilespmem:s28], [sflag:$0x3], $0x80, s17, s31, $0xb8;
	[tilespmem:$0x1DA00] =	vst v63  }
0xaf: {  	_ =	swait.ge [sflag:s8], $0x3200  }
0xb0: {  	[sflag:s8] =	ssyncset.done $0x0  }
0xb1: {  	s15 =	simm.s32 $0x180;
	[sflag:s8] =	ssyncadd.s32 $0xFFFFCE00  }
0xb2: {  	[tilespmem:s3], [sflag:$0x2] =	stream.indirect.gather [hbm4b:s16+s31], $0x80, s15, s31, $0xb8;
	[tilespmem:$0x1DA00] =	vst v63  }
0xb3: {  	_ =	swait.ge [sflag:s4], $0x3200  }
0xb4: {  	[sflag:s4] =	ssyncset.done $0x0  }
0xb5: {  	s17 =	simm.s32 $0x1A80;
	[sflag:s4] =	ssyncadd.s32 $0xFFFFCE00  }
0xb6: {  	[spmem:s1] =	stream.indirect.scatter.add.f32 [tilespmem:s3], [sflag:$0x4], $0x80, s17, s31, $0xb8;
	[tilespmem:$0x1DA00] =	vst v63  }
0xb7: {  	_ =	swait.ge [sflag:s6], $0x3200  }
0xb8: {  	[sflag:s6] =	ssyncset.done $0x0  }
0xb9: {  	s14 =	simm.s32 $0xFFFFA800;
	s15 =	simm.s32 $0x200;
	[sflag:s6] =	ssyncadd.s32 $0xFFFFCE00  }
.LBB2_4:
0xba: {  	[tilespmem:s28], [sflag:$0x1] =	stream.indirect.gather [hbm4b:s16+s31], $0x80, s15, s31, $0xb8;
	[tilespmem:$0x1DA00] =	vst v63  }
0xbb: {  	s15 =	smov.u32 s14  }
0xbc: {  	p0 =	sne.s32 s14, $0xFFFFFC00;
	s14 =	sadd.s32 $0x400, s14;
	_ =	swait.ge [sflag:s12], $0x3200  }
0xbd: {  	s15 =	sshra.s32 s15, $0x2;
	[sflag:s12] =	ssyncset.done $0x0  }
0xbe: {  	s17 =	sadd.s32 $0x3100, s15;
	[sflag:s12] =	ssyncadd.s32 $0xFFFFCE00  }
0xbf: {  	[spmem:s1] =	stream.indirect.scatter.add.f32 [tilespmem:s28], [sflag:$0x3], $0x80, s17, s31, $0xb8;
	[tilespmem:$0x1DA00] =	vst v63  }
0xc0: {  	_ =	swait.ge [sflag:s8], $0x3200  }
0xc1: {  	[sflag:s8] =	ssyncset.done $0x0  }
0xc2: {  	s17 =	sadd.s32 $0x1880, s15;
	[sflag:s8] =	ssyncadd.s32 $0xFFFFCE00  }
0xc3: {  	[tilespmem:s3], [sflag:$0x2] =	stream.indirect.gather [hbm4b:s16+s31], $0x80, s17, s31, $0xb8;
	[tilespmem:$0x1DA00] =	vst v63  }
0xc4: {  	_ =	swait.ge [sflag:s4], $0x3200  }
0xc5: {  	[sflag:s4] =	ssyncset.done $0x0  }
.Ltmp1:
0xc6: {  	s17 =	sadd.s32 $0x3180, s15;
	[sflag:s4] =	ssyncadd.s32 $0xFFFFCE00;
	(pc) =	sbr.rel @p0 .LBB2_4-.Ltmp1, $4  }
0xc7: {  	[spmem:s1] =	stream.indirect.scatter.add.f32 [tilespmem:s3], [sflag:$0x4], $0x80, s17, s31, $0xb8;
	[tilespmem:$0x1DA00] =	vst v63  }
0xc8: {  	_ =	swait.ge [sflag:s6], $0x3200  }
0xc9: {  	[sflag:s6] =	ssyncset.done $0x0  }
0xca: {  	s15 =	sadd.s32 $0x1900, s15;
	[sflag:s6] =	ssyncadd.s32 $0xFFFFCE00  }
0xcb: {  	[tilespmem:s28], [sflag:$0x1] =	stream.indirect.gather [hbm4b:s16+s31], $0x80, s15, s31, $0xb8;
	[tilespmem:$0x1DA00] =	vst v63  }
0xcc: {  	_ =	swait.ge [sflag:s12], $0x3200  }
0xcd: {  	[sflag:s12] =	ssyncset.done $0x0  }
0xce: {  	[sflag:s12] =	ssyncadd.s32 $0xFFFFCE00  }
0xcf: {  	[spmem:s1] =	stream.indirect.scatter.add.f32 [tilespmem:s28], [sflag:$0x3], $0x80, s9, s31, $0xb8;
	[tilespmem:$0x1DA00] =	vst v63  }
0xd0: {  	_ =	swait.ge [sflag:s8], $0x3200  }
0xd1: {  	[sflag:s8] =	ssyncset.done $0x0  }
0xd2: {  	[sflag:s8] =	ssyncadd.s32 $0xFFFFCE00  }
0xd3: {  	[tilespmem:s3], [sflag:$0x2] =	stream.indirect.gather [hbm4b:s16+s31], $0x80, s10, s31, $0xb8;
	[tilespmem:$0x1DA00] =	vst v63  }
0xd4: {  	_ =	swait.ge [sflag:s4], $0x3200  }
0xd5: {  	[sflag:s4] =	ssyncset.done $0x0  }
0xd6: {  	[sflag:s4] =	ssyncadd.s32 $0xFFFFCE00  }
0xd7: {  	[spmem:s1] =	stream.indirect.scatter.add.f32 [tilespmem:s3], [sflag:$0x4], $0x80, s11, s31, $0xb8;
	[tilespmem:$0x1DA00] =	vst v63  }
0xd8: {  	_ =	swait.ge [sflag:s6], $0x3200  }
0xd9: {  	[sflag:s6] =	ssyncset.done $0x0  }
0xda: {  	[sflag:s6] =	ssyncadd.s32 $0xFFFFCE00  }
0xdb: {  	_ =	swait.ge [sflag:s8], $0x3200  }
0xdc: {  	[sflag:s8] =	ssyncset.done $0x0  }
0xdd: {  	s14 =	stileid.u32;
	[sflag:s8] =	ssyncadd.s32 $0xFFFFCE00  }
0xde: {  	s14 =	sshll.u32 s14, $0x6;
	[bflag:$0x0] =	sbarrier.arrive $0xFFFF  }
0xdf: {  	s15 =	sshrl.u32 s18, $0x3;
	s14 =	sor.u32 $0x1C05, s14;
	s17 =	rddreg [dreg:$0x8]  }
0xe0: {  	[hbm:s17], [sflag:s14] =	dma.local [spmem:s15], $0x500  }
0xe1: {  	_ =	swait.ge [sflag:s29], $0x500  }
0xe2: {  	[sflag:s29] =	ssyncset.done $0x0  }
0xe3: {  	s15 =	sshrl.u32 s19, $0x3;
	s17 =	rddreg [dreg:$0x9];
	[sflag:s29] =	ssyncadd.s32 $0xFFFFFB00  }
0xe4: {  	[hbm:s17], [sflag:s14] =	dma.local [spmem:s15], $0x500  }
0xe5: {  	_ =	swait.ge [sflag:s29], $0x500  }
0xe6: {  	[sflag:s29] =	ssyncset.done $0x0  }
0xe7: {  	s15 =	sshrl.u32 s20, $0x3;
	s17 =	rddreg [dreg:$0xa];
	[sflag:s29] =	ssyncadd.s32 $0xFFFFFB00  }
0xe8: {  	[hbm:s17], [sflag:s14] =	dma.local [spmem:s15], $0x500  }
0xe9: {  	_ =	swait.ge [sflag:s29], $0x500  }
0xea: {  	[sflag:s29] =	ssyncset.done $0x0  }
0xeb: {  	s15 =	sshrl.u32 s21, $0x3;
	s17 =	rddreg [dreg:$0xb];
	[sflag:s29] =	ssyncadd.s32 $0xFFFFFB00  }
0xec: {  	[hbm:s17], [sflag:s14] =	dma.local [spmem:s15], $0x500  }
0xed: {  	_ =	swait.ge [sflag:s29], $0x500  }
0xee: {  	[sflag:s29] =	ssyncset.done $0x0  }
0xef: {  	s15 =	sshrl.u32 s22, $0x3;
	s17 =	rddreg [dreg:$0xc];
	[sflag:s29] =	ssyncadd.s32 $0xFFFFFB00  }
0xf0: {  	[hbm:s17], [sflag:s14] =	dma.local [spmem:s15], $0x500  }
0xf1: {  	_ =	swait.ge [sflag:s29], $0x500  }
0xf2: {  	[sflag:s29] =	ssyncset.done $0x0  }
0xf3: {  	s15 =	sshrl.u32 s23, $0x3;
	s17 =	rddreg [dreg:$0xd];
	[sflag:s29] =	ssyncadd.s32 $0xFFFFFB00  }
0xf4: {  	[hbm:s17], [sflag:s14] =	dma.local [spmem:s15], $0x500  }
0xf5: {  	_ =	swait.ge [sflag:s29], $0x500  }
0xf6: {  	[sflag:s29] =	ssyncset.done $0x0  }
0xf7: {  	s15 =	sshrl.u32 s24, $0x3;
	s17 =	rddreg [dreg:$0xe];
	[sflag:s29] =	ssyncadd.s32 $0xFFFFFB00  }
0xf8: {  	[hbm:s17], [sflag:s14] =	dma.local [spmem:s15], $0x500  }
0xf9: {  	s13 =	sadd.s32 $0x1, s13;
	_ =	swait.ge [sflag:s29], $0x500  }
0xfa: {  	p0 =	sne.s32 s13, s26;
	s15 =	sshrl.u32 s25, $0x3;
	[sflag:s29] =	ssyncset.done $0x0  }
.Ltmp2:
0xfb: {  	s17 =	rddreg [dreg:$0xf];
	[sflag:s29] =	ssyncadd.s32 $0xFFFFFB00;
	(pc) =	sbr.rel @p0 .LBB2_1-.Ltmp2, $4  }
0xfc: {  	[hbm:s17], [sflag:s14] =	dma.local [spmem:s15], $0x500  }
0xfd: {  	_ =	swait.ge [sflag:s29], $0x500  }
0xfe: {  	[sflag:s29] =	ssyncset.done $0x0  }
0xff: {  	[sflag:s29] =	ssyncadd.s32 $0xFFFFFB00  }
0x100: {  	_ =	sfence.sel $0x180000  }
0x101: {  	[bflag:$0x0] =	sbarrier.arrive $0xFFFF  }
0x102: {  	_ =	strace $0x9000004A  }
0x103: {  	s0 =	stileid.u32;
	[bflag:$0x2] =	sbarrier.arrive $0xFFFF  }
0x104: {  	p0 =	sne.s32 s0, $0x0;
	s0 =	rddreg [dreg:$0x3]  }
0x105: {  	s0 =	sadd.s32 @!p0 $0x100000, s0  }
0x106: {  	[sflag:s0] =	ssyncadd.tile.s32 @!p0 $0x1;
	_ =	shalt  }
.Lfunc_end2:
_tile_overlayer_lowered:
.L_overlay_start_2:
0x107: {  	(tag) =	ssettag $0x2  }
0x108: {  	s0 =	rddreg [dreg:$0x0];
	s2 =	stileid.u32  }
0x109: {  	s1 =	rddreg [dreg:$0x1];
	p0 =	sne.s32 s2, $0x0  }
0x10a: {  	s3 =	rddreg [dreg:$0x2];
	[bflag:$0x3] =	sbarrier.arrive $0xFFFF;
	s2 =	simm.s32 @!p0 $0x1C05  }
0x10b: {  	[timem:s3], [sflag:s2] =	dma.local @!p0 [hbm:s0], s1  }
0x10c: {  	s0 =	simm.s32 @!p0 $0x5  }
0x10d: {  	_ =	swait.ge @!p0 [sflag:s0], s1  }
0x10e: {  	s1 =	ssub.s32 @!p0 $0x0, s1;
	[sflag:s0] =	ssyncset.done @!p0 $0x0  }
0x10f: {  	[sflag:s0] =	ssyncadd.s32 @!p0 s1  }
0x110: {  	[bflag:$0x3] =	sbarrier.arrive $0xFFFF  }
0x111: {  	_ =	shalt  }

// kernel: kernel.14.cloned.1.call-start
scs
__scs_entry_jumppad:
0x0: {  	(pc) =	sbr.rel $0x88, $3  }
0x1: {  	(tag) =	ssettag $0x0;
	lr =	simm.s32 $0x1  }
0x2: {  	[smem:$0x3F9B] =	sst lr;
	_ =	strace $0xD0000000  }
0x3: {  	_ = 	snop  }
0x4: {  	_ = 	snop  }
0x5: {  	_ = 	snop  }
0x6: {  	_ = 	snop  }
0x7: {  	_ = 	snop  }
__scs_overlays_trampoline_lowered:
0x8: {  	[smem:$0x3FAA] =	sst s0  }
0x9: {  	[smem:$0x3FAB] =	sst s1  }
0xa: {  	[smem:$0x3FAC] =	sst s2  }
0xb: {  	[smem:$0x3FAD] =	sst s3  }
0xc: {  	[smem:$0x3FAE] =	sst s4  }
0xd: {  	[smem:$0x3FAF] =	sst s5  }
0xe: {  	[smem:$0x3FB0] =	sst s6  }
0xf: {  	[smem:$0x3FB1] =	sst s7  }
0x10: {  	[smem:$0x3FB2] =	sst s8  }
0x11: {  	[smem:$0x3FB3] =	sst s9;
	s0 =	simm.s32 @!p0 $0x0  }
0x12: {  	s1 =	sld [smem:$0x3F99];
	s0 =	simm.s32 @p0 $0x1  }
0x13: {  	[smem:$0x3FB4] =	sst s0;
	s0 =	simm.s32 @!p1 $0x0  }
0x14: {  	s2 =	sld [smem:$0x3F98];
	s0 =	simm.s32 @p1 $0x1  }
0x15: {  	[smem:$0x3FB5] =	sst s0;
	s0 =	simm.s32 @!p2 $0x0  }
0x16: {  	s3 =	sld [smem:$0x3FDB];
	s0 =	simm.s32 @p2 $0x1  }
0x17: {  	s4 =	simm.s32 $0x1BF5;
	[smem:$0x3FB7] =	sst s0  }
0x18: {  	s0 =	sld [smem:$0x3F9A];
	_ =	swait.ge [sflag:s4], $0x0  }
0x19: {  	s7 =	sld [smem:$0x3F9B]  }
0x1a: {  	s8 =	sadd.s32 $0xFFFFE003, lr  }
0x1b: {  	s9 =	sadd.s32 $0xFFFFFEF7, lr;
	s5 =	simm.s32 $0xFFFFFFFF;
	p2 =	slt.u32 s8, $0xFFFFF086  }
0x1c: {  	p1 =	slt.u32 s9, $0xF7A;
	s5 =	simm.s32 @!p2 $0x0  }
0x1d: {  	s5 =	simm.s32 @p1 $0x1;
	p0 =	seq.s32 s7, s2  }
0x1e: {  	s7 =	smul.u32 @!p0 $0xF7A, s2;
	p2 =	seq.s32 @!p0 s5, $0x0  }
0x1f: {  	s9 =	smul.u32 $0xF7A, s1;
	s8 =	simm.s32 @!p0 $0x1BF5;
	p2 =	por !p2, p0  }
0x20: {  	[sflag:s8] =	ssyncset.s32 @!p0 $0xFFFFF086;
	s6 =	sadd.s32 @!p0 s3, s7;
	s7 =	simm.s32 @!p0 $0x108  }
0x21: {  	s3 =	sadd.s32 s3, s9;
	s6 =	sadd.s32 @!p0 $0x88, s6;
	s7 =	simm.s32 @p2 $0x1082  }
0x22: {  	[simem:s7], [sflag:s8] =	dma.local @!p0 [hbm:s6], $0xF7A  }
0x23: {  	s9 =	sor.u32 $0xD0000000, s2;
	s6 =	simm.s32 $0x108;
	_ =	swait.ge @!p0 [sflag:s8], $0x0  }
0x24: {  	s3 =	sadd.s32 $0x88, s3;
	s6 =	simm.s32 @!p1 $0x1082;
	[sflag:s4] =	ssyncset.s32 $0xFFFFF086  }
0x25: {  	[simem:s6], [sflag:s4] =	dma.local [hbm:s3], $0xF7A  }
0x26: {  	[smem:$0x3F9B] =	sst s1;
	(tag) =	ssettag s2;
	_ =	strace s9  }
0x27: {  	s1 =	sld [smem:$0x3FAB]  }
0x28: {  	s2 =	sld [smem:$0x3FAC]  }
0x29: {  	s4 =	sld [smem:$0x3FAE]  }
0x2a: {  	p0 =	seq.s32 s5, $0x0;
	s5 =	sld [smem:$0x3FAF]  }
0x2b: {  	s6 =	sld [smem:$0x3FB0]  }
0x2c: {  	s7 =	sld [smem:$0x3FB1]  }
0x2d: {  	s3 =	simm.s32 $0x108;
	s8 =	sld [smem:$0x3FB2]  }
0x2e: {  	s3 =	simm.s32 @!p0 $0x1082;
	s9 =	sld [smem:$0x3FB3]  }
0x2f: {  	lr =	sadd.s32 s0, s3;
	s0 =	sld [smem:$0x3FAA]  }
0x30: {  	s3 =	sld [smem:$0x3FAD]  }
0x31: {  	[smem:$0x3FB6] =	sst s10  }
0x32: {  	s10 =	sld [smem:$0x3FB4];
	_ =	sdelay $0x3  }
0x33: {  	p0 =	seq.s32 s10, $0x1;
	s10 =	sld [smem:$0x3FB6];
	_ =	sdelay $0x3  }
0x34: {  	[smem:$0x3FB6] =	sst s10  }
0x35: {  	s10 =	sld [smem:$0x3FB5];
	_ =	sdelay $0x3  }
0x36: {  	p1 =	seq.s32 s10, $0x1;
	s10 =	sld [smem:$0x3FB6];
	_ =	sdelay $0x3  }
0x37: {  	[smem:$0x3FB6] =	sst s10  }
0x38: {  	s10 =	sld [smem:$0x3FB7]  }
0x39: {  	_ = 	snop;
	(pc) =	sbr.ind lr, $3  }
0x3a: {  	_ = 	snop  }
0x3b: {  	_ = 	snop  }
0x3c: {  	p2 =	seq.s32 s10, $0x1;
	s10 =	sld [smem:$0x3FB6]  }
0x3d: {  	_ =	shalt  }
0x3e: {  	_ =	shalt  }
0x3f: {  	_ =	shalt  }
0x40: {  	_ =	shalt  }
0x41: {  	_ =	shalt  }
0x42: {  	_ =	shalt  }
0x43: {  	_ =	shalt  }
0x44: {  	_ =	shalt  }
0x45: {  	_ =	shalt  }
0x46: {  	_ =	shalt  }
0x47: {  	_ =	shalt  }
0x48: {  	_ =	shalt  }
0x49: {  	_ =	shalt  }
0x4a: {  	_ =	shalt  }
0x4b: {  	_ =	shalt  }
0x4c: {  	_ =	shalt  }
0x4d: {  	_ =	shalt  }
0x4e: {  	_ =	shalt  }
0x4f: {  	_ =	shalt  }
0x50: {  	_ =	shalt  }
0x51: {  	_ =	shalt  }
0x52: {  	_ =	shalt  }
0x53: {  	_ =	shalt  }
0x54: {  	_ =	shalt  }
0x55: {  	_ =	shalt  }
0x56: {  	_ =	shalt  }
0x57: {  	_ =	shalt  }
0x58: {  	_ =	shalt  }
0x59: {  	_ =	shalt  }
0x5a: {  	_ =	shalt  }
0x5b: {  	_ =	shalt  }
0x5c: {  	_ =	shalt  }
0x5d: {  	_ =	shalt  }
0x5e: {  	_ =	shalt  }
0x5f: {  	_ =	shalt  }
0x60: {  	_ =	shalt  }
0x61: {  	_ =	shalt  }
0x62: {  	_ =	shalt  }
0x63: {  	_ =	shalt  }
0x64: {  	_ =	shalt  }
0x65: {  	_ =	shalt  }
0x66: {  	_ =	shalt  }
0x67: {  	_ =	shalt  }
0x68: {  	_ =	shalt  }
0x69: {  	_ =	shalt  }
0x6a: {  	_ =	shalt  }
0x6b: {  	_ =	shalt  }
0x6c: {  	_ =	shalt  }
0x6d: {  	_ =	shalt  }
0x6e: {  	_ =	shalt  }
0x6f: {  	_ =	shalt  }
0x70: {  	_ =	shalt  }
0x71: {  	_ =	shalt  }
0x72: {  	_ =	shalt  }
0x73: {  	_ =	shalt  }
0x74: {  	_ =	shalt  }
0x75: {  	_ =	shalt  }
0x76: {  	_ =	shalt  }
0x77: {  	_ =	shalt  }
0x78: {  	_ =	shalt  }
0x79: {  	_ =	shalt  }
0x7a: {  	_ =	shalt  }
0x7b: {  	_ =	shalt  }
0x7c: {  	_ =	shalt  }
0x7d: {  	_ =	shalt  }
0x7e: {  	_ =	shalt  }
0x7f: {  	_ =	shalt  }
0x80: {  	_ =	shalt  }
0x81: {  	_ =	shalt  }
0x82: {  	_ =	shalt  }
0x83: {  	_ =	shalt  }
0x84: {  	_ =	shalt  }
0x85: {  	_ =	shalt  }
0x86: {  	_ =	shalt  }
0x87: {  	_ =	shalt  }
.Lfunc_end0:
.L_simem_size_0:
called_computation.2_lowered:
.L_overlay_start_0:
0x88: {  	s2 =	sld [smem:$0x3FD9]  }
0x89: {  	s3 =	sld [smem:$0x3FFE];
	_ =	sdelay $0x1  }
0x8a: {  	s1 =	srdreg.scid  }
0x8b: {  	s0 =	sand.u32 $0x1, s1  }
0x8c: {  	s17 =	sshll.u32 s0, $0xA;
	s2 =	sadd.s32 s3, s2  }
0x8d: {  	s2 =	sadd.s32 s2, s17  }
0x8e: {  	[smem:$0x3FC2] =	sst s2  }
0x8f: {  	_ = 	snop  }
0x90: {  	s2 =	sld [smem:$0x3FD0];
	(tm) =	ssettm $0x1  }
0x91: {  	s18 =	sld [smem:$0x3FFB];
	_ =	sdelay $0x3  }
0x92: {  	_ =	strace s18  }
0x93: {  	s3 =	sld [smem:$0x3FFC];
	_ =	sdelay $0x3  }
0x94: {  	_ =	strace s3  }
0x95: {  	s3 =	sld [smem:$0x3FFD];
	_ =	sdelay $0x3  }
0x96: {  	_ =	strace s3  }
0x97: {  	_ =	strace $0x8FFFFFFF  }
0x98: {  	s19 =	sld [smem:$0x3FDB];
	_ =	sdelay $0x1  }
0x99: {  	s4 =	simm.s32 $_scs_section_size  }
0x9a: {  	s5 =	simm.s32 $_size__tile_overlayer_lowered;
	s6 =	simm.s32 $_tile_overlayer_lowered  }
0x9b: {  	s22 =	simm.s32 $0x1BFF;
	s21 =	sshll.u32 s6, $0x1;
	s3 =	sadd.s32 s4, s19  }
0x9c: {  	s7 =	simm.s32 $0x0;
	s20 =	sshll.u32 s5, $0x1;
	s5 =	sadd.s32 s21, s3  }
0x9d: {  	[timem:s7], [sflag:s22] =	dma.local [hbm:s5], s20  }
0x9e: {  	_ =	swait.ge [sflag:s22], s20  }
0x9f: {  	s4 =	ssub.s32 $0x0, s20;
	[sflag:s22] =	ssyncset.done $0x0  }
0xa0: {  	[sflag:s22] =	ssyncadd.s32 s4;
	_ =	sdelay $0x1  }
0xa1: {  	s23 =	simm.s32 $0x1B8B  }
0xa2: {  	_ =	swait.ge [sflag:s23], $0x1  }
0xa3: {  	[sflag:s23] =	ssyncset.done $0x0  }
0xa4: {  	s25 =	simm.s32 $0x1B8E;
	s24 =	sld [smem:$0x3FFE];
	[sflag:s23] =	ssyncadd.s32 $0xFFFFFFFF  }
0xa5: {  	s26 =	simm.s32 $execute0_lowered;
	[smem:$0x3FD2] =	sst s25  }
0xa6: {  	s5 =	sshll.u32 s26, $0x1;
	_ =	strace $0x8000004C;
	[dreg:$0x1] =	wrdreg $0xFFFFFFFF  }
0xa7: {  	s28 =	simm.s32 $_size_execute0_lowered;
	s3 =	sadd.s32 s3, s5;
	[dreg:$0x0] =	wrdreg $0x0  }
0xa8: {  	s5 =	sshll.u32 s28, $0x1;
	[dreg:$0x2] =	wrdreg s3  }
0xa9: {  	[dreg:$0x3] =	wrdreg s5  }
0xaa: {  	[dreg:$0x4] =	wrdreg $0xC0  }
0xab: {  	_ =	task [dreg:s7], $0x5FFFF  }
0xac: {  	[dreg:$0x1] =	wrdreg $0xFFFFFFFF  }
0xad: {  	[dreg:$0x0] =	wrdreg $0x60  }
0xae: {  	[dreg:$0x2] =	wrdreg s24  }
0xaf: {  	[dreg:$0x3] =	wrdreg s2  }
0xb0: {  	[dreg:$0x4] =	wrdreg $0x9A000  }
0xb1: {  	[dreg:$0x5] =	wrdreg $0x9  }
0xb2: {  	_ =	task.clear_ibuf [dreg:s7], $0x6FFFF;
	_ =	strace $0x9000004C  }
0xb3: {  	s29 =	simm.s32 $0x9;
	_ =	strace $0x8000004E  }
0xb4: {  	_ =	swait.ge [sflag:s29], $0x1  }
0xb5: {  	[sflag:s29] =	ssyncadd.s32 $0xFFFFFFFF  }
0xb6: {  	_ =	strace $0x9000004E  }
0xb7: {  	_ =	sfence  }
0xb8: {  	s30 =	sld [smem:$0x0];
	_ =	sdelay $0x2  }
0xb9: {  	s31 =	sshll.u32 s1, $0xD;
	s1 =	sshrl.u32 s1, $0x2  }
0xba: {  	s3 =	sand.u32 $0x4000, s31;
	s1 =	sadd.s32 s1, s30  }
0xbb: {  	s0 =	sor.u32 s3, s0;
	s1 =	sshll.u32 s1, $0x11  }
0xbc: {  	s0 =	sor.u32 s1, s0  }
0xbd: {  	s0 =	sadd.s32 $0x8F2B, s0  }
0xbe: {  	[sflag:s0] =	ssyncadd.remote.s32 $0x1  }
0xbf: {  	_ =	sfence.sel $0xFFFF  }
0xc0: {  	[dreg:$0x0] =	wrdreg $0xFFFFFFFF;
	(pc) =	sbr.abs _section_cstart, $3  }
0xc1: {  	[dreg:$0x1] =	wrdreg $0xFFFFFFFF  }
0xc2: {  	_ =	task.clear_ibuf [dreg:s7], $0x2FFFF;
	_ =	strace $0x9FFFFFFF  }
0xc3: {  	(tm) =	ssettm $0x7FFFFFFF  }
tec
execute0_lowered:
.L_overlay_start_1:
0x0: {  	(tag) =	ssettag $0x1  }
0x1: {  	s0 =	rddreg [dreg:$0x0]  }
0x2: {  	s3 =	rddreg [dreg:$0x1];
	s4 =	srdreg.scid  }
0x3: {  	s1 =	rddreg [dreg:$0x2];
	s2 =	simm.s32 $0x0;
	s10 =	stileid.u32  }
0x4: {  	s28 =	simm.s32 $0x3200;
	s29 =	simm.s32 $0x5;
	s30 =	simm.s32 $0x1900  }
0x5: {  	s31 =	simm.s32 $0x64;
	s4 =	sand.u32 $0x1, s4;
	[smem:$0x7FF] =	sst s2  }
0x6: {  	s6 =	sadd.s32 $0xE800, s0;
	s8 =	smul.u32 $0x14000, s10;
	s9 =	sadd.s32 $0x1C00, s0  }
0x7: {  	s20 =	sshll.u32 s10, $0x1;
	s10 =	smul.u32 $0x50000, s10;
	s5 =	ssub.s32 $0x2, s4  }
0x8: {  	s7 =	sshrl.u32 s5, $0x1;
	s11 =	sor.u32 $0x2800, s8;
	s12 =	sadd.s32 $0x5000, s8  }
0x9: {  	s13 =	sadd.s32 $0x7800, s8;
	s15 =	sadd.s32 $0xA000, s8;
	s23 =	sadd.s32 $0xC800, s8  }
0xa: {  	s5 =	ssub.s32 s5, s7;
	s7 =	sor.u32 s4, s20;
	s4 =	smul.u32 $0x140000, s4  }
0xb: {  	s24 =	sadd.s32 $0xF000, s8;
	s25 =	sadd.s32 $0x11800, s8;
	s14 =	smul.u32 $0x3200, s7  }
0xc: {  	s7 =	smul.u32 $0x640, s7;
	s21 =	sadd.s32 s8, s4;
	s26 =	sadd.s32 s4, s11  }
0xd: {  	s8 =	sadd.s32 s4, s12;
	s17 =	sadd.s32 s4, s15;
	s19 =	sadd.s32 s4, s23  }
0xe: {  	s23 =	sadd.s32 s23, s1;
	s14 =	sshrl.u32 s14, $0x3;
	s16 =	sadd.s32 s6, s7  }
0xf: {  	s7 =	sadd.s32 s9, s7;
	s18 =	sshrl.u32 s17, $0x3;
	s20 =	sshrl.u32 s19, $0x3  }
0x10: {  	s19 =	sadd.s32 s11, s1;
	s11 =	simm.s32 $0x3180;
	[dreg:$0x4] =	wrdreg s16  }
0x11: {  	s14 =	sadd.s32 $0x320, s14;
	[dreg:$0x5] =	wrdreg s7;
	s7 =	sshrl.u32 s26, $0x3  }
0x12: {  	s26 =	sshrl.u32 s10, $0x2;
	s10 =	simm.s32 $0x1880;
	s6 =	sadd.s32 s6, s14  }
0x13: {  	s22 =	sadd.s32 s9, s14;
	s9 =	sshrl.u32 s8, $0x3;
	[dreg:$0x6] =	wrdreg s6  }
0x14: {  	s14 =	sadd.s32 s4, s13;
	s8 =	simm.s32 $0x4;
	[dreg:$0x7] =	wrdreg s22  }
0x15: {  	s6 =	sshrl.u32 s21, $0x3;
	s16 =	sshrl.u32 s14, $0x3;
	s21 =	sadd.s32 s4, s24  }
0x16: {  	s4 =	sadd.s32 s4, s25;
	s24 =	sadd.s32 s24, s1;
	s25 =	sadd.s32 s25, s1  }
0x17: {  	s6 =	sadd.s32 s3, s6;
	s22 =	sshrl.u32 s21, $0x3;
	s4 =	sshrl.u32 s4, $0x3  }
0x18: {  	s21 =	sadd.s32 s13, s1;
	[dreg:$0x8] =	wrdreg s6;
	s6 =	sadd.s32 s3, s7  }
0x19: {  	s13 =	simm.s32 $0x0;
	[dreg:$0x9] =	wrdreg s6;
	s6 =	sadd.s32 s3, s9  }
0x1a: {  	s7 =	simm.s32 $0x100;
	s9 =	simm.s32 $0x3100;
	[dreg:$0xa] =	wrdreg s6  }
0x1b: {  	s6 =	sadd.s32 s3, s16;
	s16 =	sadd.s32 $0x1B000, s0;
	s0 =	sadd.s32 $0x42200, s0  }
0x1c: {  	[dreg:$0xb] =	wrdreg s6;
	s6 =	sadd.s32 s3, s18;
	s18 =	sadd.s32 s26, s1  }
0x1d: {  	s26 =	smax.u32 s5, $0x1;
	s5 =	simm.s32 $0x1980;
	[dreg:$0xc] =	wrdreg s6  }
0x1e: {  	s6 =	sadd.s32 s3, s20;
	s20 =	sadd.s32 s12, s1;
	s12 =	simm.s32 $0x1  }
0x1f: {  	[dreg:$0xd] =	wrdreg s6;
	s6 =	sadd.s32 s3, s22;
	s3 =	sadd.s32 s3, s4  }
0x20: {  	s22 =	sadd.s32 s15, s1;
	s4 =	simm.s32 $0x2;
	[dreg:$0xe] =	wrdreg s6  }
0x21: {  	[dreg:$0xf] =	wrdreg s3;
	s3 =	simm.s32 $0x6600;
	s6 =	simm.s32 $0x3  }
0x22: {  	_ =	strace $0x8000004D;
	[dreg:$0x10] =	wrdreg s0;
	s0 =	simm.s32 $0x80  }
.LBB2_1:
0x23: {  	s14 =	rddreg [dreg:$0x10]  }
0x24: {  	[tilespmem:s28], [sflag:$0x5] =	stream.linear.gather [hbm4b:s14+s2], $0x3200, $0x38;
	[tilespmem:$0x1DA00] =	vst v63  }
0x25: {  	_ =	swait.ge [sflag:s29], $0x3200  }
0x26: {  	[sflag:s29] =	ssyncset.done $0x0  }
0x27: {  	[sflag:s29] =	ssyncadd.s32 $0xFFFFCE00  }
0x28: {  	[spmem:s18] =	stream.linear.scatter [tilespmem:s28], [sflag:$0x5], $0x2800, $0x38;
	[tilespmem:$0x1DA00] =	vst v63  }
0x29: {  	_ =	swait.ge [sflag:s29], $0x2800  }
0x2a: {  	[sflag:s29] =	ssyncset.done $0x0  }
0x2b: {  	[sflag:s29] =	ssyncadd.s32 $0xFFFFD800  }
0x2c: {  	[spmem:s19] =	stream.linear.scatter [tilespmem:s28], [sflag:$0x5], $0x2800, $0x38;
	[tilespmem:$0x1DA00] =	vst v63  }
0x2d: {  	_ =	swait.ge [sflag:s29], $0x2800  }
0x2e: {  	[sflag:s29] =	ssyncset.done $0x0  }
0x2f: {  	[sflag:s29] =	ssyncadd.s32 $0xFFFFD800  }
0x30: {  	[spmem:s20] =	stream.linear.scatter [tilespmem:s28], [sflag:$0x5], $0x2800, $0x38;
	[tilespmem:$0x1DA00] =	vst v63  }
0x31: {  	_ =	swait.ge [sflag:s29], $0x2800  }
0x32: {  	[sflag:s29] =	ssyncset.done $0x0  }
0x33: {  	[sflag:s29] =	ssyncadd.s32 $0xFFFFD800  }
0x34: {  	[spmem:s21] =	stream.linear.scatter [tilespmem:s28], [sflag:$0x5], $0x2800, $0x38;
	[tilespmem:$0x1DA00] =	vst v63  }
0x35: {  	_ =	swait.ge [sflag:s29], $0x2800  }
0x36: {  	[sflag:s29] =	ssyncset.done $0x0  }
0x37: {  	[sflag:s29] =	ssyncadd.s32 $0xFFFFD800  }
0x38: {  	[spmem:s22] =	stream.linear.scatter [tilespmem:s28], [sflag:$0x5], $0x2800, $0x38;
	[tilespmem:$0x1DA00] =	vst v63  }
0x39: {  	_ =	swait.ge [sflag:s29], $0x2800  }
0x3a: {  	[sflag:s29] =	ssyncset.done $0x0  }
0x3b: {  	[sflag:s29] =	ssyncadd.s32 $0xFFFFD800  }
0x3c: {  	[spmem:s23] =	stream.linear.scatter [tilespmem:s28], [sflag:$0x5], $0x2800, $0x38;
	[tilespmem:$0x1DA00] =	vst v63  }
0x3d: {  	_ =	swait.ge [sflag:s29], $0x2800  }
0x3e: {  	[sflag:s29] =	ssyncset.done $0x0  }
0x3f: {  	[sflag:s29] =	ssyncadd.s32 $0xFFFFD800  }
0x40: {  	[spmem:s24] =	stream.linear.scatter [tilespmem:s28], [sflag:$0x5], $0x2800, $0x38;
	[tilespmem:$0x1DA00] =	vst v63  }
0x41: {  	_ =	swait.ge [sflag:s29], $0x2800  }
0x42: {  	[sflag:s29] =	ssyncset.done $0x0  }
0x43: {  	[sflag:s29] =	ssyncadd.s32 $0xFFFFD800  }
0x44: {  	[spmem:s25] =	stream.linear.scatter [tilespmem:s28], [sflag:$0x5], $0x2800, $0x38;
	[tilespmem:$0x1DA00] =	vst v63  }
0x45: {  	_ =	swait.ge [sflag:s29], $0x2800  }
0x46: {  	[sflag:s29] =	ssyncset.done $0x0  }
0x47: {  	[sflag:s29] =	ssyncadd.s32 $0xFFFFD800  }
0x48: {  	[bflag:$0x0] =	sbarrier.arrive $0xFFFF  }
0x49: {  	s17 =	rddreg [dreg:$0x4]  }
0x4a: {  	[tilespmem:s2], [sflag:$0x5] =	stream.linear.gather [hbm4b:s17+s2], $0x1900, $0x38;
	[tilespmem:$0x1DA00] =	vst v63  }
0x4b: {  	_ =	swait.ge [sflag:s29], $0x1900  }
0x4c: {  	[sflag:s29] =	ssyncset.done $0x0  }
0x4d: {  	s15 =	rddreg [dreg:$0x5];
	[sflag:s29] =	ssyncadd.s32 $0xFFFFE700  }
0x4e: {  	[tilespmem:s30], [sflag:$0x5] =	stream.linear.gather [hbm4b:s15+s2], $0x1900, $0x38;
	[tilespmem:$0x1DA00] =	vst v63  }
0x4f: {  	_ =	swait.ge [sflag:s29], $0x1900  }
0x50: {  	[sflag:s29] =	ssyncset.done $0x0  }
0x51: {  	[sflag:s29] =	ssyncadd.s32 $0xFFFFE700  }
0x52: {  	[tilespmem:s28], [sflag:$0x1] =	stream.indirect.gather [hbm4b:s16+s31], $0x80, s2, s31, $0xb8;
	[tilespmem:$0x1DA00] =	vst v63  }
0x53: {  	_ =	swait.ge [sflag:s12], $0x3200  }
0x54: {  	[sflag:s12] =	ssyncset.done $0x0  }
0x55: {  	[sflag:s12] =	ssyncadd.s32 $0xFFFFCE00  }
0x56: {  	[spmem:s1] =	stream.indirect.scatter.add.f32 [tilespmem:s28], [sflag:$0x3], $0x80, s30, s31, $0xb8;
	[tilespmem:$0x1DA00] =	vst v63  }
0x57: {  	_ = 	snop  }
0x58: {  	[tilespmem:s3], [sflag:$0x2] =	stream.indirect.gather [hbm4b:s16+s31], $0x80, s0, s31, $0xb8;
	[tilespmem:$0x1DA00] =	vst v63  }
0x59: {  	_ =	swait.ge [sflag:s4], $0x3200  }
0x5a: {  	[sflag:s4] =	ssyncset.done $0x0  }
0x5b: {  	[sflag:s4] =	ssyncadd.s32 $0xFFFFCE00  }
0x5c: {  	[spmem:s1] =	stream.indirect.scatter.add.f32 [tilespmem:s3], [sflag:$0x4], $0x80, s5, s31, $0xb8;
	[tilespmem:$0x1DA00] =	vst v63  }
0x5d: {  	_ =	swait.ge [sflag:s6], $0x3200  }
0x5e: {  	[sflag:s6] =	ssyncset.done $0x0  }
0x5f: {  	[sflag:s6] =	ssyncadd.s32 $0xFFFFCE00  }
0x60: {  	[tilespmem:s28], [sflag:$0x1] =	stream.indirect.gather [hbm4b:s16+s31], $0x80, s7, s31, $0xb8;
	[tilespmem:$0x1DA00] =	vst v63  }
0x61: {  	_ =	swait.ge [sflag:s12], $0x3200  }
0x62: {  	[sflag:s12] =	ssyncset.done $0x0  }
0x63: {  	s17 =	simm.s32 $0x1A00;
	[sflag:s12] =	ssyncadd.s32 $0xFFFFCE00  }
0x64: {  	[spmem:s1] =	stream.indirect.scatter.add.f32 [tilespmem:s28], [sflag:$0x3], $0x80, s17, s31, $0xb8;
	[tilespmem:$0x1DA00] =	vst v63  }
0x65: {  	_ =	swait.ge [sflag:s8], $0x3200  }
0x66: {  	[sflag:s8] =	ssyncset.done $0x0  }
0x67: {  	s15 =	simm.s32 $0x180;
	[sflag:s8] =	ssyncadd.s32 $0xFFFFCE00  }
0x68: {  	[tilespmem:s3], [sflag:$0x2] =	stream.indirect.gather [hbm4b:s16+s31], $0x80, s15, s31, $0xb8;
	[tilespmem:$0x1DA00] =	vst v63  }
0x69: {  	_ =	swait.ge [sflag:s4], $0x3200  }
0x6a: {  	[sflag:s4] =	ssyncset.done $0x0  }
0x6b: {  	s17 =	simm.s32 $0x1A80;
	[sflag:s4] =	ssyncadd.s32 $0xFFFFCE00  }
0x6c: {  	[spmem:s1] =	stream.indirect.scatter.add.f32 [tilespmem:s3], [sflag:$0x4], $0x80, s17, s31, $0xb8;
	[tilespmem:$0x1DA00] =	vst v63  }
0x6d: {  	_ =	swait.ge [sflag:s6], $0x3200  }
0x6e: {  	[sflag:s6] =	ssyncset.done $0x0  }
0x6f: {  	s14 =	simm.s32 $0xFFFFA800;
	s15 =	simm.s32 $0x200;
	[sflag:s6] =	ssyncadd.s32 $0xFFFFCE00  }
.LBB2_2:
0x70: {  	[tilespmem:s28], [sflag:$0x1] =	stream.indirect.gather [hbm4b:s16+s31], $0x80, s15, s31, $0xb8;
	[tilespmem:$0x1DA00] =	vst v63  }
0x71: {  	s15 =	smov.u32 s14  }
0x72: {  	p0 =	sne.s32 s14, $0xFFFFFC00;
	s14 =	sadd.s32 $0x400, s14;
	_ =	swait.ge [sflag:s12], $0x3200  }
0x73: {  	s15 =	sshra.s32 s15, $0x2;
	[sflag:s12] =	ssyncset.done $0x0  }
0x74: {  	s17 =	sadd.s32 $0x3100, s15;
	[sflag:s12] =	ssyncadd.s32 $0xFFFFCE00  }
0x75: {  	[spmem:s1] =	stream.indirect.scatter.add.f32 [tilespmem:s28], [sflag:$0x3], $0x80, s17, s31, $0xb8;
	[tilespmem:$0x1DA00] =	vst v63  }
0x76: {  	_ =	swait.ge [sflag:s8], $0x3200  }
0x77: {  	[sflag:s8] =	ssyncset.done $0x0  }
0x78: {  	s17 =	sadd.s32 $0x1880, s15;
	[sflag:s8] =	ssyncadd.s32 $0xFFFFCE00  }
0x79: {  	[tilespmem:s3], [sflag:$0x2] =	stream.indirect.gather [hbm4b:s16+s31], $0x80, s17, s31, $0xb8;
	[tilespmem:$0x1DA00] =	vst v63  }
0x7a: {  	_ =	swait.ge [sflag:s4], $0x3200  }
0x7b: {  	[sflag:s4] =	ssyncset.done $0x0  }
.Ltmp0:
0x7c: {  	s17 =	sadd.s32 $0x3180, s15;
	[sflag:s4] =	ssyncadd.s32 $0xFFFFCE00;
	(pc) =	sbr.rel @p0 .LBB2_2-.Ltmp0, $4  }
0x7d: {  	[spmem:s1] =	stream.indirect.scatter.add.f32 [tilespmem:s3], [sflag:$0x4], $0x80, s17, s31, $0xb8;
	[tilespmem:$0x1DA00] =	vst v63  }
0x7e: {  	_ =	swait.ge [sflag:s6], $0x3200  }
0x7f: {  	[sflag:s6] =	ssyncset.done $0x0  }
0x80: {  	s15 =	sadd.s32 $0x1900, s15;
	[sflag:s6] =	ssyncadd.s32 $0xFFFFCE00  }
0x81: {  	[tilespmem:s28], [sflag:$0x1] =	stream.indirect.gather [hbm4b:s16+s31], $0x80, s15, s31, $0xb8;
	[tilespmem:$0x1DA00] =	vst v63  }
0x82: {  	_ =	swait.ge [sflag:s12], $0x3200  }
0x83: {  	[sflag:s12] =	ssyncset.done $0x0  }
0x84: {  	[sflag:s12] =	ssyncadd.s32 $0xFFFFCE00  }
0x85: {  	[spmem:s1] =	stream.indirect.scatter.add.f32 [tilespmem:s28], [sflag:$0x3], $0x80, s9, s31, $0xb8;
	[tilespmem:$0x1DA00] =	vst v63  }
0x86: {  	_ =	swait.ge [sflag:s8], $0x3200  }
0x87: {  	[sflag:s8] =	ssyncset.done $0x0  }
0x88: {  	[sflag:s8] =	ssyncadd.s32 $0xFFFFCE00  }
0x89: {  	[tilespmem:s3], [sflag:$0x2] =	stream.indirect.gather [hbm4b:s16+s31], $0x80, s10, s31, $0xb8;
	[tilespmem:$0x1DA00] =	vst v63  }
0x8a: {  	_ =	swait.ge [sflag:s4], $0x3200  }
0x8b: {  	[sflag:s4] =	ssyncset.done $0x0  }
0x8c: {  	[sflag:s4] =	ssyncadd.s32 $0xFFFFCE00  }
0x8d: {  	[spmem:s1] =	stream.indirect.scatter.add.f32 [tilespmem:s3], [sflag:$0x4], $0x80, s11, s31, $0xb8;
	[tilespmem:$0x1DA00] =	vst v63  }
0x8e: {  	_ =	swait.ge [sflag:s6], $0x3200  }
0x8f: {  	[sflag:s6] =	ssyncset.done $0x0  }
0x90: {  	[sflag:s6] =	ssyncadd.s32 $0xFFFFCE00  }
0x91: {  	_ =	swait.ge [sflag:s8], $0x3200  }
0x92: {  	[sflag:s8] =	ssyncset.done $0x0  }
0x93: {  	s14 =	rddreg [dreg:$0x6];
	[sflag:s8] =	ssyncadd.s32 $0xFFFFCE00  }
0x94: {  	[tilespmem:s2], [sflag:$0x5] =	stream.linear.gather [hbm4b:s14+s2], $0x1900, $0x38;
	[tilespmem:$0x1DA00] =	vst v63  }
0x95: {  	_ =	swait.ge [sflag:s29], $0x1900  }
0x96: {  	[sflag:s29] =	ssyncset.done $0x0  }
0x97: {  	s15 =	rddreg [dreg:$0x7];
	[sflag:s29] =	ssyncadd.s32 $0xFFFFE700  }
0x98: {  	[tilespmem:s30], [sflag:$0x5] =	stream.linear.gather [hbm4b:s15+s2], $0x1900, $0x38;
	[tilespmem:$0x1DA00] =	vst v63  }
0x99: {  	_ =	swait.ge [sflag:s29], $0x1900  }
0x9a: {  	[sflag:s29] =	ssyncset.done $0x0  }
0x9b: {  	[sflag:s29] =	ssyncadd.s32 $0xFFFFE700  }
0x9c: {  	[tilespmem:s28], [sflag:$0x1] =	stream.indirect.gather [hbm4b:s16+s31], $0x80, s2, s31, $0xb8;
	[tilespmem:$0x1DA00] =	vst v63  }
0x9d: {  	_ =	swait.ge [sflag:s12], $0x3200  }
0x9e: {  	[sflag:s12] =	ssyncset.done $0x0  }
0x9f: {  	[sflag:s12] =	ssyncadd.s32 $0xFFFFCE00  }
0xa0: {  	[spmem:s1] =	stream.indirect.scatter.add.f32 [tilespmem:s28], [sflag:$0x3], $0x80, s30, s31, $0xb8;
	[tilespmem:$0x1DA00] =	vst v63  }
0xa1: {  	_ = 	snop  }
0xa2: {  	[tilespmem:s3], [sflag:$0x2] =	stream.indirect.gather [hbm4b:s16+s31], $0x80, s0, s31, $0xb8;
	[tilespmem:$0x1DA00] =	vst v63  }
0xa3: {  	_ =	swait.ge [sflag:s4], $0x3200  }
0xa4: {  	[sflag:s4] =	ssyncset.done $0x0  }
0xa5: {  	[sflag:s4] =	ssyncadd.s32 $0xFFFFCE00  }
0xa6: {  	[spmem:s1] =	stream.indirect.scatter.add.f32 [tilespmem:s3], [sflag:$0x4], $0x80, s5, s31, $0xb8;
	[tilespmem:$0x1DA00] =	vst v63  }
0xa7: {  	_ =	swait.ge [sflag:s6], $0x3200  }
0xa8: {  	[sflag:s6] =	ssyncset.done $0x0  }
0xa9: {  	[sflag:s6] =	ssyncadd.s32 $0xFFFFCE00  }
0xaa: {  	[tilespmem:s28], [sflag:$0x1] =	stream.indirect.gather [hbm4b:s16+s31], $0x80, s7, s31, $0xb8;
	[tilespmem:$0x1DA00] =	vst v63  }
0xab: {  	_ =	swait.ge [sflag:s12], $0x3200  }
0xac: {  	[sflag:s12] =	ssyncset.done $0x0  }
0xad: {  	s17 =	simm.s32 $0x1A00;
	[sflag:s12] =	ssyncadd.s32 $0xFFFFCE00  }
0xae: {  	[spmem:s1] =	stream.indirect.scatter.add.f32 [tilespmem:s28], [sflag:$0x3], $0x80, s17, s31, $0xb8;
	[tilespmem:$0x1DA00] =	vst v63  }
0xaf: {  	_ =	swait.ge [sflag:s8], $0x3200  }
0xb0: {  	[sflag:s8] =	ssyncset.done $0x0  }
0xb1: {  	s15 =	simm.s32 $0x180;
	[sflag:s8] =	ssyncadd.s32 $0xFFFFCE00  }
0xb2: {  	[tilespmem:s3], [sflag:$0x2] =	stream.indirect.gather [hbm4b:s16+s31], $0x80, s15, s31, $0xb8;
	[tilespmem:$0x1DA00] =	vst v63  }
0xb3: {  	_ =	swait.ge [sflag:s4], $0x3200  }
0xb4: {  	[sflag:s4] =	ssyncset.done $0x0  }
0xb5: {  	s17 =	simm.s32 $0x1A80;
	[sflag:s4] =	ssyncadd.s32 $0xFFFFCE00  }
0xb6: {  	[spmem:s1] =	stream.indirect.scatter.add.f32 [tilespmem:s3], [sflag:$0x4], $0x80, s17, s31, $0xb8;
	[tilespmem:$0x1DA00] =	vst v63  }
0xb7: {  	_ =	swait.ge [sflag:s6], $0x3200  }
0xb8: {  	[sflag:s6] =	ssyncset.done $0x0  }
0xb9: {  	s14 =	simm.s32 $0xFFFFA800;
	s15 =	simm.s32 $0x200;
	[sflag:s6] =	ssyncadd.s32 $0xFFFFCE00  }
.LBB2_4:
0xba: {  	[tilespmem:s28], [sflag:$0x1] =	stream.indirect.gather [hbm4b:s16+s31], $0x80, s15, s31, $0xb8;
	[tilespmem:$0x1DA00] =	vst v63  }
0xbb: {  	s15 =	smov.u32 s14  }
0xbc: {  	p0 =	sne.s32 s14, $0xFFFFFC00;
	s14 =	sadd.s32 $0x400, s14;
	_ =	swait.ge [sflag:s12], $0x3200  }
0xbd: {  	s15 =	sshra.s32 s15, $0x2;
	[sflag:s12] =	ssyncset.done $0x0  }
0xbe: {  	s17 =	sadd.s32 $0x3100, s15;
	[sflag:s12] =	ssyncadd.s32 $0xFFFFCE00  }
0xbf: {  	[spmem:s1] =	stream.indirect.scatter.add.f32 [tilespmem:s28], [sflag:$0x3], $0x80, s17, s31, $0xb8;
	[tilespmem:$0x1DA00] =	vst v63  }
0xc0: {  	_ =	swait.ge [sflag:s8], $0x3200  }
0xc1: {  	[sflag:s8] =	ssyncset.done $0x0  }
0xc2: {  	s17 =	sadd.s32 $0x1880, s15;
	[sflag:s8] =	ssyncadd.s32 $0xFFFFCE00  }
0xc3: {  	[tilespmem:s3], [sflag:$0x2] =	stream.indirect.gather [hbm4b:s16+s31], $0x80, s17, s31, $0xb8;
	[tilespmem:$0x1DA00] =	vst v63  }
0xc4: {  	_ =	swait.ge [sflag:s4], $0x3200  }
0xc5: {  	[sflag:s4] =	ssyncset.done $0x0  }
.Ltmp1:
0xc6: {  	s17 =	sadd.s32 $0x3180, s15;
	[sflag:s4] =	ssyncadd.s32 $0xFFFFCE00;
	(pc) =	sbr.rel @p0 .LBB2_4-.Ltmp1, $4  }
0xc7: {  	[spmem:s1] =	stream.indirect.scatter.add.f32 [tilespmem:s3], [sflag:$0x4], $0x80, s17, s31, $0xb8;
	[tilespmem:$0x1DA00] =	vst v63  }
0xc8: {  	_ =	swait.ge [sflag:s6], $0x3200  }
0xc9: {  	[sflag:s6] =	ssyncset.done $0x0  }
0xca: {  	s15 =	sadd.s32 $0x1900, s15;
	[sflag:s6] =	ssyncadd.s32 $0xFFFFCE00  }
0xcb: {  	[tilespmem:s28], [sflag:$0x1] =	stream.indirect.gather [hbm4b:s16+s31], $0x80, s15, s31, $0xb8;
	[tilespmem:$0x1DA00] =	vst v63  }
0xcc: {  	_ =	swait.ge [sflag:s12], $0x3200  }
0xcd: {  	[sflag:s12] =	ssyncset.done $0x0  }
0xce: {  	[sflag:s12] =	ssyncadd.s32 $0xFFFFCE00  }
0xcf: {  	[spmem:s1] =	stream.indirect.scatter.add.f32 [tilespmem:s28], [sflag:$0x3], $0x80, s9, s31, $0xb8;
	[tilespmem:$0x1DA00] =	vst v63  }
0xd0: {  	_ =	swait.ge [sflag:s8], $0x3200  }
0xd1: {  	[sflag:s8] =	ssyncset.done $0x0  }
0xd2: {  	[sflag:s8] =	ssyncadd.s32 $0xFFFFCE00  }
0xd3: {  	[tilespmem:s3], [sflag:$0x2] =	stream.indirect.gather [hbm4b:s16+s31], $0x80, s10, s31, $0xb8;
	[tilespmem:$0x1DA00] =	vst v63  }
0xd4: {  	_ =	swait.ge [sflag:s4], $0x3200  }
0xd5: {  	[sflag:s4] =	ssyncset.done $0x0  }
0xd6: {  	[sflag:s4] =	ssyncadd.s32 $0xFFFFCE00  }
0xd7: {  	[spmem:s1] =	stream.indirect.scatter.add.f32 [tilespmem:s3], [sflag:$0x4], $0x80, s11, s31, $0xb8;
	[tilespmem:$0x1DA00] =	vst v63  }
0xd8: {  	_ =	swait.ge [sflag:s6], $0x3200  }
0xd9: {  	[sflag:s6] =	ssyncset.done $0x0  }
0xda: {  	[sflag:s6] =	ssyncadd.s32 $0xFFFFCE00  }
0xdb: {  	_ =	swait.ge [sflag:s8], $0x3200  }
0xdc: {  	[sflag:s8] =	ssyncset.done $0x0  }
0xdd: {  	s14 =	stileid.u32;
	[sflag:s8] =	ssyncadd.s32 $0xFFFFCE00  }
0xde: {  	s14 =	sshll.u32 s14, $0x6;
	[bflag:$0x0] =	sbarrier.arrive $0xFFFF  }
0xdf: {  	s15 =	sshrl.u32 s18, $0x3;
	s14 =	sor.u32 $0x1C05, s14;
	s17 =	rddreg [dreg:$0x8]  }
0xe0: {  	[hbm:s17], [sflag:s14] =	dma.local [spmem:s15], $0x500  }
0xe1: {  	_ =	swait.ge [sflag:s29], $0x500  }
0xe2: {  	[sflag:s29] =	ssyncset.done $0x0  }
0xe3: {  	s15 =	sshrl.u32 s19, $0x3;
	s17 =	rddreg [dreg:$0x9];
	[sflag:s29] =	ssyncadd.s32 $0xFFFFFB00  }
0xe4: {  	[hbm:s17], [sflag:s14] =	dma.local [spmem:s15], $0x500  }
0xe5: {  	_ =	swait.ge [sflag:s29], $0x500  }
0xe6: {  	[sflag:s29] =	ssyncset.done $0x0  }
0xe7: {  	s15 =	sshrl.u32 s20, $0x3;
	s17 =	rddreg [dreg:$0xa];
	[sflag:s29] =	ssyncadd.s32 $0xFFFFFB00  }
0xe8: {  	[hbm:s17], [sflag:s14] =	dma.local [spmem:s15], $0x500  }
0xe9: {  	_ =	swait.ge [sflag:s29], $0x500  }
0xea: {  	[sflag:s29] =	ssyncset.done $0x0  }
0xeb: {  	s15 =	sshrl.u32 s21, $0x3;
	s17 =	rddreg [dreg:$0xb];
	[sflag:s29] =	ssyncadd.s32 $0xFFFFFB00  }
0xec: {  	[hbm:s17], [sflag:s14] =	dma.local [spmem:s15], $0x500  }
0xed: {  	_ =	swait.ge [sflag:s29], $0x500  }
0xee: {  	[sflag:s29] =	ssyncset.done $0x0  }
0xef: {  	s15 =	sshrl.u32 s22, $0x3;
	s17 =	rddreg [dreg:$0xc];
	[sflag:s29] =	ssyncadd.s32 $0xFFFFFB00  }
0xf0: {  	[hbm:s17], [sflag:s14] =	dma.local [spmem:s15], $0x500  }
0xf1: {  	_ =	swait.ge [sflag:s29], $0x500  }
0xf2: {  	[sflag:s29] =	ssyncset.done $0x0  }
0xf3: {  	s15 =	sshrl.u32 s23, $0x3;
	s17 =	rddreg [dreg:$0xd];
	[sflag:s29] =	ssyncadd.s32 $0xFFFFFB00  }
0xf4: {  	[hbm:s17], [sflag:s14] =	dma.local [spmem:s15], $0x500  }
0xf5: {  	_ =	swait.ge [sflag:s29], $0x500  }
0xf6: {  	[sflag:s29] =	ssyncset.done $0x0  }
0xf7: {  	s15 =	sshrl.u32 s24, $0x3;
	s17 =	rddreg [dreg:$0xe];
	[sflag:s29] =	ssyncadd.s32 $0xFFFFFB00  }
0xf8: {  	[hbm:s17], [sflag:s14] =	dma.local [spmem:s15], $0x500  }
0xf9: {  	s13 =	sadd.s32 $0x1, s13;
	_ =	swait.ge [sflag:s29], $0x500  }
0xfa: {  	p0 =	sne.s32 s13, s26;
	s15 =	sshrl.u32 s25, $0x3;
	[sflag:s29] =	ssyncset.done $0x0  }
.Ltmp2:
0xfb: {  	s17 =	rddreg [dreg:$0xf];
	[sflag:s29] =	ssyncadd.s32 $0xFFFFFB00;
	(pc) =	sbr.rel @p0 .LBB2_1-.Ltmp2, $4  }
0xfc: {  	[hbm:s17], [sflag:s14] =	dma.local [spmem:s15], $0x500  }
0xfd: {  	_ =	swait.ge [sflag:s29], $0x500  }
0xfe: {  	[sflag:s29] =	ssyncset.done $0x0  }
0xff: {  	[sflag:s29] =	ssyncadd.s32 $0xFFFFFB00  }
0x100: {  	_ =	sfence.sel $0x180000  }
0x101: {  	[bflag:$0x0] =	sbarrier.arrive $0xFFFF  }
0x102: {  	_ =	strace $0x9000004D  }
0x103: {  	s0 =	stileid.u32;
	[bflag:$0x2] =	sbarrier.arrive $0xFFFF  }
0x104: {  	p0 =	sne.s32 s0, $0x0;
	s0 =	rddreg [dreg:$0x3]  }
0x105: {  	s0 =	sadd.s32 @!p0 $0x100000, s0  }
0x106: {  	[sflag:s0] =	ssyncadd.tile.s32 @!p0 $0x1;
	_ =	shalt  }
.Lfunc_end2:
_tile_overlayer_lowered:
.L_overlay_start_2:
0x107: {  	(tag) =	ssettag $0x2  }
0x108: {  	s0 =	rddreg [dreg:$0x0];
	s2 =	stileid.u32  }
0x109: {  	s1 =	rddreg [dreg:$0x1];
	p0 =	sne.s32 s2, $0x0  }
0x10a: {  	s3 =	rddreg [dreg:$0x2];
	[bflag:$0x3] =	sbarrier.arrive $0xFFFF;
	s2 =	simm.s32 @!p0 $0x1C05  }
0x10b: {  	[timem:s3], [sflag:s2] =	dma.local @!p0 [hbm:s0], s1  }
0x10c: {  	s0 =	simm.s32 @!p0 $0x5  }
0x10d: {  	_ =	swait.ge @!p0 [sflag:s0], s1  }
0x10e: {  	s1 =	ssub.s32 @!p0 $0x0, s1;
	[sflag:s0] =	ssyncset.done @!p0 $0x0  }
0x10f: {  	[sflag:s0] =	ssyncadd.s32 @!p0 s1  }
0x110: {  	[bflag:$0x3] =	sbarrier.arrive $0xFFFF  }
0x111: {  	_ =	shalt  }

// kernel: kernel.8.cloned.1.call-start
scs
__scs_entry_jumppad:
0x0: {  	(pc) =	sbr.rel $0x88, $3  }
0x1: {  	(tag) =	ssettag $0x0;
	lr =	simm.s32 $0x1  }
0x2: {  	[smem:$0x3F9B] =	sst lr;
	_ =	strace $0xD0000000  }
0x3: {  	_ = 	snop  }
0x4: {  	_ = 	snop  }
0x5: {  	_ = 	snop  }
0x6: {  	_ = 	snop  }
0x7: {  	_ = 	snop  }
__scs_overlays_trampoline_lowered:
0x8: {  	[smem:$0x3FAA] =	sst s0  }
0x9: {  	[smem:$0x3FAB] =	sst s1  }
0xa: {  	[smem:$0x3FAC] =	sst s2  }
0xb: {  	[smem:$0x3FAD] =	sst s3  }
0xc: {  	[smem:$0x3FAE] =	sst s4  }
0xd: {  	[smem:$0x3FAF] =	sst s5  }
0xe: {  	[smem:$0x3FB0] =	sst s6  }
0xf: {  	[smem:$0x3FB1] =	sst s7  }
0x10: {  	[smem:$0x3FB2] =	sst s8  }
0x11: {  	[smem:$0x3FB3] =	sst s9;
	s0 =	simm.s32 @!p0 $0x0  }
0x12: {  	s1 =	sld [smem:$0x3F99];
	s0 =	simm.s32 @p0 $0x1  }
0x13: {  	[smem:$0x3FB4] =	sst s0;
	s0 =	simm.s32 @!p1 $0x0  }
0x14: {  	s2 =	sld [smem:$0x3F98];
	s0 =	simm.s32 @p1 $0x1  }
0x15: {  	[smem:$0x3FB5] =	sst s0;
	s0 =	simm.s32 @!p2 $0x0  }
0x16: {  	s3 =	sld [smem:$0x3FDB];
	s0 =	simm.s32 @p2 $0x1  }
0x17: {  	s4 =	simm.s32 $0x1BF5;
	[smem:$0x3FB7] =	sst s0  }
0x18: {  	s0 =	sld [smem:$0x3F9A];
	_ =	swait.ge [sflag:s4], $0x0  }
0x19: {  	s7 =	sld [smem:$0x3F9B]  }
0x1a: {  	s8 =	sadd.s32 $0xFFFFE003, lr  }
0x1b: {  	s9 =	sadd.s32 $0xFFFFFEF7, lr;
	s5 =	simm.s32 $0xFFFFFFFF;
	p2 =	slt.u32 s8, $0xFFFFF086  }
0x1c: {  	p1 =	slt.u32 s9, $0xF7A;
	s5 =	simm.s32 @!p2 $0x0  }
0x1d: {  	s5 =	simm.s32 @p1 $0x1;
	p0 =	seq.s32 s7, s2  }
0x1e: {  	s7 =	smul.u32 @!p0 $0xF7A, s2;
	p2 =	seq.s32 @!p0 s5, $0x0  }
0x1f: {  	s9 =	smul.u32 $0xF7A, s1;
	s8 =	simm.s32 @!p0 $0x1BF5;
	p2 =	por !p2, p0  }
0x20: {  	[sflag:s8] =	ssyncset.s32 @!p0 $0xFFFFF086;
	s6 =	sadd.s32 @!p0 s3, s7;
	s7 =	simm.s32 @!p0 $0x108  }
0x21: {  	s3 =	sadd.s32 s3, s9;
	s6 =	sadd.s32 @!p0 $0x88, s6;
	s7 =	simm.s32 @p2 $0x1082  }
0x22: {  	[simem:s7], [sflag:s8] =	dma.local @!p0 [hbm:s6], $0xF7A  }
0x23: {  	s9 =	sor.u32 $0xD0000000, s2;
	s6 =	simm.s32 $0x108;
	_ =	swait.ge @!p0 [sflag:s8], $0x0  }
0x24: {  	s3 =	sadd.s32 $0x88, s3;
	s6 =	simm.s32 @!p1 $0x1082;
	[sflag:s4] =	ssyncset.s32 $0xFFFFF086  }
0x25: {  	[simem:s6], [sflag:s4] =	dma.local [hbm:s3], $0xF7A  }
0x26: {  	[smem:$0x3F9B] =	sst s1;
	(tag) =	ssettag s2;
	_ =	strace s9  }
0x27: {  	s1 =	sld [smem:$0x3FAB]  }
0x28: {  	s2 =	sld [smem:$0x3FAC]  }
0x29: {  	s4 =	sld [smem:$0x3FAE]  }
0x2a: {  	p0 =	seq.s32 s5, $0x0;
	s5 =	sld [smem:$0x3FAF]  }
0x2b: {  	s6 =	sld [smem:$0x3FB0]  }
0x2c: {  	s7 =	sld [smem:$0x3FB1]  }
0x2d: {  	s3 =	simm.s32 $0x108;
	s8 =	sld [smem:$0x3FB2]  }
0x2e: {  	s3 =	simm.s32 @!p0 $0x1082;
	s9 =	sld [smem:$0x3FB3]  }
0x2f: {  	lr =	sadd.s32 s0, s3;
	s0 =	sld [smem:$0x3FAA]  }
0x30: {  	s3 =	sld [smem:$0x3FAD]  }
0x31: {  	[smem:$0x3FB6] =	sst s10  }
0x32: {  	s10 =	sld [smem:$0x3FB4];
	_ =	sdelay $0x3  }
0x33: {  	p0 =	seq.s32 s10, $0x1;
	s10 =	sld [smem:$0x3FB6];
	_ =	sdelay $0x3  }
0x34: {  	[smem:$0x3FB6] =	sst s10  }
0x35: {  	s10 =	sld [smem:$0x3FB5];
	_ =	sdelay $0x3  }
0x36: {  	p1 =	seq.s32 s10, $0x1;
	s10 =	sld [smem:$0x3FB6];
	_ =	sdelay $0x3  }
0x37: {  	[smem:$0x3FB6] =	sst s10  }
0x38: {  	s10 =	sld [smem:$0x3FB7]  }
0x39: {  	_ = 	snop;
	(pc) =	sbr.ind lr, $3  }
0x3a: {  	_ = 	snop  }
0x3b: {  	_ = 	snop  }
0x3c: {  	p2 =	seq.s32 s10, $0x1;
	s10 =	sld [smem:$0x3FB6]  }
0x3d: {  	_ =	shalt  }
0x3e: {  	_ =	shalt  }
0x3f: {  	_ =	shalt  }
0x40: {  	_ =	shalt  }
0x41: {  	_ =	shalt  }
0x42: {  	_ =	shalt  }
0x43: {  	_ =	shalt  }
0x44: {  	_ =	shalt  }
0x45: {  	_ =	shalt  }
0x46: {  	_ =	shalt  }
0x47: {  	_ =	shalt  }
0x48: {  	_ =	shalt  }
0x49: {  	_ =	shalt  }
0x4a: {  	_ =	shalt  }
0x4b: {  	_ =	shalt  }
0x4c: {  	_ =	shalt  }
0x4d: {  	_ =	shalt  }
0x4e: {  	_ =	shalt  }
0x4f: {  	_ =	shalt  }
0x50: {  	_ =	shalt  }
0x51: {  	_ =	shalt  }
0x52: {  	_ =	shalt  }
0x53: {  	_ =	shalt  }
0x54: {  	_ =	shalt  }
0x55: {  	_ =	shalt  }
0x56: {  	_ =	shalt  }
0x57: {  	_ =	shalt  }
0x58: {  	_ =	shalt  }
0x59: {  	_ =	shalt  }
0x5a: {  	_ =	shalt  }
0x5b: {  	_ =	shalt  }
0x5c: {  	_ =	shalt  }
0x5d: {  	_ =	shalt  }
0x5e: {  	_ =	shalt  }
0x5f: {  	_ =	shalt  }
0x60: {  	_ =	shalt  }
0x61: {  	_ =	shalt  }
0x62: {  	_ =	shalt  }
0x63: {  	_ =	shalt  }
0x64: {  	_ =	shalt  }
0x65: {  	_ =	shalt  }
0x66: {  	_ =	shalt  }
0x67: {  	_ =	shalt  }
0x68: {  	_ =	shalt  }
0x69: {  	_ =	shalt  }
0x6a: {  	_ =	shalt  }
0x6b: {  	_ =	shalt  }
0x6c: {  	_ =	shalt  }
0x6d: {  	_ =	shalt  }
0x6e: {  	_ =	shalt  }
0x6f: {  	_ =	shalt  }
0x70: {  	_ =	shalt  }
0x71: {  	_ =	shalt  }
0x72: {  	_ =	shalt  }
0x73: {  	_ =	shalt  }
0x74: {  	_ =	shalt  }
0x75: {  	_ =	shalt  }
0x76: {  	_ =	shalt  }
0x77: {  	_ =	shalt  }
0x78: {  	_ =	shalt  }
0x79: {  	_ =	shalt  }
0x7a: {  	_ =	shalt  }
0x7b: {  	_ =	shalt  }
0x7c: {  	_ =	shalt  }
0x7d: {  	_ =	shalt  }
0x7e: {  	_ =	shalt  }
0x7f: {  	_ =	shalt  }
0x80: {  	_ =	shalt  }
0x81: {  	_ =	shalt  }
0x82: {  	_ =	shalt  }
0x83: {  	_ =	shalt  }
0x84: {  	_ =	shalt  }
0x85: {  	_ =	shalt  }
0x86: {  	_ =	shalt  }
0x87: {  	_ =	shalt  }
.Lfunc_end0:
.L_simem_size_0:
called_computation_lowered:
.L_overlay_start_0:
0x88: {  	s2 =	sld [smem:$0x3FD9]  }
0x89: {  	s3 =	sld [smem:$0x3FFE];
	_ =	sdelay $0x1  }
0x8a: {  	s1 =	srdreg.scid  }
0x8b: {  	s0 =	sand.u32 $0x1, s1  }
0x8c: {  	s17 =	sshll.u32 s0, $0xA;
	s2 =	sadd.s32 s3, s2  }
0x8d: {  	s2 =	sadd.s32 s2, s17  }
0x8e: {  	[smem:$0x3FC2] =	sst s2  }
0x8f: {  	_ = 	snop  }
0x90: {  	s2 =	sld [smem:$0x3FD0];
	(tm) =	ssettm $0x1  }
0x91: {  	s18 =	sld [smem:$0x3FFB];
	_ =	sdelay $0x3  }
0x92: {  	_ =	strace s18  }
0x93: {  	s3 =	sld [smem:$0x3FFC];
	_ =	sdelay $0x3  }
0x94: {  	_ =	strace s3  }
0x95: {  	s3 =	sld [smem:$0x3FFD];
	_ =	sdelay $0x3  }
0x96: {  	_ =	strace s3  }
0x97: {  	_ =	strace $0x8FFFFFFF  }
0x98: {  	s19 =	sld [smem:$0x3FDB];
	_ =	sdelay $0x1  }
0x99: {  	s4 =	simm.s32 $_scs_section_size  }
0x9a: {  	s5 =	simm.s32 $_size__tile_overlayer_lowered;
	s6 =	simm.s32 $_tile_overlayer_lowered  }
0x9b: {  	s22 =	simm.s32 $0x1BFF;
	s21 =	sshll.u32 s6, $0x1;
	s3 =	sadd.s32 s4, s19  }
0x9c: {  	s7 =	simm.s32 $0x0;
	s20 =	sshll.u32 s5, $0x1;
	s5 =	sadd.s32 s21, s3  }
0x9d: {  	[timem:s7], [sflag:s22] =	dma.local [hbm:s5], s20  }
0x9e: {  	_ =	swait.ge [sflag:s22], s20  }
0x9f: {  	s4 =	ssub.s32 $0x0, s20;
	[sflag:s22] =	ssyncset.done $0x0  }
0xa0: {  	[sflag:s22] =	ssyncadd.s32 s4;
	_ =	sdelay $0x1  }
0xa1: {  	s23 =	simm.s32 $0x1B8B  }
0xa2: {  	_ =	swait.ge [sflag:s23], $0x1  }
0xa3: {  	[sflag:s23] =	ssyncset.done $0x0  }
0xa4: {  	s25 =	simm.s32 $0x1B8E;
	s24 =	sld [smem:$0x3FFE];
	[sflag:s23] =	ssyncadd.s32 $0xFFFFFFFF  }
0xa5: {  	s26 =	simm.s32 $execute0_lowered;
	[smem:$0x3FD2] =	sst s25  }
0xa6: {  	s5 =	sshll.u32 s26, $0x1;
	_ =	strace $0x80000046;
	[dreg:$0x1] =	wrdreg $0xFFFFFFFF  }
0xa7: {  	s28 =	simm.s32 $_size_execute0_lowered;
	s3 =	sadd.s32 s3, s5;
	[dreg:$0x0] =	wrdreg $0x0  }
0xa8: {  	s5 =	sshll.u32 s28, $0x1;
	[dreg:$0x2] =	wrdreg s3  }
0xa9: {  	[dreg:$0x3] =	wrdreg s5  }
0xaa: {  	[dreg:$0x4] =	wrdreg $0xC0  }
0xab: {  	_ =	task [dreg:s7], $0x5FFFF  }
0xac: {  	[dreg:$0x1] =	wrdreg $0xFFFFFFFF  }
0xad: {  	[dreg:$0x0] =	wrdreg $0x60  }
0xae: {  	[dreg:$0x2] =	wrdreg s24  }
0xaf: {  	[dreg:$0x3] =	wrdreg s2  }
0xb0: {  	[dreg:$0x4] =	wrdreg $0x35000  }
0xb1: {  	[dreg:$0x5] =	wrdreg $0x9  }
0xb2: {  	_ =	task.clear_ibuf [dreg:s7], $0x6FFFF;
	_ =	strace $0x90000046  }
0xb3: {  	s29 =	simm.s32 $0x9;
	_ =	strace $0x80000048  }
0xb4: {  	_ =	swait.ge [sflag:s29], $0x1  }
0xb5: {  	[sflag:s29] =	ssyncadd.s32 $0xFFFFFFFF  }
0xb6: {  	_ =	strace $0x90000048  }
0xb7: {  	_ =	sfence  }
0xb8: {  	s30 =	sld [smem:$0x0];
	_ =	sdelay $0x2  }
0xb9: {  	s31 =	sshll.u32 s1, $0xD;
	s1 =	sshrl.u32 s1, $0x2  }
0xba: {  	s3 =	sand.u32 $0x4000, s31;
	s1 =	sadd.s32 s1, s30  }
0xbb: {  	s0 =	sor.u32 s3, s0;
	s1 =	sshll.u32 s1, $0x11  }
0xbc: {  	s0 =	sor.u32 s1, s0  }
0xbd: {  	s0 =	sadd.s32 $0x8F2B, s0  }
0xbe: {  	[sflag:s0] =	ssyncadd.remote.s32 $0x1  }
0xbf: {  	_ =	sfence.sel $0xFFFF  }
0xc0: {  	[dreg:$0x0] =	wrdreg $0xFFFFFFFF;
	(pc) =	sbr.abs _section_cstart, $3  }
0xc1: {  	[dreg:$0x1] =	wrdreg $0xFFFFFFFF  }
0xc2: {  	_ =	task.clear_ibuf [dreg:s7], $0x2FFFF;
	_ =	strace $0x9FFFFFFF  }
0xc3: {  	(tm) =	ssettm $0x7FFFFFFF  }
tec
execute0_lowered:
.L_overlay_start_1:
0x0: {  	(tag) =	ssettag $0x1  }
0x1: {  	s5 =	rddreg [dreg:$0x0]  }
0x2: {  	s8 =	rddreg [dreg:$0x1]  }
0x3: {  	s1 =	srdreg.scid;
	s0 =	stileid.u32  }
0x4: {  	s2 =	rddreg [dreg:$0x2];
	s3 =	simm.s32 $0x0;
	s13 =	simm.s32 $0x64  }
0x5: {  	s14 =	simm.s32 $0x1;
	s15 =	simm.s32 $0x2;
	s16 =	simm.s32 $0x3  }
0x6: {  	s17 =	simm.s32 $0x4;
	s18 =	simm.s32 $0x80;
	s19 =	simm.s32 $0x100  }
0x7: {  	s20 =	simm.s32 $0x0;
	s6 =	sand.u32 $0x1, s1;
	s1 =	rddreg [dreg:$0x3]  }
0x8: {  	s4 =	sshll.u32 s0, $0x1;
	[smem:$0x7FF] =	sst s3;
	s9 =	smul.u32 $0x500, s0  }
0x9: {  	s11 =	smul.u32 $0xA00, s0;
	s4 =	sor.u32 s6, s4;
	_ =	strace $0x80000047  }
0xa: {  	s10 =	ssub.s32 $0x2, s6;
	s6 =	sshll.u32 s6, $0x7;
	s4 =	smul.u32 $0x640, s4  }
0xb: {  	s12 =	sshrl.u32 s10, $0x1;
	s6 =	sor.u32 s6, s9;
	s30 =	sshrl.u32 s11, $0x2  }
0xc: {  	s11 =	simm.s32 $0x5;
	s29 =	ssub.s32 s10, s12;
	s31 =	sshrl.u32 s6, $0x3  }
0xd: {  	s10 =	simm.s32 $0x3200;
	s12 =	simm.s32 $0x3280;
	s7 =	sadd.s32 s4, s5  }
0xe: {  	s4 =	sadd.s32 $0xE400, s5;
	s5 =	sadd.s32 $0xE600, s5;
	s8 =	sadd.s32 s8, s31  }
0xf: {  	s9 =	smax.u32 s29, $0x1;
	s6 =	sadd.s32 $0x1C00, s7;
	s7 =	sadd.s32 s30, s2  }
.LBB2_1:
0x10: {  	[tilespmem:s10], [sflag:$0x5] =	stream.linear.gather [hbm4b:s4+s3], $0x80, $0x38;
	[tilespmem:$0x3780] =	vst v63  }
0x11: {  	_ =	swait.ge [sflag:s11], $0x80  }
0x12: {  	[sflag:s11] =	ssyncset.done $0x0  }
0x13: {  	[sflag:s11] =	ssyncadd.s32 $0xFFFFFF80  }
0x14: {  	[tilespmem:s12], [sflag:$0x5] =	stream.linear.gather [hbm4b:s5+s3], $0x280, $0x38;
	[tilespmem:$0x3780] =	vst v63  }
0x15: {  	_ =	swait.ge [sflag:s11], $0x280  }
0x16: {  	[sflag:s11] =	ssyncset.done $0x0  }
0x17: {  	[sflag:s11] =	ssyncadd.s32 $0xFFFFFD80  }
0x18: {  	[tilespmem:s3], [sflag:$0x5] =	stream.linear.gather [hbm4b:s6+s3], $0x3200, $0x38;
	[tilespmem:$0x3780] =	vst v63  }
0x19: {  	_ =	swait.ge [sflag:s11], $0x3200  }
0x1a: {  	[sflag:s11] =	ssyncset.done $0x0  }
0x1b: {  	[sflag:s11] =	ssyncadd.s32 $0xFFFFCE00  }
0x1c: {  	[spmem:s7] =	stream.linear.scatter [tilespmem:s12], [sflag:$0x5], $0x280, $0x38;
	[tilespmem:$0x3780] =	vst v63  }
0x1d: {  	_ =	swait.ge [sflag:s11], $0x280  }
0x1e: {  	[sflag:s11] =	ssyncset.done $0x0  }
0x1f: {  	[sflag:s11] =	ssyncadd.s32 $0xFFFFFD80  }
0x20: {  	s21 =	simm.s32 $0x0;
	[bflag:$0x0] =	sbarrier.arrive $0xFFFF  }
0x21: {  	[spmem:s2] =	stream.indirect.scatter.add.f32 [tilespmem:s10], [sflag:$0x1], $0x1, s21, s13, $0xb8;
	[tilespmem:$0x3780] =	vst v63  }
0x22: {  	s29 =	simm.s32 $0x80  }
0x23: {  	[spmem:s2] =	stream.indirect.scatter.add.f32 [tilespmem:s10], [sflag:$0x2], $0x1, s29, s13, $0xb8;
	[tilespmem:$0x3780] =	vst v63  }
0x24: {  	s30 =	simm.s32 $0x100  }
0x25: {  	[spmem:s2] =	stream.indirect.scatter.add.f32 [tilespmem:s10], [sflag:$0x3], $0x1, s30, s13, $0xb8;
	[tilespmem:$0x3780] =	vst v63  }
0x26: {  	s31 =	simm.s32 $0x180  }
0x27: {  	[spmem:s2] =	stream.indirect.scatter.add.f32 [tilespmem:s10], [sflag:$0x4], $0x1, s31, s13, $0xb8;
	[tilespmem:$0x3780] =	vst v63  }
0x28: {  	_ =	swait.ge [sflag:s14], $0x64  }
0x29: {  	[sflag:s14] =	ssyncset.done $0x0  }
0x2a: {  	[sflag:s14] =	ssyncadd.s32 $0xFFFFFF9C  }
0x2b: {  	_ =	swait.ge [sflag:s15], $0x64  }
0x2c: {  	[sflag:s15] =	ssyncset.done $0x0  }
0x2d: {  	[sflag:s15] =	ssyncadd.s32 $0xFFFFFF9C  }
0x2e: {  	_ =	swait.ge [sflag:s16], $0x64  }
0x2f: {  	[sflag:s16] =	ssyncset.done $0x0  }
0x30: {  	[sflag:s16] =	ssyncadd.s32 $0xFFFFFF9C  }
0x31: {  	_ =	swait.ge [sflag:s17], $0x64  }
0x32: {  	s22 =	simm.s32 $0x1000;
	s21 =	simm.s32 $0x800;
	[sflag:s17] =	ssyncset.done $0x0  }
.LBB2_2:
0x33: {  	s23 =	sshra.s32 s21, $0x2  }
0x34: {  	[sflag:s17] =	ssyncadd.s32 $0xFFFFFF9C;
	s21 =	smov.u32 s22;
	s24 =	sadd.s32 $0x800, s22  }
0x35: {  	[spmem:s2] =	stream.indirect.scatter.add.f32 [tilespmem:s10], [sflag:$0x1], $0x1, s23, s13, $0xb8;
	[tilespmem:$0x3780] =	vst v63  }
0x36: {  	p0 =	sne.s32 s22, $0xC000;
	s22 =	sadd.s32 $0x80, s23  }
0x37: {  	[spmem:s2] =	stream.indirect.scatter.add.f32 [tilespmem:s10], [sflag:$0x2], $0x1, s22, s13, $0xb8;
	[tilespmem:$0x3780] =	vst v63  }
0x38: {  	s22 =	sadd.s32 $0x100, s23  }
0x39: {  	[spmem:s2] =	stream.indirect.scatter.add.f32 [tilespmem:s10], [sflag:$0x3], $0x1, s22, s13, $0xb8;
	[tilespmem:$0x3780] =	vst v63  }
0x3a: {  	s22 =	sadd.s32 $0x180, s23  }
0x3b: {  	[spmem:s2] =	stream.indirect.scatter.add.f32 [tilespmem:s10], [sflag:$0x4], $0x1, s22, s13, $0xb8;
	[tilespmem:$0x3780] =	vst v63  }
0x3c: {  	_ =	swait.ge [sflag:s14], $0x64  }
0x3d: {  	[sflag:s14] =	ssyncset.done $0x0  }
0x3e: {  	[sflag:s14] =	ssyncadd.s32 $0xFFFFFF9C  }
0x3f: {  	_ =	swait.ge [sflag:s15], $0x64  }
0x40: {  	[sflag:s15] =	ssyncset.done $0x0  }
0x41: {  	[sflag:s15] =	ssyncadd.s32 $0xFFFFFF9C  }
.Ltmp0:
0x42: {  	_ =	swait.ge [sflag:s16], $0x64;
	(pc) =	sbr.rel @p0 .LBB2_2-.Ltmp0, $4  }
0x43: {  	[sflag:s16] =	ssyncset.done $0x0  }
0x44: {  	[sflag:s16] =	ssyncadd.s32 $0xFFFFFF9C  }
0x45: {  	_ =	swait.ge [sflag:s17], $0x64  }
0x46: {  	s22 =	smov.u32 s24;
	[sflag:s17] =	ssyncset.done $0x0  }
0x47: {  	s21 =	sshra.s32 s21, $0x2;
	[sflag:s17] =	ssyncadd.s32 $0xFFFFFF9C  }
0x48: {  	[spmem:s2] =	stream.indirect.scatter.add.f32 [tilespmem:s10], [sflag:$0x1], $0x1, s21, s13, $0xb8;
	[tilespmem:$0x3780] =	vst v63  }
0x49: {  	s22 =	sadd.s32 $0x80, s21  }
0x4a: {  	[spmem:s2] =	stream.indirect.scatter.add.f32 [tilespmem:s10], [sflag:$0x2], $0x1, s22, s13, $0xb8;
	[tilespmem:$0x3780] =	vst v63  }
0x4b: {  	s31 =	sadd.s32 $0x100, s21  }
0x4c: {  	[spmem:s2] =	stream.indirect.scatter.add.f32 [tilespmem:s10], [sflag:$0x3], $0x1, s31, s13, $0xb8;
	[tilespmem:$0x3780] =	vst v63  }
0x4d: {  	s21 =	sadd.s32 $0x180, s21  }
0x4e: {  	[spmem:s2] =	stream.indirect.scatter.add.f32 [tilespmem:s10], [sflag:$0x4], $0x1, s21, s13, $0xb8;
	[tilespmem:$0x3780] =	vst v63  }
0x4f: {  	_ =	swait.ge [sflag:s14], $0x64  }
0x50: {  	[sflag:s14] =	ssyncset.done $0x0  }
0x51: {  	[sflag:s14] =	ssyncadd.s32 $0xFFFFFF9C  }
0x52: {  	_ =	swait.ge [sflag:s15], $0x64  }
0x53: {  	[sflag:s15] =	ssyncset.done $0x0  }
0x54: {  	[sflag:s15] =	ssyncadd.s32 $0xFFFFFF9C  }
0x55: {  	_ =	swait.ge [sflag:s16], $0x64  }
0x56: {  	[sflag:s16] =	ssyncset.done $0x0  }
0x57: {  	[sflag:s16] =	ssyncadd.s32 $0xFFFFFF9C  }
0x58: {  	_ =	swait.ge [sflag:s17], $0x64  }
0x59: {  	[sflag:s17] =	ssyncset.done $0x0  }
0x5a: {  	[sflag:s17] =	ssyncadd.s32 $0xFFFFFF9C  }
0x5b: {  	[bflag:$0x0] =	sbarrier.arrive $0xFFFF  }
0x5c: {  	[tilespmem:s12], [sflag:$0x5] =	stream.linear.gather [spmem:s7], $0x280, $0x38;
	[tilespmem:$0x3780] =	vst v63  }
0x5d: {  	s20 =	sadd.s32 $0x1, s20;
	_ =	swait.ge [sflag:s11], $0x280  }
0x5e: {  	p0 =	sne.s32 s20, s9;
	[sflag:s11] =	ssyncset.done $0x0  }
.Ltmp1:
0x5f: {  	[sflag:s11] =	ssyncadd.s32 $0xFFFFFD80;
	(pc) =	sbr.rel @p0 .LBB2_1-.Ltmp1, $4  }
0x60: {  	[hbm4b:s8+s18] =	stream.strided.scatter [tilespmem:s12], [sflag:$0x5], $0x280, s19, s18, $0x38;
	[tilespmem:$0x3780] =	vst v63  }
0x61: {  	_ =	swait.ge [sflag:s11], $0x280  }
0x62: {  	[sflag:s11] =	ssyncset.done $0x0  }
0x63: {  	[sflag:s11] =	ssyncadd.s32 $0xFFFFFD80  }
0x64: {  	_ =	sfence.sel $0x180000  }
0x65: {  	[bflag:$0x0] =	sbarrier.arrive $0xFFFF  }
0x66: {  	p0 =	sne.s32 s0, $0x0;
	_ =	strace $0x90000047  }
0x67: {  	s0 =	sadd.s32 @!p0 $0x100000, s1;
	[bflag:$0x2] =	sbarrier.arrive $0xFFFF  }
0x68: {  	[sflag:s0] =	ssyncadd.tile.s32 @!p0 $0x1;
	_ =	shalt  }
.Lfunc_end2:
_tile_overlayer_lowered:
.L_overlay_start_2:
0x69: {  	(tag) =	ssettag $0x2  }
0x6a: {  	s0 =	rddreg [dreg:$0x0];
	s2 =	stileid.u32  }
0x6b: {  	s1 =	rddreg [dreg:$0x1];
	p0 =	sne.s32 s2, $0x0  }
0x6c: {  	s3 =	rddreg [dreg:$0x2];
	[bflag:$0x3] =	sbarrier.arrive $0xFFFF;
	s2 =	simm.s32 @!p0 $0x1C05  }
0x6d: {  	[timem:s3], [sflag:s2] =	dma.local @!p0 [hbm:s0], s1  }
0x6e: {  	s0 =	simm.s32 @!p0 $0x5  }
0x6f: {  	_ =	swait.ge @!p0 [sflag:s0], s1  }
0x70: {  	s1 =	ssub.s32 @!p0 $0x0, s1;
	[sflag:s0] =	ssyncset.done @!p0 $0x0  }
0x71: {  	[sflag:s0] =	ssyncadd.s32 @!p0 s1  }
0x72: {  	[bflag:$0x3] =	sbarrier.arrive $0xFFFF  }
0x73: {  	_ =	shalt  }

</sc_bundles>
